<compile_context>
chip_gen: v7x
topology: tpu7x:2x2x1
jax: 0.10.2.dev20260603
libtpu: 0.0.44.dev20260713+nightly
codegen_flags: <defaults>
</compile_context>

<pallas_src>
import functools

import jax
import jax.numpy as jnp
from jax import lax
from jax.experimental import pallas as pl
from jax.experimental.pallas import tpu as pltpu
from jax.experimental.pallas import tpu_sc as plsc

T = 1024
B = 32
NS = 3
F = 512
DV = 128
LANES = 16

ROWS_PER_T = B * NS
NWORK = 32
T_PER_W = T // NWORK
ROWS_PER_W = T_PER_W * ROWS_PER_T


def _prep_body(vel_ref, ctrl_ref, table_ref, pe_ref):
    vel = vel_ref[...]
    ctrl = ctrl_ref[...]
    vn = jnp.max(jnp.abs(vel), axis=1, keepdims=True)
    cn = jnp.max(jnp.abs(ctrl), axis=1, keepdims=True)
    vscale = jnp.where(vn > 1.0, 1.0 / vn, 1.0)
    cscale = jnp.where(cn > 127.0, 127.0 / cn, 1.0)
    table_ref[0:DV, :] = vel * (2.0 * vscale)
    table_ref[DV:2 * DV, :] = ctrl * (2.0 * cscale)
    trow = lax.broadcasted_iota(jnp.int32, (T, F), 0)
    t_id = ((trow % T_PER_W) * NWORK + trow // T_PER_W).astype(jnp.float32)
    j = lax.broadcasted_iota(jnp.int32, (T, F), 1)
    jeven = j - (j % 2)
    ang = t_id * jnp.exp(jeven.astype(jnp.float32) * (-4.0 / F))
    pe = jnp.where(j % 2 == 0, jnp.sin(ang), jnp.cos(ang))
    pe_ref[...] = 2.0 * pe


_prep = pl.pallas_call(
    _prep_body,
    out_shape=(
        jax.ShapeDtypeStruct((2 * DV, F), jnp.float32),
        jax.ShapeDtypeStruct((T, F), jnp.float32),
    ),
)


_sc_mesh = plsc.VectorSubcoreMesh(core_axis_name="c", subcore_axis_name="s")


@functools.partial(
    pl.kernel,
    out_type=jax.ShapeDtypeStruct((T * ROWS_PER_T, F), jnp.float32),
    mesh=_sc_mesh,
    scratch_types=[
        pltpu.VMEM((2, ROWS_PER_T, F), jnp.float32),
        pltpu.VMEM((T_PER_W, F), jnp.float32),
        pltpu.VMEM_SHARED((2 * DV, F), jnp.float32),
        pltpu.VMEM_SHARED((T * ROWS_PER_T,), jnp.int32),
        pltpu.SMEM((2, ROWS_PER_T), jnp.int32),
        pltpu.SemaphoreType.DMA,
        pltpu.SemaphoreType.DMA,
    ],
    compiler_params=pltpu.CompilerParams(use_tc_tiling_on_sc=True),
)
def _sc_main(x_hbm, table_hbm, pe_hbm, out_hbm, buf_v, pe_v, sh_table,
             sh_x, idx_s, gsem, osem):
    cid = lax.axis_index("c")
    sid = lax.axis_index("s")
    wid = sid * 2 + cid
    t0 = wid * T_PER_W

    @pl.when(sid == 0)
    def _():
        pltpu.sync_copy(table_hbm, sh_table)
        pltpu.sync_copy(x_hbm, sh_x)

    pltpu.sync_copy(pe_hbm.at[pl.ds(t0, T_PER_W)], pe_v)
    plsc.subcore_barrier()

    def gather_rows(tl, k):
        pltpu.sync_copy(
            sh_x.at[pl.ds((tl * NWORK + wid) * ROWS_PER_T, ROWS_PER_T)],
            idx_s.at[k])

        def per_row(r, carry):
            row = idx_s[k, r] + jnp.where(r % 3 == 0, 0, DV)
            pltpu.make_async_copy(
                sh_table.at[row], buf_v.at[k, r], gsem).start()
            return carry

        lax.fori_loop(0, ROWS_PER_T, per_row, 0, unroll=4)

    def gather_wait(k):
        pltpu.make_async_copy(
            table_hbm.at[pl.ds(0, ROWS_PER_T)], buf_v.at[k], gsem).wait()

    def scatter(tl, k):
        return pltpu.make_async_copy(
            buf_v.at[k],
            out_hbm.at[pl.ds((tl * NWORK + wid) * ROWS_PER_T, ROWS_PER_T)],
            osem)

    gather_rows(0, 0)

    def per_pair(i, carry):
        for k in range(2):
            tl = i * 2 + k
            gather_wait(k)

            pe_regs = [
                pe_v[tl, pl.ds(c * LANES, LANES)] for c in range(F // LANES)]

            def per_row(r, inner):
                for c in range(F // LANES):
                    plsc.addupdate(
                        buf_v.at[k, r, pl.ds(c * LANES, LANES)], pe_regs[c])
                return inner

            lax.fori_loop(0, ROWS_PER_T, per_row, 0, unroll=2)
            scatter(tl, k).start()

            @pl.when(tl < T_PER_W - 1)
            def _():
                @pl.when(tl >= 1)
                def _():
                    scatter(tl - 1, 1 - k).wait()

                gather_rows(tl + 1, 1 - k)
        return carry

    lax.fori_loop(0, T_PER_W // 2, per_pair, 0)
    scatter(T_PER_W - 2, 0).wait()
    scatter(T_PER_W - 1, 1).wait()


TT = 16


def _tc_out_body(x_ref, table_ref, pe_ref, out_ref):
    idx = x_ref[...]
    pos = lax.broadcasted_iota(jnp.int32, (TT * ROWS_PER_T, 2 * DV), 0)
    col = lax.broadcasted_iota(jnp.int32, (TT * ROWS_PER_T, 2 * DV), 1)
    tgt = idx + jnp.where(pos % 3 == 0, 0, DV)
    onehot = (col == tgt).astype(jnp.float32)
    rows = jax.lax.dot_general(
        onehot, table_ref[...], (((1,), (0,)), ((), ())),
        preferred_element_type=jnp.float32)
    out_ref[...] = (rows.reshape(TT, ROWS_PER_T, F)
                    + pe_ref[...][:, None, :])


_tc_out = pl.pallas_call(
    _tc_out_body,
    grid=(T // TT,),
    in_specs=[
        pl.BlockSpec((TT * ROWS_PER_T, 1), lambda i: (i, 0)),
        pl.BlockSpec((2 * DV, F), lambda i: (0, 0)),
        pl.BlockSpec((TT, F), lambda i: (i, 0)),
    ],
    out_specs=pl.BlockSpec((TT, ROWS_PER_T, F), lambda i: (i, 0, 0)),
    out_shape=jax.ShapeDtypeStruct((T, ROWS_PER_T, F), jnp.float32),
)


def kernel(x, vel_table, ctrl_table):
    table2, pe2 = _prep(vel_table, ctrl_table)
    xf = x.astype(jnp.int32).reshape(T * B * NS)
    out = _sc_main(xf, table2, pe2)
    return out.reshape(T, B, NS, F)

# --- scband reference (transcript-rebuilt; emitter-appended) ---
"""Pipeline reference for scband-full-embedding-2808908612274 (READ-ONLY COPY).

The authoritative reference and input builder live on the scoring server;
editing this copy changes nothing except your own understanding.
"""

import jax, jax.numpy as jnp
import numpy as np

T = 1024   # Setting.TIME_WINDOW_SIZE
B = 32     # batch
NV = 1     # velocity slots (MidiTensor.sliceVelocity width)
NC = 2     # control slots (MidiTensor.sliceControl width)
F = 512    # Setting.FEATURE_SIZE
DV = 128   # EmbeddingSetting.DICTIONARY_VELOCITY
DC = 128   # EmbeddingSetting.DICTIONARY_CONTROL


def _pos_encoder():
    # PositionEmbedding.__init__: sinusoidal PE buffer of shape [T, 1, F]
    position = jnp.arange(T, dtype=jnp.float32)[:, None]
    normaliser = jnp.exp(jnp.arange(0, F, 2, dtype=jnp.float32) * (-4.0 / F))
    ang = position * normaliser  # [T, F//2]
    pe = jnp.zeros((T, F), dtype=jnp.float32)
    pe = pe.at[:, 0::2].set(jnp.sin(ang))
    pe = pe.at[:, 1::2].set(jnp.cos(ang))
    return pe  # [T, F]; torch buffer is [T,1,F], broadcast handled at use site


def _renorm_lookup(table, idx, max_norm):
    # torch.nn.Embedding with max_norm=<m>, norm_type=inf: looked-up rows are
    # renormalized so that their inf-norm does not exceed max_norm.
    emb = jnp.take(table, idx, axis=0)
    norms = jnp.max(jnp.abs(emb), axis=-1, keepdims=True)
    scale = jnp.where(norms > max_norm, max_norm / norms, jnp.ones_like(norms))
    return emb * scale


def setup_inputs(seed: int = 0) -> dict:
    key = jax.random.key(seed)
    k1, k2, k3 = jax.random.split(key, 3)
    x = jax.random.randint(k1, (T, B, NV + NC), 0, DV)  # int token ids, valid for both dicts
    vel_table = jax.random.normal(k2, (DV, F), dtype=jnp.float32)
    ctrl_table = jax.random.normal(k3, (DC, F), dtype=jnp.float32)
    return {"x": x, "vel_table": vel_table, "ctrl_table": ctrl_table}


def reference(x, vel_table, ctrl_table):
    # TimeStepEmbedding.forward
    vel_emb = _renorm_lookup(vel_table, x[:, :, 0:NV], 1.0)       # [T,B,NV,F]
    ctrl_emb = _renorm_lookup(ctrl_table, x[:, :, NV:NV + NC], 127.0)  # [T,B,NC,F]
    tse = jnp.concatenate((vel_emb, ctrl_emb), axis=2)            # [T,B,NV+NC,F]
    # PositionEmbedding.forward mutates its input in-place (x[:, bat] += pe),
    # so after the call time_step_emb == tse + pe as well. Dropouts are identity in eval.
    pe = _pos_encoder()[:, None, None, :]                          # [T,1,1,F]
    pe_added = tse + pe
    pos_emb = pe_added  # Dropout(p) in eval mode is identity
    # FullEmbedding.forward: Zeroing(time_step_emb + pos_emb) with mutated time_step_emb
    return pe_added + pos_emb  # == 2 * (tse + pe)

if __name__ == "__main__":
    import jax
    _d = setup_inputs()
    print(jax.jit(kernel)(*tuple(_d.values())))

</pallas_src>

<mosaic_0001>
#map = affine_map<(d0, d1) -> (0)>
#map1 = affine_map<(d0, d1) -> (0, 0)>
module attributes {stable_mosaic.version = 14 : i64} {
  func.func @_sc_main(%arg0: i32, %arg1: i32, %arg2: memref<98304xi32, #tpu.memory_space<hbm>>, %arg3: memref<256x512xf32, #tpu.memory_space<hbm>>, %arg4: memref<1024x512xf32, #tpu.memory_space<hbm>>, %arg5: memref<98304x512xf32, #tpu.memory_space<hbm>>, %arg6: memref<2x96x512xf32, #tpu.memory_space<vmem>>, %arg7: memref<32x512xf32, #tpu.memory_space<vmem>>, %arg8: memref<256x512xf32, #tpu.memory_space<vmem_shared>>, %arg9: memref<98304xi32, #tpu.memory_space<vmem_shared>>, %arg10: memref<2x96xi32, #tpu.memory_space<smem>>, %arg11: memref<!tpu.dma_semaphore, #tpu.memory_space<semaphore_mem>>, %arg12: memref<!tpu.dma_semaphore, #tpu.memory_space<semaphore_mem>>) attributes {dimension_semantics = [#tpu.dimension_semantics<core_parallel>, #tpu.dimension_semantics<subcore_parallel>], iteration_bounds = array<i64: 2, 16>, scalar_prefetch = 0 : i64, scratch_operands = 7 : i64, tpu.core_type = #tpu.core_type<sc_vector_subcore>, window_params = [{transform_indices = #map}, {transform_indices = #map1}, {transform_indices = #map1}, {transform_indices = #map1}]} {
    %mul3A = arith.constant 2 : i32
    %mul3A_0 = arith.muli %arg1, %mul3A : i32
    %add3A = arith.addi %mul3A_0, %arg0 : i32
    %mul3A_1 = arith.constant 32 : i32
    %mul3A_2 = arith.muli %add3A, %mul3A_1 : i32
    %eq3A = arith.constant 0 : i32
    %eq3A_3 = arith.cmpi eq, %arg1, %eq3A : i32
    %convert_element_type3A = arith.extui %eq3A_3 : i1 to i32
    %cond3A = arith.constant 0 : i32
    %cond3A_4 = arith.cmpi ne, %convert_element_type3A, %cond3A : i32
    scf.if %cond3A_4 {
      "tpu.region"() ({
        %run_scoped3A_53 = tpu.sem_alloc : memref<!tpu.dma_semaphore, #tpu.memory_space<semaphore_mem>>
        tpu.enqueue_dma source(%arg3 : memref<256x512xf32, #tpu.memory_space<hbm>>) target(%arg8 : memref<256x512xf32, #tpu.memory_space<vmem_shared>>) target_semaphore(%run_scoped3A_53 : memref<!tpu.dma_semaphore, #tpu.memory_space<semaphore_mem>>)
        tpu.wait_dma2 semaphore(%run_scoped3A_53 : memref<!tpu.dma_semaphore, #tpu.memory_space<semaphore_mem>>) src(%arg3 : memref<256x512xf32, #tpu.memory_space<hbm>>) dst(%arg8 : memref<256x512xf32, #tpu.memory_space<vmem_shared>>)
        tpu.yield
      }) : () -> ()
      "tpu.region"() ({
        %run_scoped3A_53 = tpu.sem_alloc : memref<!tpu.dma_semaphore, #tpu.memory_space<semaphore_mem>>
        tpu.enqueue_dma source(%arg2 : memref<98304xi32, #tpu.memory_space<hbm>>) target(%arg9 : memref<98304xi32, #tpu.memory_space<vmem_shared>>) target_semaphore(%run_scoped3A_53 : memref<!tpu.dma_semaphore, #tpu.memory_space<semaphore_mem>>)
        tpu.wait_dma2 semaphore(%run_scoped3A_53 : memref<!tpu.dma_semaphore, #tpu.memory_space<semaphore_mem>>) src(%arg2 : memref<98304xi32, #tpu.memory_space<hbm>>) dst(%arg9 : memref<98304xi32, #tpu.memory_space<vmem_shared>>)
        tpu.yield
      }) : () -> ()
    } else {
    }
    "tpu.region"() ({
      %run_scoped3A_53 = tpu.sem_alloc : memref<!tpu.dma_semaphore, #tpu.memory_space<semaphore_mem>>
      %dma_start3A = arith.constant 0 : i32
      %dma_start3A_54 = tpu.memref_slice %arg4[%mul3A_2, %dma_start3A] : memref<1024x512xf32, #tpu.memory_space<hbm>> -> memref<32x512xf32, #tpu.memory_space<hbm>>
      %dma_start3A_55 = arith.constant 0 : i32
      %dma_start3A_56 = tpu.memref_slice %arg4[%mul3A_2, %dma_start3A_55] : memref<1024x512xf32, #tpu.memory_space<hbm>> -> memref<32x512xf32, #tpu.memory_space<hbm>>
      tpu.enqueue_dma source(%dma_start3A_56 : memref<32x512xf32, #tpu.memory_space<hbm>>) target(%arg7 : memref<32x512xf32, #tpu.memory_space<vmem>>) target_semaphore(%run_scoped3A_53 : memref<!tpu.dma_semaphore, #tpu.memory_space<semaphore_mem>>)
      %dma_wait3A_57 = arith.constant 0 : i32
      %dma_wait3A_58 = tpu.memref_slice %arg4[%mul3A_2, %dma_wait3A_57] : memref<1024x512xf32, #tpu.memory_space<hbm>> -> memref<32x512xf32, #tpu.memory_space<hbm>>
      %dma_wait3A_59 = arith.constant 0 : i32
      %dma_wait3A_60 = tpu.memref_slice %arg4[%mul3A_2, %dma_wait3A_59] : memref<1024x512xf32, #tpu.memory_space<hbm>> -> memref<32x512xf32, #tpu.memory_space<hbm>>
      tpu.wait_dma2 semaphore(%run_scoped3A_53 : memref<!tpu.dma_semaphore, #tpu.memory_space<semaphore_mem>>) src(%dma_wait3A_60 : memref<32x512xf32, #tpu.memory_space<hbm>>) dst(%arg7 : memref<32x512xf32, #tpu.memory_space<vmem>>)
      tpu.yield
    }) : () -> ()
    %barrier3A = arith.constant 0 : index
    tpu.barrier barrier_id(%barrier3A)
    %add3A_5 = arith.constant 0 : i32
    %add3A_6 = arith.addi %add3A_5, %add3A : i32
    %mul3A_7 = arith.constant 96 : i32
    %mul3A_8 = arith.muli %add3A_6, %mul3A_7 : i32
    %run_scoped3A = arith.constant 0 : i32
    "tpu.region"() ({
      %run_scoped3A_53 = tpu.sem_alloc : memref<!tpu.dma_semaphore, #tpu.memory_space<semaphore_mem>>
      %dma_start3A = arith.constant 0 : i32
      %dma_start3A_54 = tpu.memref_slice %arg10[%run_scoped3A, %dma_start3A] : memref<2x96xi32, #tpu.memory_space<smem>> -> memref<1x96xi32, #tpu.memory_space<smem>>
      %dma_start3A_55 = tpu.memref_squeeze %dma_start3A_54 : memref<1x96xi32, #tpu.memory_space<smem>> -> memref<96xi32, #tpu.memory_space<smem>>
      %dma_start3A_56 = tpu.memref_slice %arg9[%mul3A_8] : memref<98304xi32, #tpu.memory_space<vmem_shared>> -> memref<96xi32, #tpu.memory_space<vmem_shared>>
      tpu.enqueue_dma source(%dma_start3A_56 : memref<96xi32, #tpu.memory_space<vmem_shared>>) target(%dma_start3A_55 : memref<96xi32, #tpu.memory_space<smem>>) target_semaphore(%run_scoped3A_53 : memref<!tpu.dma_semaphore, #tpu.memory_space<semaphore_mem>>)
      %dma_wait3A_57 = arith.constant 0 : i32
      %dma_wait3A_58 = tpu.memref_slice %arg10[%run_scoped3A, %dma_wait3A_57] : memref<2x96xi32, #tpu.memory_space<smem>> -> memref<1x96xi32, #tpu.memory_space<smem>>
      %dma_wait3A_59 = tpu.memref_squeeze %dma_wait3A_58 : memref<1x96xi32, #tpu.memory_space<smem>> -> memref<96xi32, #tpu.memory_space<smem>>
      %dma_wait3A_60 = tpu.memref_slice %arg9[%mul3A_8] : memref<98304xi32, #tpu.memory_space<vmem_shared>> -> memref<96xi32, #tpu.memory_space<vmem_shared>>
      tpu.wait_dma2 semaphore(%run_scoped3A_53 : memref<!tpu.dma_semaphore, #tpu.memory_space<semaphore_mem>>) src(%dma_wait3A_60 : memref<96xi32, #tpu.memory_space<vmem_shared>>) dst(%dma_wait3A_59 : memref<96xi32, #tpu.memory_space<smem>>)
      tpu.yield
    }) : () -> ()
    %scan3A = arith.constant 0 : i32
    %scan3A_9 = arith.constant 0 : i32
    %scan3A_10 = arith.constant 96 : i32
    %scan3A_11 = arith.addi %scan3A_9, %scan3A_10 : i32
    %scan3A_12 = arith.constant 4 : i32
    scf.for %scan3A_53 = %scan3A_9 to %scan3A_11 step %scan3A_12  : i32 {
      %get3A = arith.constant 0 : i32
      %get3A_54 = arith.index_cast %get3A : i32 to index
      %get3A_55 = arith.index_cast %scan3A_53 : i32 to index
      %get3A_56 = memref.load %arg10[%get3A_54, %get3A_55] : memref<2x96xi32, #tpu.memory_space<smem>>
      %jit3A = arith.constant 3 : i32
      %eq3A_57 = arith.constant 0 : i32
      %eq3A_58 = arith.cmpi eq, %jit3A, %eq3A_57 : i32
      %jit3A_59 = arith.constant 1 : i32
      %select_n3A = arith.select %eq3A_58, %jit3A_59, %jit3A : i32
      %rem3A = arith.remsi %scan3A_53, %select_n3A : i32
      %ne3A = arith.constant 0 : i32
      %ne3A_60 = arith.cmpi ne, %rem3A, %ne3A : i32
      %lt3A = arith.constant 0 : i32
      %lt3A_61 = arith.cmpi slt, %rem3A, %lt3A : i32
      %lt3A_62 = arith.constant 0 : i32
      %lt3A_63 = arith.cmpi slt, %select_n3A, %lt3A_62 : i32
      %ne3A_64 = arith.xori %lt3A_61, %lt3A_63 : i1
      %and3A = arith.andi %ne3A_64, %ne3A_60 : i1
      %add3A_65 = arith.addi %rem3A, %select_n3A : i32
      %select_n3A_66 = arith.select %and3A, %add3A_65, %rem3A : i32
      %eq3A_67 = arith.constant 0 : i32
      %eq3A_68 = arith.cmpi eq, %select_n3A_66, %eq3A_67 : i32
      %jit3A_69 = arith.constant 0 : i32
      %jit3A_70 = arith.constant 128 : i32
      %select_n3A_71 = arith.select %eq3A_68, %jit3A_69, %jit3A_70 : i32
      %add3A_72 = arith.addi %get3A_56, %select_n3A_71 : i32
      %dma_start3A = arith.constant 0 : i32
      %dma_start3A_73 = arith.constant 0 : i32
      %dma_start3A_74 = tpu.memref_slice %arg6[%dma_start3A, %scan3A_53, %dma_start3A_73] : memref<2x96x512xf32, #tpu.memory_space<vmem>> -> memref<1x1x512xf32, #tpu.memory_space<vmem>>
      %dma_start3A_75 = tpu.memref_squeeze %dma_start3A_74 : memref<1x1x512xf32, #tpu.memory_space<vmem>> -> memref<512xf32, #tpu.memory_space<vmem>>
      %dma_start3A_76 = arith.constant 0 : i32
      %dma_start3A_77 = tpu.memref_slice %arg8[%add3A_72, %dma_start3A_76] : memref<256x512xf32, #tpu.memory_space<vmem_shared>> -> memref<1x512xf32, #tpu.memory_space<vmem_shared>>
      %dma_start3A_78 = tpu.memref_squeeze %dma_start3A_77 : memref<1x512xf32, #tpu.memory_space<vmem_shared>> -> memref<512xf32, #tpu.memory_space<vmem_shared>>
      %dma_start3A_79 = arith.constant 0 : i32
      %dma_start3A_80 = tpu.memref_slice %arg6[%dma_start3A, %scan3A_53, %dma_start3A_79] : memref<2x96x512xf32, #tpu.memory_space<vmem>> -> memref<1x1x512xf32, #tpu.memory_space<vmem>>
      %dma_start3A_81 = tpu.memref_squeeze %dma_start3A_80 : memref<1x1x512xf32, #tpu.memory_space<vmem>> -> memref<512xf32, #tpu.memory_space<vmem>>
      %dma_start3A_82 = arith.constant 0 : i32
      %dma_start3A_83 = tpu.memref_slice %arg8[%add3A_72, %dma_start3A_82] : memref<256x512xf32, #tpu.memory_space<vmem_shared>> -> memref<1x512xf32, #tpu.memory_space<vmem_shared>>
      %dma_start3A_84 = tpu.memref_squeeze %dma_start3A_83 : memref<1x512xf32, #tpu.memory_space<vmem_shared>> -> memref<512xf32, #tpu.memory_space<vmem_shared>>
      tpu.enqueue_dma source(%dma_start3A_84 : memref<512xf32, #tpu.memory_space<vmem_shared>>) target(%dma_start3A_81 : memref<512xf32, #tpu.memory_space<vmem>>) target_semaphore(%arg11 : memref<!tpu.dma_semaphore, #tpu.memory_space<semaphore_mem>>)
      %scan3A_85 = arith.constant 1 : i32
      %scan3A_86 = arith.addi %scan3A_53, %scan3A_85 : i32
      %get3A_87 = arith.constant 0 : i32
      %get3A_88 = arith.index_cast %get3A_87 : i32 to index
      %get3A_89 = arith.index_cast %scan3A_86 : i32 to index
      %get3A_90 = memref.load %arg10[%get3A_88, %get3A_89] : memref<2x96xi32, #tpu.memory_space<smem>>
      %jit3A_91 = arith.constant 3 : i32
      %eq3A_92 = arith.constant 0 : i32
      %eq3A_93 = arith.cmpi eq, %jit3A_91, %eq3A_92 : i32
      %jit3A_94 = arith.constant 1 : i32
      %select_n3A_95 = arith.select %eq3A_93, %jit3A_94, %jit3A_91 : i32
      %rem3A_96 = arith.remsi %scan3A_86, %select_n3A_95 : i32
      %ne3A_97 = arith.constant 0 : i32
      %ne3A_98 = arith.cmpi ne, %rem3A_96, %ne3A_97 : i32
      %lt3A_99 = arith.constant 0 : i32
      %lt3A_100 = arith.cmpi slt, %rem3A_96, %lt3A_99 : i32
      %lt3A_101 = arith.constant 0 : i32
      %lt3A_102 = arith.cmpi slt, %select_n3A_95, %lt3A_101 : i32
      %ne3A_103 = arith.xori %lt3A_100, %lt3A_102 : i1
      %and3A_104 = arith.andi %ne3A_103, %ne3A_98 : i1
      %add3A_105 = arith.addi %rem3A_96, %select_n3A_95 : i32
      %select_n3A_106 = arith.select %and3A_104, %add3A_105, %rem3A_96 : i32
      %eq3A_107 = arith.constant 0 : i32
      %eq3A_108 = arith.cmpi eq, %select_n3A_106, %eq3A_107 : i32
      %jit3A_109 = arith.constant 0 : i32
      %jit3A_110 = arith.constant 128 : i32
      %select_n3A_111 = arith.select %eq3A_108, %jit3A_109, %jit3A_110 : i32
      %add3A_112 = arith.addi %get3A_90, %select_n3A_111 : i32
      %dma_start3A_113 = arith.constant 0 : i32
      %dma_start3A_114 = arith.constant 0 : i32
      %dma_start3A_115 = tpu.memref_slice %arg6[%dma_start3A_113, %scan3A_86, %dma_start3A_114] : memref<2x96x512xf32, #tpu.memory_space<vmem>> -> memref<1x1x512xf32, #tpu.memory_space<vmem>>
      %dma_start3A_116 = tpu.memref_squeeze %dma_start3A_115 : memref<1x1x512xf32, #tpu.memory_space<vmem>> -> memref<512xf32, #tpu.memory_space<vmem>>
      %dma_start3A_117 = arith.constant 0 : i32
      %dma_start3A_118 = tpu.memref_slice %arg8[%add3A_112, %dma_start3A_117] : memref<256x512xf32, #tpu.memory_space<vmem_shared>> -> memref<1x512xf32, #tpu.memory_space<vmem_shared>>
      %dma_start3A_119 = tpu.memref_squeeze %dma_start3A_118 : memref<1x512xf32, #tpu.memory_space<vmem_shared>> -> memref<512xf32, #tpu.memory_space<vmem_shared>>
      %dma_start3A_120 = arith.constant 0 : i32
      %dma_start3A_121 = tpu.memref_slice %arg6[%dma_start3A_113, %scan3A_86, %dma_start3A_120] : memref<2x96x512xf32, #tpu.memory_space<vmem>> -> memref<1x1x512xf32, #tpu.memory_space<vmem>>
      %dma_start3A_122 = tpu.memref_squeeze %dma_start3A_121 : memref<1x1x512xf32, #tpu.memory_space<vmem>> -> memref<512xf32, #tpu.memory_space<vmem>>
      %dma_start3A_123 = arith.constant 0 : i32
      %dma_start3A_124 = tpu.memref_slice %arg8[%add3A_112, %dma_start3A_123] : memref<256x512xf32, #tpu.memory_space<vmem_shared>> -> memref<1x512xf32, #tpu.memory_space<vmem_shared>>
      %dma_start3A_125 = tpu.memref_squeeze %dma_start3A_124 : memref<1x512xf32, #tpu.memory_space<vmem_shared>> -> memref<512xf32, #tpu.memory_space<vmem_shared>>
      tpu.enqueue_dma source(%dma_start3A_125 : memref<512xf32, #tpu.memory_space<vmem_shared>>) target(%dma_start3A_122 : memref<512xf32, #tpu.memory_space<vmem>>) target_semaphore(%arg11 : memref<!tpu.dma_semaphore, #tpu.memory_space<semaphore_mem>>)
      %scan3A_126 = arith.constant 2 : i32
      %scan3A_127 = arith.addi %scan3A_53, %scan3A_126 : i32
      %get3A_128 = arith.constant 0 : i32
      %get3A_129 = arith.index_cast %get3A_128 : i32 to index
      %get3A_130 = arith.index_cast %scan3A_127 : i32 to index
      %get3A_131 = memref.load %arg10[%get3A_129, %get3A_130] : memref<2x96xi32, #tpu.memory_space<smem>>
      %jit3A_132 = arith.constant 3 : i32
      %eq3A_133 = arith.constant 0 : i32
      %eq3A_134 = arith.cmpi eq, %jit3A_132, %eq3A_133 : i32
      %jit3A_135 = arith.constant 1 : i32
      %select_n3A_136 = arith.select %eq3A_134, %jit3A_135, %jit3A_132 : i32
      %rem3A_137 = arith.remsi %scan3A_127, %select_n3A_136 : i32
      %ne3A_138 = arith.constant 0 : i32
      %ne3A_139 = arith.cmpi ne, %rem3A_137, %ne3A_138 : i32
      %lt3A_140 = arith.constant 0 : i32
      %lt3A_141 = arith.cmpi slt, %rem3A_137, %lt3A_140 : i32
      %lt3A_142 = arith.constant 0 : i32
      %lt3A_143 = arith.cmpi slt, %select_n3A_136, %lt3A_142 : i32
      %ne3A_144 = arith.xori %lt3A_141, %lt3A_143 : i1
      %and3A_145 = arith.andi %ne3A_144, %ne3A_139 : i1
      %add3A_146 = arith.addi %rem3A_137, %select_n3A_136 : i32
      %select_n3A_147 = arith.select %and3A_145, %add3A_146, %rem3A_137 : i32
      %eq3A_148 = arith.constant 0 : i32
      %eq3A_149 = arith.cmpi eq, %select_n3A_147, %eq3A_148 : i32
      %jit3A_150 = arith.constant 0 : i32
      %jit3A_151 = arith.constant 128 : i32
      %select_n3A_152 = arith.select %eq3A_149, %jit3A_150, %jit3A_151 : i32
      %add3A_153 = arith.addi %get3A_131, %select_n3A_152 : i32
      %dma_start3A_154 = arith.constant 0 : i32
      %dma_start3A_155 = arith.constant 0 : i32
      %dma_start3A_156 = tpu.memref_slice %arg6[%dma_start3A_154, %scan3A_127, %dma_start3A_155] : memref<2x96x512xf32, #tpu.memory_space<vmem>> -> memref<1x1x512xf32, #tpu.memory_space<vmem>>
      %dma_start3A_157 = tpu.memref_squeeze %dma_start3A_156 : memref<1x1x512xf32, #tpu.memory_space<vmem>> -> memref<512xf32, #tpu.memory_space<vmem>>
      %dma_start3A_158 = arith.constant 0 : i32
      %dma_start3A_159 = tpu.memref_slice %arg8[%add3A_153, %dma_start3A_158] : memref<256x512xf32, #tpu.memory_space<vmem_shared>> -> memref<1x512xf32, #tpu.memory_space<vmem_shared>>
      %dma_start3A_160 = tpu.memref_squeeze %dma_start3A_159 : memref<1x512xf32, #tpu.memory_space<vmem_shared>> -> memref<512xf32, #tpu.memory_space<vmem_shared>>
      %dma_start3A_161 = arith.constant 0 : i32
      %dma_start3A_162 = tpu.memref_slice %arg6[%dma_start3A_154, %scan3A_127, %dma_start3A_161] : memref<2x96x512xf32, #tpu.memory_space<vmem>> -> memref<1x1x512xf32, #tpu.memory_space<vmem>>
      %dma_start3A_163 = tpu.memref_squeeze %dma_start3A_162 : memref<1x1x512xf32, #tpu.memory_space<vmem>> -> memref<512xf32, #tpu.memory_space<vmem>>
      %dma_start3A_164 = arith.constant 0 : i32
      %dma_start3A_165 = tpu.memref_slice %arg8[%add3A_153, %dma_start3A_164] : memref<256x512xf32, #tpu.memory_space<vmem_shared>> -> memref<1x512xf32, #tpu.memory_space<vmem_shared>>
      %dma_start3A_166 = tpu.memref_squeeze %dma_start3A_165 : memref<1x512xf32, #tpu.memory_space<vmem_shared>> -> memref<512xf32, #tpu.memory_space<vmem_shared>>
      tpu.enqueue_dma source(%dma_start3A_166 : memref<512xf32, #tpu.memory_space<vmem_shared>>) target(%dma_start3A_163 : memref<512xf32, #tpu.memory_space<vmem>>) target_semaphore(%arg11 : memref<!tpu.dma_semaphore, #tpu.memory_space<semaphore_mem>>)
      %scan3A_167 = arith.constant 3 : i32
      %scan3A_168 = arith.addi %scan3A_53, %scan3A_167 : i32
      %get3A_169 = arith.constant 0 : i32
      %get3A_170 = arith.index_cast %get3A_169 : i32 to index
      %get3A_171 = arith.index_cast %scan3A_168 : i32 to index
      %get3A_172 = memref.load %arg10[%get3A_170, %get3A_171] : memref<2x96xi32, #tpu.memory_space<smem>>
      %jit3A_173 = arith.constant 3 : i32
      %eq3A_174 = arith.constant 0 : i32
      %eq3A_175 = arith.cmpi eq, %jit3A_173, %eq3A_174 : i32
      %jit3A_176 = arith.constant 1 : i32
      %select_n3A_177 = arith.select %eq3A_175, %jit3A_176, %jit3A_173 : i32
      %rem3A_178 = arith.remsi %scan3A_168, %select_n3A_177 : i32
      %ne3A_179 = arith.constant 0 : i32
      %ne3A_180 = arith.cmpi ne, %rem3A_178, %ne3A_179 : i32
      %lt3A_181 = arith.constant 0 : i32
      %lt3A_182 = arith.cmpi slt, %rem3A_178, %lt3A_181 : i32
      %lt3A_183 = arith.constant 0 : i32
      %lt3A_184 = arith.cmpi slt, %select_n3A_177, %lt3A_183 : i32
      %ne3A_185 = arith.xori %lt3A_182, %lt3A_184 : i1
      %and3A_186 = arith.andi %ne3A_185, %ne3A_180 : i1
      %add3A_187 = arith.addi %rem3A_178, %select_n3A_177 : i32
      %select_n3A_188 = arith.select %and3A_186, %add3A_187, %rem3A_178 : i32
      %eq3A_189 = arith.constant 0 : i32
      %eq3A_190 = arith.cmpi eq, %select_n3A_188, %eq3A_189 : i32
      %jit3A_191 = arith.constant 0 : i32
      %jit3A_192 = arith.constant 128 : i32
      %select_n3A_193 = arith.select %eq3A_190, %jit3A_191, %jit3A_192 : i32
      %add3A_194 = arith.addi %get3A_172, %select_n3A_193 : i32
      %dma_start3A_195 = arith.constant 0 : i32
      %dma_start3A_196 = arith.constant 0 : i32
      %dma_start3A_197 = tpu.memref_slice %arg6[%dma_start3A_195, %scan3A_168, %dma_start3A_196] : memref<2x96x512xf32, #tpu.memory_space<vmem>> -> memref<1x1x512xf32, #tpu.memory_space<vmem>>
      %dma_start3A_198 = tpu.memref_squeeze %dma_start3A_197 : memref<1x1x512xf32, #tpu.memory_space<vmem>> -> memref<512xf32, #tpu.memory_space<vmem>>
      %dma_start3A_199 = arith.constant 0 : i32
      %dma_start3A_200 = tpu.memref_slice %arg8[%add3A_194, %dma_start3A_199] : memref<256x512xf32, #tpu.memory_space<vmem_shared>> -> memref<1x512xf32, #tpu.memory_space<vmem_shared>>
      %dma_start3A_201 = tpu.memref_squeeze %dma_start3A_200 : memref<1x512xf32, #tpu.memory_space<vmem_shared>> -> memref<512xf32, #tpu.memory_space<vmem_shared>>
      %dma_start3A_202 = arith.constant 0 : i32
      %dma_start3A_203 = tpu.memref_slice %arg6[%dma_start3A_195, %scan3A_168, %dma_start3A_202] : memref<2x96x512xf32, #tpu.memory_space<vmem>> -> memref<1x1x512xf32, #tpu.memory_space<vmem>>
      %dma_start3A_204 = tpu.memref_squeeze %dma_start3A_203 : memref<1x1x512xf32, #tpu.memory_space<vmem>> -> memref<512xf32, #tpu.memory_space<vmem>>
      %dma_start3A_205 = arith.constant 0 : i32
      %dma_start3A_206 = tpu.memref_slice %arg8[%add3A_194, %dma_start3A_205] : memref<256x512xf32, #tpu.memory_space<vmem_shared>> -> memref<1x512xf32, #tpu.memory_space<vmem_shared>>
      %dma_start3A_207 = tpu.memref_squeeze %dma_start3A_206 : memref<1x512xf32, #tpu.memory_space<vmem_shared>> -> memref<512xf32, #tpu.memory_space<vmem_shared>>
      tpu.enqueue_dma source(%dma_start3A_207 : memref<512xf32, #tpu.memory_space<vmem_shared>>) target(%dma_start3A_204 : memref<512xf32, #tpu.memory_space<vmem>>) target_semaphore(%arg11 : memref<!tpu.dma_semaphore, #tpu.memory_space<semaphore_mem>>)
    }
    %scan3A_13 = arith.constant 96 : i32
    %scan3A_14 = arith.constant 0 : i32
    %scan3A_15 = arith.constant 0 : i32
    %scan3A_16 = arith.constant 16 : i32
    %scan3A_17 = arith.addi %scan3A_15, %scan3A_16 : i32
    %scan3A_18 = arith.constant 1 : i32
    scf.for %scan3A_53 = %scan3A_15 to %scan3A_17 step %scan3A_18  : i32 {
      %mul3A_54 = arith.constant 2 : i32
      %mul3A_55 = arith.muli %scan3A_53, %mul3A_54 : i32
      %add3A_56 = arith.constant 0 : i32
      %add3A_57 = arith.addi %mul3A_55, %add3A_56 : i32
      %dma_wait3A_58 = arith.constant 0 : i32
      %dma_wait3A_59 = arith.constant 0 : i32
      %dma_wait3A_60 = arith.constant 0 : i32
      %dma_wait3A_61 = tpu.memref_slice %arg6[%dma_wait3A_58, %dma_wait3A_59, %dma_wait3A_60] : memref<2x96x512xf32, #tpu.memory_space<vmem>> -> memref<1x96x512xf32, #tpu.memory_space<vmem>>
      %dma_wait3A_62 = tpu.memref_squeeze %dma_wait3A_61 : memref<1x96x512xf32, #tpu.memory_space<vmem>> -> memref<96x512xf32, #tpu.memory_space<vmem>>
      %dma_wait3A_63 = arith.constant 0 : i32
      %dma_wait3A_64 = arith.constant 0 : i32
      %dma_wait3A_65 = tpu.memref_slice %arg3[%dma_wait3A_63, %dma_wait3A_64] : memref<256x512xf32, #tpu.memory_space<hbm>> -> memref<96x512xf32, #tpu.memory_space<hbm>>
      %dma_wait3A_66 = arith.constant 0 : i32
      %dma_wait3A_67 = arith.constant 0 : i32
      %dma_wait3A_68 = tpu.memref_slice %arg6[%dma_wait3A_58, %dma_wait3A_66, %dma_wait3A_67] : memref<2x96x512xf32, #tpu.memory_space<vmem>> -> memref<1x96x512xf32, #tpu.memory_space<vmem>>
      %dma_wait3A_69 = tpu.memref_squeeze %dma_wait3A_68 : memref<1x96x512xf32, #tpu.memory_space<vmem>> -> memref<96x512xf32, #tpu.memory_space<vmem>>
      %dma_wait3A_70 = arith.constant 0 : i32
      %dma_wait3A_71 = arith.constant 0 : i32
      %dma_wait3A_72 = tpu.memref_slice %arg3[%dma_wait3A_70, %dma_wait3A_71] : memref<256x512xf32, #tpu.memory_space<hbm>> -> memref<96x512xf32, #tpu.memory_space<hbm>>
      tpu.wait_dma2 semaphore(%arg11 : memref<!tpu.dma_semaphore, #tpu.memory_space<semaphore_mem>>) src(%dma_wait3A_72 : memref<96x512xf32, #tpu.memory_space<hbm>>) dst(%dma_wait3A_69 : memref<96x512xf32, #tpu.memory_space<vmem>>)
      %get3A = arith.index_cast %add3A_57 : i32 to index
      %get3A_73 = arith.constant 0 : index
      %get3A_74 = tpu.vector_load %arg7[%get3A, %get3A_73] {strides = array<i32>} : memref<32x512xf32, #tpu.memory_space<vmem>>, vector<1x16xf32>,
      %get3A_75 = vector.shape_cast %get3A_74 : vector<1x16xf32> to vector<16xf32>
      %get3A_76 = arith.index_cast %add3A_57 : i32 to index
      %get3A_77 = arith.constant 16 : index
      %get3A_78 = tpu.vector_load %arg7[%get3A_76, %get3A_77] {strides = array<i32>} : memref<32x512xf32, #tpu.memory_space<vmem>>, vector<1x16xf32>,
      %get3A_79 = vector.shape_cast %get3A_78 : vector<1x16xf32> to vector<16xf32>
      %get3A_80 = arith.index_cast %add3A_57 : i32 to index
      %get3A_81 = arith.constant 32 : index
      %get3A_82 = tpu.vector_load %arg7[%get3A_80, %get3A_81] {strides = array<i32>} : memref<32x512xf32, #tpu.memory_space<vmem>>, vector<1x16xf32>,
      %get3A_83 = vector.shape_cast %get3A_82 : vector<1x16xf32> to vector<16xf32>
      %get3A_84 = arith.index_cast %add3A_57 : i32 to index
      %get3A_85 = arith.constant 48 : index
      %get3A_86 = tpu.vector_load %arg7[%get3A_84, %get3A_85] {strides = array<i32>} : memref<32x512xf32, #tpu.memory_space<vmem>>, vector<1x16xf32>,
      %get3A_87 = vector.shape_cast %get3A_86 : vector<1x16xf32> to vector<16xf32>
      %get3A_88 = arith.index_cast %add3A_57 : i32 to index
      %get3A_89 = arith.constant 64 : index
      %get3A_90 = tpu.vector_load %arg7[%get3A_88, %get3A_89] {strides = array<i32>} : memref<32x512xf32, #tpu.memory_space<vmem>>, vector<1x16xf32>,
      %get3A_91 = vector.shape_cast %get3A_90 : vector<1x16xf32> to vector<16xf32>
      %get3A_92 = arith.index_cast %add3A_57 : i32 to index
      %get3A_93 = arith.constant 80 : index
      %get3A_94 = tpu.vector_load %arg7[%get3A_92, %get3A_93] {strides = array<i32>} : memref<32x512xf32, #tpu.memory_space<vmem>>, vector<1x16xf32>,
      %get3A_95 = vector.shape_cast %get3A_94 : vector<1x16xf32> to vector<16xf32>
      %get3A_96 = arith.index_cast %add3A_57 : i32 to index
      %get3A_97 = arith.constant 96 : index
      %get3A_98 = tpu.vector_load %arg7[%get3A_96, %get3A_97] {strides = array<i32>} : memref<32x512xf32, #tpu.memory_space<vmem>>, vector<1x16xf32>,
      %get3A_99 = vector.shape_cast %get3A_98 : vector<1x16xf32> to vector<16xf32>
      %get3A_100 = arith.index_cast %add3A_57 : i32 to index
      %get3A_101 = arith.constant 112 : index
      %get3A_102 = tpu.vector_load %arg7[%get3A_100, %get3A_101] {strides = array<i32>} : memref<32x512xf32, #tpu.memory_space<vmem>>, vector<1x16xf32>,
      %get3A_103 = vector.shape_cast %get3A_102 : vector<1x16xf32> to vector<16xf32>
      %get3A_104 = arith.index_cast %add3A_57 : i32 to index
      %get3A_105 = arith.constant 128 : index
      %get3A_106 = tpu.vector_load %arg7[%get3A_104, %get3A_105] {strides = array<i32>} : memref<32x512xf32, #tpu.memory_space<vmem>>, vector<1x16xf32>,
      %get3A_107 = vector.shape_cast %get3A_106 : vector<1x16xf32> to vector<16xf32>
      %get3A_108 = arith.index_cast %add3A_57 : i32 to index
      %get3A_109 = arith.constant 144 : index
      %get3A_110 = tpu.vector_load %arg7[%get3A_108, %get3A_109] {strides = array<i32>} : memref<32x512xf32, #tpu.memory_space<vmem>>, vector<1x16xf32>,
      %get3A_111 = vector.shape_cast %get3A_110 : vector<1x16xf32> to vector<16xf32>
      %get3A_112 = arith.index_cast %add3A_57 : i32 to index
      %get3A_113 = arith.constant 160 : index
      %get3A_114 = tpu.vector_load %arg7[%get3A_112, %get3A_113] {strides = array<i32>} : memref<32x512xf32, #tpu.memory_space<vmem>>, vector<1x16xf32>,
      %get3A_115 = vector.shape_cast %get3A_114 : vector<1x16xf32> to vector<16xf32>
      %get3A_116 = arith.index_cast %add3A_57 : i32 to index
      %get3A_117 = arith.constant 176 : index
      %get3A_118 = tpu.vector_load %arg7[%get3A_116, %get3A_117] {strides = array<i32>} : memref<32x512xf32, #tpu.memory_space<vmem>>, vector<1x16xf32>,
      %get3A_119 = vector.shape_cast %get3A_118 : vector<1x16xf32> to vector<16xf32>
      %get3A_120 = arith.index_cast %add3A_57 : i32 to index
      %get3A_121 = arith.constant 192 : index
      %get3A_122 = tpu.vector_load %arg7[%get3A_120, %get3A_121] {strides = array<i32>} : memref<32x512xf32, #tpu.memory_space<vmem>>, vector<1x16xf32>,
      %get3A_123 = vector.shape_cast %get3A_122 : vector<1x16xf32> to vector<16xf32>
      %get3A_124 = arith.index_cast %add3A_57 : i32 to index
      %get3A_125 = arith.constant 208 : index
      %get3A_126 = tpu.vector_load %arg7[%get3A_124, %get3A_125] {strides = array<i32>} : memref<32x512xf32, #tpu.memory_space<vmem>>, vector<1x16xf32>,
      %get3A_127 = vector.shape_cast %get3A_126 : vector<1x16xf32> to vector<16xf32>
      %get3A_128 = arith.index_cast %add3A_57 : i32 to index
      %get3A_129 = arith.constant 224 : index
      %get3A_130 = tpu.vector_load %arg7[%get3A_128, %get3A_129] {strides = array<i32>} : memref<32x512xf32, #tpu.memory_space<vmem>>, vector<1x16xf32>,
      %get3A_131 = vector.shape_cast %get3A_130 : vector<1x16xf32> to vector<16xf32>
      %get3A_132 = arith.index_cast %add3A_57 : i32 to index
      %get3A_133 = arith.constant 240 : index
      %get3A_134 = tpu.vector_load %arg7[%get3A_132, %get3A_133] {strides = array<i32>} : memref<32x512xf32, #tpu.memory_space<vmem>>, vector<1x16xf32>,
      %get3A_135 = vector.shape_cast %get3A_134 : vector<1x16xf32> to vector<16xf32>
      %get3A_136 = arith.index_cast %add3A_57 : i32 to index
      %get3A_137 = arith.constant 256 : index
      %get3A_138 = tpu.vector_load %arg7[%get3A_136, %get3A_137] {strides = array<i32>} : memref<32x512xf32, #tpu.memory_space<vmem>>, vector<1x16xf32>,
      %get3A_139 = vector.shape_cast %get3A_138 : vector<1x16xf32> to vector<16xf32>
      %get3A_140 = arith.index_cast %add3A_57 : i32 to index
      %get3A_141 = arith.constant 272 : index
      %get3A_142 = tpu.vector_load %arg7[%get3A_140, %get3A_141] {strides = array<i32>} : memref<32x512xf32, #tpu.memory_space<vmem>>, vector<1x16xf32>,
      %get3A_143 = vector.shape_cast %get3A_142 : vector<1x16xf32> to vector<16xf32>
      %get3A_144 = arith.index_cast %add3A_57 : i32 to index
      %get3A_145 = arith.constant 288 : index
      %get3A_146 = tpu.vector_load %arg7[%get3A_144, %get3A_145] {strides = array<i32>} : memref<32x512xf32, #tpu.memory_space<vmem>>, vector<1x16xf32>,
      %get3A_147 = vector.shape_cast %get3A_146 : vector<1x16xf32> to vector<16xf32>
      %get3A_148 = arith.index_cast %add3A_57 : i32 to index
      %get3A_149 = arith.constant 304 : index
      %get3A_150 = tpu.vector_load %arg7[%get3A_148, %get3A_149] {strides = array<i32>} : memref<32x512xf32, #tpu.memory_space<vmem>>, vector<1x16xf32>,
      %get3A_151 = vector.shape_cast %get3A_150 : vector<1x16xf32> to vector<16xf32>
      %get3A_152 = arith.index_cast %add3A_57 : i32 to index
      %get3A_153 = arith.constant 320 : index
      %get3A_154 = tpu.vector_load %arg7[%get3A_152, %get3A_153] {strides = array<i32>} : memref<32x512xf32, #tpu.memory_space<vmem>>, vector<1x16xf32>,
      %get3A_155 = vector.shape_cast %get3A_154 : vector<1x16xf32> to vector<16xf32>
      %get3A_156 = arith.index_cast %add3A_57 : i32 to index
      %get3A_157 = arith.constant 336 : index
      %get3A_158 = tpu.vector_load %arg7[%get3A_156, %get3A_157] {strides = array<i32>} : memref<32x512xf32, #tpu.memory_space<vmem>>, vector<1x16xf32>,
      %get3A_159 = vector.shape_cast %get3A_158 : vector<1x16xf32> to vector<16xf32>
      %get3A_160 = arith.index_cast %add3A_57 : i32 to index
      %get3A_161 = arith.constant 352 : index
      %get3A_162 = tpu.vector_load %arg7[%get3A_160, %get3A_161] {strides = array<i32>} : memref<32x512xf32, #tpu.memory_space<vmem>>, vector<1x16xf32>,
      %get3A_163 = vector.shape_cast %get3A_162 : vector<1x16xf32> to vector<16xf32>
      %get3A_164 = arith.index_cast %add3A_57 : i32 to index
      %get3A_165 = arith.constant 368 : index
      %get3A_166 = tpu.vector_load %arg7[%get3A_164, %get3A_165] {strides = array<i32>} : memref<32x512xf32, #tpu.memory_space<vmem>>, vector<1x16xf32>,
      %get3A_167 = vector.shape_cast %get3A_166 : vector<1x16xf32> to vector<16xf32>
      %get3A_168 = arith.index_cast %add3A_57 : i32 to index
      %get3A_169 = arith.constant 384 : index
      %get3A_170 = tpu.vector_load %arg7[%get3A_168, %get3A_169] {strides = array<i32>} : memref<32x512xf32, #tpu.memory_space<vmem>>, vector<1x16xf32>,
      %get3A_171 = vector.shape_cast %get3A_170 : vector<1x16xf32> to vector<16xf32>
      %get3A_172 = arith.index_cast %add3A_57 : i32 to index
      %get3A_173 = arith.constant 400 : index
      %get3A_174 = tpu.vector_load %arg7[%get3A_172, %get3A_173] {strides = array<i32>} : memref<32x512xf32, #tpu.memory_space<vmem>>, vector<1x16xf32>,
      %get3A_175 = vector.shape_cast %get3A_174 : vector<1x16xf32> to vector<16xf32>
      %get3A_176 = arith.index_cast %add3A_57 : i32 to index
      %get3A_177 = arith.constant 416 : index
      %get3A_178 = tpu.vector_load %arg7[%get3A_176, %get3A_177] {strides = array<i32>} : memref<32x512xf32, #tpu.memory_space<vmem>>, vector<1x16xf32>,
      %get3A_179 = vector.shape_cast %get3A_178 : vector<1x16xf32> to vector<16xf32>
      %get3A_180 = arith.index_cast %add3A_57 : i32 to index
      %get3A_181 = arith.constant 432 : index
      %get3A_182 = tpu.vector_load %arg7[%get3A_180, %get3A_181] {strides = array<i32>} : memref<32x512xf32, #tpu.memory_space<vmem>>, vector<1x16xf32>,
      %get3A_183 = vector.shape_cast %get3A_182 : vector<1x16xf32> to vector<16xf32>
      %get3A_184 = arith.index_cast %add3A_57 : i32 to index
      %get3A_185 = arith.constant 448 : index
      %get3A_186 = tpu.vector_load %arg7[%get3A_184, %get3A_185] {strides = array<i32>} : memref<32x512xf32, #tpu.memory_space<vmem>>, vector<1x16xf32>,
      %get3A_187 = vector.shape_cast %get3A_186 : vector<1x16xf32> to vector<16xf32>
      %get3A_188 = arith.index_cast %add3A_57 : i32 to index
      %get3A_189 = arith.constant 464 : index
      %get3A_190 = tpu.vector_load %arg7[%get3A_188, %get3A_189] {strides = array<i32>} : memref<32x512xf32, #tpu.memory_space<vmem>>, vector<1x16xf32>,
      %get3A_191 = vector.shape_cast %get3A_190 : vector<1x16xf32> to vector<16xf32>
      %get3A_192 = arith.index_cast %add3A_57 : i32 to index
      %get3A_193 = arith.constant 480 : index
      %get3A_194 = tpu.vector_load %arg7[%get3A_192, %get3A_193] {strides = array<i32>} : memref<32x512xf32, #tpu.memory_space<vmem>>, vector<1x16xf32>,
      %get3A_195 = vector.shape_cast %get3A_194 : vector<1x16xf32> to vector<16xf32>
      %get3A_196 = arith.index_cast %add3A_57 : i32 to index
      %get3A_197 = arith.constant 496 : index
      %get3A_198 = tpu.vector_load %arg7[%get3A_196, %get3A_197] {strides = array<i32>} : memref<32x512xf32, #tpu.memory_space<vmem>>, vector<1x16xf32>,
      %get3A_199 = vector.shape_cast %get3A_198 : vector<1x16xf32> to vector<16xf32>
      %scan3A_200 = arith.constant 0 : i32
      %scan3A_201 = arith.constant 0 : i32
      %scan3A_202 = arith.constant 96 : i32
      %scan3A_203 = arith.addi %scan3A_201, %scan3A_202 : i32
      %scan3A_204 = arith.constant 2 : i32
      scf.for %scan3A_403 = %scan3A_201 to %scan3A_203 step %scan3A_204  : i32 {
        %swap3A = arith.constant 0 : i32
        %swap3A_404 = arith.index_cast %swap3A : i32 to index
        %swap3A_405 = arith.index_cast %scan3A_403 : i32 to index
        %swap3A_406 = arith.constant 0 : index
        %swap3A_407 = tpu.vector_load %arg6[%swap3A_404, %swap3A_405, %swap3A_406] {strides = array<i32>} : memref<2x96x512xf32, #tpu.memory_space<vmem>>, vector<1x1x16xf32>,
        %swap3A_408 = vector.shape_cast %swap3A_407 : vector<1x1x16xf32> to vector<16xf32>
        %swap3A_409 = vector.shape_cast %get3A_75 : vector<16xf32> to vector<1x1x16xf32>
        tpu.vector_store %arg6[%swap3A_404, %swap3A_405, %swap3A_406], %swap3A_409 {add = true, strides = array<i32>} : memref<2x96x512xf32, #tpu.memory_space<vmem>>, vector<1x1x16xf32>,
        %swap3A_410 = arith.constant 0 : i32
        %swap3A_411 = arith.index_cast %swap3A_410 : i32 to index
        %swap3A_412 = arith.index_cast %scan3A_403 : i32 to index
        %swap3A_413 = arith.constant 16 : index
        %swap3A_414 = tpu.vector_load %arg6[%swap3A_411, %swap3A_412, %swap3A_413] {strides = array<i32>} : memref<2x96x512xf32, #tpu.memory_space<vmem>>, vector<1x1x16xf32>,
        %swap3A_415 = vector.shape_cast %swap3A_414 : vector<1x1x16xf32> to vector<16xf32>
        %swap3A_416 = vector.shape_cast %get3A_79 : vector<16xf32> to vector<1x1x16xf32>
        tpu.vector_store %arg6[%swap3A_411, %swap3A_412, %swap3A_413], %swap3A_416 {add = true, strides = array<i32>} : memref<2x96x512xf32, #tpu.memory_space<vmem>>, vector<1x1x16xf32>,
        %swap3A_417 = arith.constant 0 : i32
        %swap3A_418 = arith.index_cast %swap3A_417 : i32 to index
        %swap3A_419 = arith.index_cast %scan3A_403 : i32 to index
        %swap3A_420 = arith.constant 32 : index
        %swap3A_421 = tpu.vector_load %arg6[%swap3A_418, %swap3A_419, %swap3A_420] {strides = array<i32>} : memref<2x96x512xf32, #tpu.memory_space<vmem>>, vector<1x1x16xf32>,
        %swap3A_422 = vector.shape_cast %swap3A_421 : vector<1x1x16xf32> to vector<16xf32>
        %swap3A_423 = vector.shape_cast %get3A_83 : vector<16xf32> to vector<1x1x16xf32>
        tpu.vector_store %arg6[%swap3A_418, %swap3A_419, %swap3A_420], %swap3A_423 {add = true, strides = array<i32>} : memref<2x96x512xf32, #tpu.memory_space<vmem>>, vector<1x1x16xf32>,
        %swap3A_424 = arith.constant 0 : i32
        %swap3A_425 = arith.index_cast %swap3A_424 : i32 to index
        %swap3A_426 = arith.index_cast %scan3A_403 : i32 to index
        %swap3A_427 = arith.constant 48 : index
        %swap3A_428 = tpu.vector_load %arg6[%swap3A_425, %swap3A_426, %swap3A_427] {strides = array<i32>} : memref<2x96x512xf32, #tpu.memory_space<vmem>>, vector<1x1x16xf32>,
        %swap3A_429 = vector.shape_cast %swap3A_428 : vector<1x1x16xf32> to vector<16xf32>
        %swap3A_430 = vector.shape_cast %get3A_87 : vector<16xf32> to vector<1x1x16xf32>
        tpu.vector_store %arg6[%swap3A_425, %swap3A_426, %swap3A_427], %swap3A_430 {add = true, strides = array<i32>} : memref<2x96x512xf32, #tpu.memory_space<vmem>>, vector<1x1x16xf32>,
        %swap3A_431 = arith.constant 0 : i32
        %swap3A_432 = arith.index_cast %swap3A_431 : i32 to index
        %swap3A_433 = arith.index_cast %scan3A_403 : i32 to index
        %swap3A_434 = arith.constant 64 : index
        %swap3A_435 = tpu.vector_load %arg6[%swap3A_432, %swap3A_433, %swap3A_434] {strides = array<i32>} : memref<2x96x512xf32, #tpu.memory_space<vmem>>, vector<1x1x16xf32>,
        %swap3A_436 = vector.shape_cast %swap3A_435 : vector<1x1x16xf32> to vector<16xf32>
        %swap3A_437 = vector.shape_cast %get3A_91 : vector<16xf32> to vector<1x1x16xf32>
        tpu.vector_store %arg6[%swap3A_432, %swap3A_433, %swap3A_434], %swap3A_437 {add = true, strides = array<i32>} : memref<2x96x512xf32, #tpu.memory_space<vmem>>, vector<1x1x16xf32>,
        %swap3A_438 = arith.constant 0 : i32
        %swap3A_439 = arith.index_cast %swap3A_438 : i32 to index
        %swap3A_440 = arith.index_cast %scan3A_403 : i32 to index
        %swap3A_441 = arith.constant 80 : index
        %swap3A_442 = tpu.vector_load %arg6[%swap3A_439, %swap3A_440, %swap3A_441] {strides = array<i32>} : memref<2x96x512xf32, #tpu.memory_space<vmem>>, vector<1x1x16xf32>,
        %swap3A_443 = vector.shape_cast %swap3A_442 : vector<1x1x16xf32> to vector<16xf32>
        %swap3A_444 = vector.shape_cast %get3A_95 : vector<16xf32> to vector<1x1x16xf32>
        tpu.vector_store %arg6[%swap3A_439, %swap3A_440, %swap3A_441], %swap3A_444 {add = true, strides = array<i32>} : memref<2x96x512xf32, #tpu.memory_space<vmem>>, vector<1x1x16xf32>,
        %swap3A_445 = arith.constant 0 : i32
        %swap3A_446 = arith.index_cast %swap3A_445 : i32 to index
        %swap3A_447 = arith.index_cast %scan3A_403 : i32 to index
        %swap3A_448 = arith.constant 96 : index
        %swap3A_449 = tpu.vector_load %arg6[%swap3A_446, %swap3A_447, %swap3A_448] {strides = array<i32>} : memref<2x96x512xf32, #tpu.memory_space<vmem>>, vector<1x1x16xf32>,
        %swap3A_450 = vector.shape_cast %swap3A_449 : vector<1x1x16xf32> to vector<16xf32>
        %swap3A_451 = vector.shape_cast %get3A_99 : vector<16xf32> to vector<1x1x16xf32>
        tpu.vector_store %arg6[%swap3A_446, %swap3A_447, %swap3A_448], %swap3A_451 {add = true, strides = array<i32>} : memref<2x96x512xf32, #tpu.memory_space<vmem>>, vector<1x1x16xf32>,
        %swap3A_452 = arith.constant 0 : i32
        %swap3A_453 = arith.index_cast %swap3A_452 : i32 to index
        %swap3A_454 = arith.index_cast %scan3A_403 : i32 to index
        %swap3A_455 = arith.constant 112 : index
        %swap3A_456 = tpu.vector_load %arg6[%swap3A_453, %swap3A_454, %swap3A_455] {strides = array<i32>} : memref<2x96x512xf32, #tpu.memory_space<vmem>>, vector<1x1x16xf32>,
        %swap3A_457 = vector.shape_cast %swap3A_456 : vector<1x1x16xf32> to vector<16xf32>
        %swap3A_458 = vector.shape_cast %get3A_103 : vector<16xf32> to vector<1x1x16xf32>
        tpu.vector_store %arg6[%swap3A_453, %swap3A_454, %swap3A_455], %swap3A_458 {add = true, strides = array<i32>} : memref<2x96x512xf32, #tpu.memory_space<vmem>>, vector<1x1x16xf32>,
        %swap3A_459 = arith.constant 0 : i32
        %swap3A_460 = arith.index_cast %swap3A_459 : i32 to index
        %swap3A_461 = arith.index_cast %scan3A_403 : i32 to index
        %swap3A_462 = arith.constant 128 : index
        %swap3A_463 = tpu.vector_load %arg6[%swap3A_460, %swap3A_461, %swap3A_462] {strides = array<i32>} : memref<2x96x512xf32, #tpu.memory_space<vmem>>, vector<1x1x16xf32>,
        %swap3A_464 = vector.shape_cast %swap3A_463 : vector<1x1x16xf32> to vector<16xf32>
        %swap3A_465 = vector.shape_cast %get3A_107 : vector<16xf32> to vector<1x1x16xf32>
        tpu.vector_store %arg6[%swap3A_460, %swap3A_461, %swap3A_462], %swap3A_465 {add = true, strides = array<i32>} : memref<2x96x512xf32, #tpu.memory_space<vmem>>, vector<1x1x16xf32>,
        %swap3A_466 = arith.constant 0 : i32
        %swap3A_467 = arith.index_cast %swap3A_466 : i32 to index
        %swap3A_468 = arith.index_cast %scan3A_403 : i32 to index
        %swap3A_469 = arith.constant 144 : index
        %swap3A_470 = tpu.vector_load %arg6[%swap3A_467, %swap3A_468, %swap3A_469] {strides = array<i32>} : memref<2x96x512xf32, #tpu.memory_space<vmem>>, vector<1x1x16xf32>,
        %swap3A_471 = vector.shape_cast %swap3A_470 : vector<1x1x16xf32> to vector<16xf32>
        %swap3A_472 = vector.shape_cast %get3A_111 : vector<16xf32> to vector<1x1x16xf32>
        tpu.vector_store %arg6[%swap3A_467, %swap3A_468, %swap3A_469], %swap3A_472 {add = true, strides = array<i32>} : memref<2x96x512xf32, #tpu.memory_space<vmem>>, vector<1x1x16xf32>,
        %swap3A_473 = arith.constant 0 : i32
        %swap3A_474 = arith.index_cast %swap3A_473 : i32 to index
        %swap3A_475 = arith.index_cast %scan3A_403 : i32 to index
        %swap3A_476 = arith.constant 160 : index
        %swap3A_477 = tpu.vector_load %arg6[%swap3A_474, %swap3A_475, %swap3A_476] {strides = array<i32>} : memref<2x96x512xf32, #tpu.memory_space<vmem>>, vector<1x1x16xf32>,
        %swap3A_478 = vector.shape_cast %swap3A_477 : vector<1x1x16xf32> to vector<16xf32>
        %swap3A_479 = vector.shape_cast %get3A_115 : vector<16xf32> to vector<1x1x16xf32>
        tpu.vector_store %arg6[%swap3A_474, %swap3A_475, %swap3A_476], %swap3A_479 {add = true, strides = array<i32>} : memref<2x96x512xf32, #tpu.memory_space<vmem>>, vector<1x1x16xf32>,
        %swap3A_480 = arith.constant 0 : i32
        %swap3A_481 = arith.index_cast %swap3A_480 : i32 to index
        %swap3A_482 = arith.index_cast %scan3A_403 : i32 to index
        %swap3A_483 = arith.constant 176 : index
        %swap3A_484 = tpu.vector_load %arg6[%swap3A_481, %swap3A_482, %swap3A_483] {strides = array<i32>} : memref<2x96x512xf32, #tpu.memory_space<vmem>>, vector<1x1x16xf32>,
        %swap3A_485 = vector.shape_cast %swap3A_484 : vector<1x1x16xf32> to vector<16xf32>
        %swap3A_486 = vector.shape_cast %get3A_119 : vector<16xf32> to vector<1x1x16xf32>
        tpu.vector_store %arg6[%swap3A_481, %swap3A_482, %swap3A_483], %swap3A_486 {add = true, strides = array<i32>} : memref<2x96x512xf32, #tpu.memory_space<vmem>>, vector<1x1x16xf32>,
        %swap3A_487 = arith.constant 0 : i32
        %swap3A_488 = arith.index_cast %swap3A_487 : i32 to index
        %swap3A_489 = arith.index_cast %scan3A_403 : i32 to index
        %swap3A_490 = arith.constant 192 : index
        %swap3A_491 = tpu.vector_load %arg6[%swap3A_488, %swap3A_489, %swap3A_490] {strides = array<i32>} : memref<2x96x512xf32, #tpu.memory_space<vmem>>, vector<1x1x16xf32>,
        %swap3A_492 = vector.shape_cast %swap3A_491 : vector<1x1x16xf32> to vector<16xf32>
        %swap3A_493 = vector.shape_cast %get3A_123 : vector<16xf32> to vector<1x1x16xf32>
        tpu.vector_store %arg6[%swap3A_488, %swap3A_489, %swap3A_490], %swap3A_493 {add = true, strides = array<i32>} : memref<2x96x512xf32, #tpu.memory_space<vmem>>, vector<1x1x16xf32>,
        %swap3A_494 = arith.constant 0 : i32
        %swap3A_495 = arith.index_cast %swap3A_494 : i32 to index
        %swap3A_496 = arith.index_cast %scan3A_403 : i32 to index
        %swap3A_497 = arith.constant 208 : index
        %swap3A_498 = tpu.vector_load %arg6[%swap3A_495, %swap3A_496, %swap3A_497] {strides = array<i32>} : memref<2x96x512xf32, #tpu.memory_space<vmem>>, vector<1x1x16xf32>,
        %swap3A_499 = vector.shape_cast %swap3A_498 : vector<1x1x16xf32> to vector<16xf32>
        %swap3A_500 = vector.shape_cast %get3A_127 : vector<16xf32> to vector<1x1x16xf32>
        tpu.vector_store %arg6[%swap3A_495, %swap3A_496, %swap3A_497], %swap3A_500 {add = true, strides = array<i32>} : memref<2x96x512xf32, #tpu.memory_space<vmem>>, vector<1x1x16xf32>,
        %swap3A_501 = arith.constant 0 : i32
        %swap3A_502 = arith.index_cast %swap3A_501 : i32 to index
        %swap3A_503 = arith.index_cast %scan3A_403 : i32 to index
        %swap3A_504 = arith.constant 224 : index
        %swap3A_505 = tpu.vector_load %arg6[%swap3A_502, %swap3A_503, %swap3A_504] {strides = array<i32>} : memref<2x96x512xf32, #tpu.memory_space<vmem>>, vector<1x1x16xf32>,
        %swap3A_506 = vector.shape_cast %swap3A_505 : vector<1x1x16xf32> to vector<16xf32>
        %swap3A_507 = vector.shape_cast %get3A_131 : vector<16xf32> to vector<1x1x16xf32>
        tpu.vector_store %arg6[%swap3A_502, %swap3A_503, %swap3A_504], %swap3A_507 {add = true, strides = array<i32>} : memref<2x96x512xf32, #tpu.memory_space<vmem>>, vector<1x1x16xf32>,
        %swap3A_508 = arith.constant 0 : i32
        %swap3A_509 = arith.index_cast %swap3A_508 : i32 to index
        %swap3A_510 = arith.index_cast %scan3A_403 : i32 to index
        %swap3A_511 = arith.constant 240 : index
        %swap3A_512 = tpu.vector_load %arg6[%swap3A_509, %swap3A_510, %swap3A_511] {strides = array<i32>} : memref<2x96x512xf32, #tpu.memory_space<vmem>>, vector<1x1x16xf32>,
        %swap3A_513 = vector.shape_cast %swap3A_512 : vector<1x1x16xf32> to vector<16xf32>
        %swap3A_514 = vector.shape_cast %get3A_135 : vector<16xf32> to vector<1x1x16xf32>
        tpu.vector_store %arg6[%swap3A_509, %swap3A_510, %swap3A_511], %swap3A_514 {add = true, strides = array<i32>} : memref<2x96x512xf32, #tpu.memory_space<vmem>>, vector<1x1x16xf32>,
        %swap3A_515 = arith.constant 0 : i32
        %swap3A_516 = arith.index_cast %swap3A_515 : i32 to index
        %swap3A_517 = arith.index_cast %scan3A_403 : i32 to index
        %swap3A_518 = arith.constant 256 : index
        %swap3A_519 = tpu.vector_load %arg6[%swap3A_516, %swap3A_517, %swap3A_518] {strides = array<i32>} : memref<2x96x512xf32, #tpu.memory_space<vmem>>, vector<1x1x16xf32>,
        %swap3A_520 = vector.shape_cast %swap3A_519 : vector<1x1x16xf32> to vector<16xf32>
        %swap3A_521 = vector.shape_cast %get3A_139 : vector<16xf32> to vector<1x1x16xf32>
        tpu.vector_store %arg6[%swap3A_516, %swap3A_517, %swap3A_518], %swap3A_521 {add = true, strides = array<i32>} : memref<2x96x512xf32, #tpu.memory_space<vmem>>, vector<1x1x16xf32>,
        %swap3A_522 = arith.constant 0 : i32
        %swap3A_523 = arith.index_cast %swap3A_522 : i32 to index
        %swap3A_524 = arith.index_cast %scan3A_403 : i32 to index
        %swap3A_525 = arith.constant 272 : index
        %swap3A_526 = tpu.vector_load %arg6[%swap3A_523, %swap3A_524, %swap3A_525] {strides = array<i32>} : memref<2x96x512xf32, #tpu.memory_space<vmem>>, vector<1x1x16xf32>,
        %swap3A_527 = vector.shape_cast %swap3A_526 : vector<1x1x16xf32> to vector<16xf32>
        %swap3A_528 = vector.shape_cast %get3A_143 : vector<16xf32> to vector<1x1x16xf32>
        tpu.vector_store %arg6[%swap3A_523, %swap3A_524, %swap3A_525], %swap3A_528 {add = true, strides = array<i32>} : memref<2x96x512xf32, #tpu.memory_space<vmem>>, vector<1x1x16xf32>,
        %swap3A_529 = arith.constant 0 : i32
        %swap3A_530 = arith.index_cast %swap3A_529 : i32 to index
        %swap3A_531 = arith.index_cast %scan3A_403 : i32 to index
        %swap3A_532 = arith.constant 288 : index
        %swap3A_533 = tpu.vector_load %arg6[%swap3A_530, %swap3A_531, %swap3A_532] {strides = array<i32>} : memref<2x96x512xf32, #tpu.memory_space<vmem>>, vector<1x1x16xf32>,
        %swap3A_534 = vector.shape_cast %swap3A_533 : vector<1x1x16xf32> to vector<16xf32>
        %swap3A_535 = vector.shape_cast %get3A_147 : vector<16xf32> to vector<1x1x16xf32>
        tpu.vector_store %arg6[%swap3A_530, %swap3A_531, %swap3A_532], %swap3A_535 {add = true, strides = array<i32>} : memref<2x96x512xf32, #tpu.memory_space<vmem>>, vector<1x1x16xf32>,
        %swap3A_536 = arith.constant 0 : i32
        %swap3A_537 = arith.index_cast %swap3A_536 : i32 to index
        %swap3A_538 = arith.index_cast %scan3A_403 : i32 to index
        %swap3A_539 = arith.constant 304 : index
        %swap3A_540 = tpu.vector_load %arg6[%swap3A_537, %swap3A_538, %swap3A_539] {strides = array<i32>} : memref<2x96x512xf32, #tpu.memory_space<vmem>>, vector<1x1x16xf32>,
        %swap3A_541 = vector.shape_cast %swap3A_540 : vector<1x1x16xf32> to vector<16xf32>
        %swap3A_542 = vector.shape_cast %get3A_151 : vector<16xf32> to vector<1x1x16xf32>
        tpu.vector_store %arg6[%swap3A_537, %swap3A_538, %swap3A_539], %swap3A_542 {add = true, strides = array<i32>} : memref<2x96x512xf32, #tpu.memory_space<vmem>>, vector<1x1x16xf32>,
        %swap3A_543 = arith.constant 0 : i32
        %swap3A_544 = arith.index_cast %swap3A_543 : i32 to index
        %swap3A_545 = arith.index_cast %scan3A_403 : i32 to index
        %swap3A_546 = arith.constant 320 : index
        %swap3A_547 = tpu.vector_load %arg6[%swap3A_544, %swap3A_545, %swap3A_546] {strides = array<i32>} : memref<2x96x512xf32, #tpu.memory_space<vmem>>, vector<1x1x16xf32>,
        %swap3A_548 = vector.shape_cast %swap3A_547 : vector<1x1x16xf32> to vector<16xf32>
        %swap3A_549 = vector.shape_cast %get3A_155 : vector<16xf32> to vector<1x1x16xf32>
        tpu.vector_store %arg6[%swap3A_544, %swap3A_545, %swap3A_546], %swap3A_549 {add = true, strides = array<i32>} : memref<2x96x512xf32, #tpu.memory_space<vmem>>, vector<1x1x16xf32>,
        %swap3A_550 = arith.constant 0 : i32
        %swap3A_551 = arith.index_cast %swap3A_550 : i32 to index
        %swap3A_552 = arith.index_cast %scan3A_403 : i32 to index
        %swap3A_553 = arith.constant 336 : index
        %swap3A_554 = tpu.vector_load %arg6[%swap3A_551, %swap3A_552, %swap3A_553] {strides = array<i32>} : memref<2x96x512xf32, #tpu.memory_space<vmem>>, vector<1x1x16xf32>,
        %swap3A_555 = vector.shape_cast %swap3A_554 : vector<1x1x16xf32> to vector<16xf32>
        %swap3A_556 = vector.shape_cast %get3A_159 : vector<16xf32> to vector<1x1x16xf32>
        tpu.vector_store %arg6[%swap3A_551, %swap3A_552, %swap3A_553], %swap3A_556 {add = true, strides = array<i32>} : memref<2x96x512xf32, #tpu.memory_space<vmem>>, vector<1x1x16xf32>,
        %swap3A_557 = arith.constant 0 : i32
        %swap3A_558 = arith.index_cast %swap3A_557 : i32 to index
        %swap3A_559 = arith.index_cast %scan3A_403 : i32 to index
        %swap3A_560 = arith.constant 352 : index
        %swap3A_561 = tpu.vector_load %arg6[%swap3A_558, %swap3A_559, %swap3A_560] {strides = array<i32>} : memref<2x96x512xf32, #tpu.memory_space<vmem>>, vector<1x1x16xf32>,
        %swap3A_562 = vector.shape_cast %swap3A_561 : vector<1x1x16xf32> to vector<16xf32>
        %swap3A_563 = vector.shape_cast %get3A_163 : vector<16xf32> to vector<1x1x16xf32>
        tpu.vector_store %arg6[%swap3A_558, %swap3A_559, %swap3A_560], %swap3A_563 {add = true, strides = array<i32>} : memref<2x96x512xf32, #tpu.memory_space<vmem>>, vector<1x1x16xf32>,
        %swap3A_564 = arith.constant 0 : i32
        %swap3A_565 = arith.index_cast %swap3A_564 : i32 to index
        %swap3A_566 = arith.index_cast %scan3A_403 : i32 to index
        %swap3A_567 = arith.constant 368 : index
        %swap3A_568 = tpu.vector_load %arg6[%swap3A_565, %swap3A_566, %swap3A_567] {strides = array<i32>} : memref<2x96x512xf32, #tpu.memory_space<vmem>>, vector<1x1x16xf32>,
        %swap3A_569 = vector.shape_cast %swap3A_568 : vector<1x1x16xf32> to vector<16xf32>
        %swap3A_570 = vector.shape_cast %get3A_167 : vector<16xf32> to vector<1x1x16xf32>
        tpu.vector_store %arg6[%swap3A_565, %swap3A_566, %swap3A_567], %swap3A_570 {add = true, strides = array<i32>} : memref<2x96x512xf32, #tpu.memory_space<vmem>>, vector<1x1x16xf32>,
        %swap3A_571 = arith.constant 0 : i32
        %swap3A_572 = arith.index_cast %swap3A_571 : i32 to index
        %swap3A_573 = arith.index_cast %scan3A_403 : i32 to index
        %swap3A_574 = arith.constant 384 : index
        %swap3A_575 = tpu.vector_load %arg6[%swap3A_572, %swap3A_573, %swap3A_574] {strides = array<i32>} : memref<2x96x512xf32, #tpu.memory_space<vmem>>, vector<1x1x16xf32>,
        %swap3A_576 = vector.shape_cast %swap3A_575 : vector<1x1x16xf32> to vector<16xf32>
        %swap3A_577 = vector.shape_cast %get3A_171 : vector<16xf32> to vector<1x1x16xf32>
        tpu.vector_store %arg6[%swap3A_572, %swap3A_573, %swap3A_574], %swap3A_577 {add = true, strides = array<i32>} : memref<2x96x512xf32, #tpu.memory_space<vmem>>, vector<1x1x16xf32>,
        %swap3A_578 = arith.constant 0 : i32
        %swap3A_579 = arith.index_cast %swap3A_578 : i32 to index
        %swap3A_580 = arith.index_cast %scan3A_403 : i32 to index
        %swap3A_581 = arith.constant 400 : index
        %swap3A_582 = tpu.vector_load %arg6[%swap3A_579, %swap3A_580, %swap3A_581] {strides = array<i32>} : memref<2x96x512xf32, #tpu.memory_space<vmem>>, vector<1x1x16xf32>,
        %swap3A_583 = vector.shape_cast %swap3A_582 : vector<1x1x16xf32> to vector<16xf32>
        %swap3A_584 = vector.shape_cast %get3A_175 : vector<16xf32> to vector<1x1x16xf32>
        tpu.vector_store %arg6[%swap3A_579, %swap3A_580, %swap3A_581], %swap3A_584 {add = true, strides = array<i32>} : memref<2x96x512xf32, #tpu.memory_space<vmem>>, vector<1x1x16xf32>,
        %swap3A_585 = arith.constant 0 : i32
        %swap3A_586 = arith.index_cast %swap3A_585 : i32 to index
        %swap3A_587 = arith.index_cast %scan3A_403 : i32 to index
        %swap3A_588 = arith.constant 416 : index
        %swap3A_589 = tpu.vector_load %arg6[%swap3A_586, %swap3A_587, %swap3A_588] {strides = array<i32>} : memref<2x96x512xf32, #tpu.memory_space<vmem>>, vector<1x1x16xf32>,
        %swap3A_590 = vector.shape_cast %swap3A_589 : vector<1x1x16xf32> to vector<16xf32>
        %swap3A_591 = vector.shape_cast %get3A_179 : vector<16xf32> to vector<1x1x16xf32>
        tpu.vector_store %arg6[%swap3A_586, %swap3A_587, %swap3A_588], %swap3A_591 {add = true, strides = array<i32>} : memref<2x96x512xf32, #tpu.memory_space<vmem>>, vector<1x1x16xf32>,
        %swap3A_592 = arith.constant 0 : i32
        %swap3A_593 = arith.index_cast %swap3A_592 : i32 to index
        %swap3A_594 = arith.index_cast %scan3A_403 : i32 to index
        %swap3A_595 = arith.constant 432 : index
        %swap3A_596 = tpu.vector_load %arg6[%swap3A_593, %swap3A_594, %swap3A_595] {strides = array<i32>} : memref<2x96x512xf32, #tpu.memory_space<vmem>>, vector<1x1x16xf32>,
        %swap3A_597 = vector.shape_cast %swap3A_596 : vector<1x1x16xf32> to vector<16xf32>
        %swap3A_598 = vector.shape_cast %get3A_183 : vector<16xf32> to vector<1x1x16xf32>
        tpu.vector_store %arg6[%swap3A_593, %swap3A_594, %swap3A_595], %swap3A_598 {add = true, strides = array<i32>} : memref<2x96x512xf32, #tpu.memory_space<vmem>>, vector<1x1x16xf32>,
        %swap3A_599 = arith.constant 0 : i32
        %swap3A_600 = arith.index_cast %swap3A_599 : i32 to index
        %swap3A_601 = arith.index_cast %scan3A_403 : i32 to index
        %swap3A_602 = arith.constant 448 : index
        %swap3A_603 = tpu.vector_load %arg6[%swap3A_600, %swap3A_601, %swap3A_602] {strides = array<i32>} : memref<2x96x512xf32, #tpu.memory_space<vmem>>, vector<1x1x16xf32>,
        %swap3A_604 = vector.shape_cast %swap3A_603 : vector<1x1x16xf32> to vector<16xf32>
        %swap3A_605 = vector.shape_cast %get3A_187 : vector<16xf32> to vector<1x1x16xf32>
        tpu.vector_store %arg6[%swap3A_600, %swap3A_601, %swap3A_602], %swap3A_605 {add = true, strides = array<i32>} : memref<2x96x512xf32, #tpu.memory_space<vmem>>, vector<1x1x16xf32>,
        %swap3A_606 = arith.constant 0 : i32
        %swap3A_607 = arith.index_cast %swap3A_606 : i32 to index
        %swap3A_608 = arith.index_cast %scan3A_403 : i32 to index
        %swap3A_609 = arith.constant 464 : index
        %swap3A_610 = tpu.vector_load %arg6[%swap3A_607, %swap3A_608, %swap3A_609] {strides = array<i32>} : memref<2x96x512xf32, #tpu.memory_space<vmem>>, vector<1x1x16xf32>,
        %swap3A_611 = vector.shape_cast %swap3A_610 : vector<1x1x16xf32> to vector<16xf32>
        %swap3A_612 = vector.shape_cast %get3A_191 : vector<16xf32> to vector<1x1x16xf32>
        tpu.vector_store %arg6[%swap3A_607, %swap3A_608, %swap3A_609], %swap3A_612 {add = true, strides = array<i32>} : memref<2x96x512xf32, #tpu.memory_space<vmem>>, vector<1x1x16xf32>,
        %swap3A_613 = arith.constant 0 : i32
        %swap3A_614 = arith.index_cast %swap3A_613 : i32 to index
        %swap3A_615 = arith.index_cast %scan3A_403 : i32 to index
        %swap3A_616 = arith.constant 480 : index
        %swap3A_617 = tpu.vector_load %arg6[%swap3A_614, %swap3A_615, %swap3A_616] {strides = array<i32>} : memref<2x96x512xf32, #tpu.memory_space<vmem>>, vector<1x1x16xf32>,
        %swap3A_618 = vector.shape_cast %swap3A_617 : vector<1x1x16xf32> to vector<16xf32>
        %swap3A_619 = vector.shape_cast %get3A_195 : vector<16xf32> to vector<1x1x16xf32>
        tpu.vector_store %arg6[%swap3A_614, %swap3A_615, %swap3A_616], %swap3A_619 {add = true, strides = array<i32>} : memref<2x96x512xf32, #tpu.memory_space<vmem>>, vector<1x1x16xf32>,
        %swap3A_620 = arith.constant 0 : i32
        %swap3A_621 = arith.index_cast %swap3A_620 : i32 to index
        %swap3A_622 = arith.index_cast %scan3A_403 : i32 to index
        %swap3A_623 = arith.constant 496 : index
        %swap3A_624 = tpu.vector_load %arg6[%swap3A_621, %swap3A_622, %swap3A_623] {strides = array<i32>} : memref<2x96x512xf32, #tpu.memory_space<vmem>>, vector<1x1x16xf32>,
        %swap3A_625 = vector.shape_cast %swap3A_624 : vector<1x1x16xf32> to vector<16xf32>
        %swap3A_626 = vector.shape_cast %get3A_199 : vector<16xf32> to vector<1x1x16xf32>
        tpu.vector_store %arg6[%swap3A_621, %swap3A_622, %swap3A_623], %swap3A_626 {add = true, strides = array<i32>} : memref<2x96x512xf32, #tpu.memory_space<vmem>>, vector<1x1x16xf32>,
        %scan3A_627 = arith.constant 1 : i32
        %scan3A_628 = arith.addi %scan3A_403, %scan3A_627 : i32
        %swap3A_629 = arith.constant 0 : i32
        %swap3A_630 = arith.index_cast %swap3A_629 : i32 to index
        %swap3A_631 = arith.index_cast %scan3A_628 : i32 to index
        %swap3A_632 = arith.constant 0 : index
        %swap3A_633 = tpu.vector_load %arg6[%swap3A_630, %swap3A_631, %swap3A_632] {strides = array<i32>} : memref<2x96x512xf32, #tpu.memory_space<vmem>>, vector<1x1x16xf32>,
        %swap3A_634 = vector.shape_cast %swap3A_633 : vector<1x1x16xf32> to vector<16xf32>
        %swap3A_635 = vector.shape_cast %get3A_75 : vector<16xf32> to vector<1x1x16xf32>
        tpu.vector_store %arg6[%swap3A_630, %swap3A_631, %swap3A_632], %swap3A_635 {add = true, strides = array<i32>} : memref<2x96x512xf32, #tpu.memory_space<vmem>>, vector<1x1x16xf32>,
        %swap3A_636 = arith.constant 0 : i32
        %swap3A_637 = arith.index_cast %swap3A_636 : i32 to index
        %swap3A_638 = arith.index_cast %scan3A_628 : i32 to index
        %swap3A_639 = arith.constant 16 : index
        %swap3A_640 = tpu.vector_load %arg6[%swap3A_637, %swap3A_638, %swap3A_639] {strides = array<i32>} : memref<2x96x512xf32, #tpu.memory_space<vmem>>, vector<1x1x16xf32>,
        %swap3A_641 = vector.shape_cast %swap3A_640 : vector<1x1x16xf32> to vector<16xf32>
        %swap3A_642 = vector.shape_cast %get3A_79 : vector<16xf32> to vector<1x1x16xf32>
        tpu.vector_store %arg6[%swap3A_637, %swap3A_638, %swap3A_639], %swap3A_642 {add = true, strides = array<i32>} : memref<2x96x512xf32, #tpu.memory_space<vmem>>, vector<1x1x16xf32>,
        %swap3A_643 = arith.constant 0 : i32
        %swap3A_644 = arith.index_cast %swap3A_643 : i32 to index
        %swap3A_645 = arith.index_cast %scan3A_628 : i32 to index
        %swap3A_646 = arith.constant 32 : index
        %swap3A_647 = tpu.vector_load %arg6[%swap3A_644, %swap3A_645, %swap3A_646] {strides = array<i32>} : memref<2x96x512xf32, #tpu.memory_space<vmem>>, vector<1x1x16xf32>,
        %swap3A_648 = vector.shape_cast %swap3A_647 : vector<1x1x16xf32> to vector<16xf32>
        %swap3A_649 = vector.shape_cast %get3A_83 : vector<16xf32> to vector<1x1x16xf32>
        tpu.vector_store %arg6[%swap3A_644, %swap3A_645, %swap3A_646], %swap3A_649 {add = true, strides = array<i32>} : memref<2x96x512xf32, #tpu.memory_space<vmem>>, vector<1x1x16xf32>,
        %swap3A_650 = arith.constant 0 : i32
        %swap3A_651 = arith.index_cast %swap3A_650 : i32 to index
        %swap3A_652 = arith.index_cast %scan3A_628 : i32 to index
        %swap3A_653 = arith.constant 48 : index
        %swap3A_654 = tpu.vector_load %arg6[%swap3A_651, %swap3A_652, %swap3A_653] {strides = array<i32>} : memref<2x96x512xf32, #tpu.memory_space<vmem>>, vector<1x1x16xf32>,
        %swap3A_655 = vector.shape_cast %swap3A_654 : vector<1x1x16xf32> to vector<16xf32>
        %swap3A_656 = vector.shape_cast %get3A_87 : vector<16xf32> to vector<1x1x16xf32>
        tpu.vector_store %arg6[%swap3A_651, %swap3A_652, %swap3A_653], %swap3A_656 {add = true, strides = array<i32>} : memref<2x96x512xf32, #tpu.memory_space<vmem>>, vector<1x1x16xf32>,
        %swap3A_657 = arith.constant 0 : i32
        %swap3A_658 = arith.index_cast %swap3A_657 : i32 to index
        %swap3A_659 = arith.index_cast %scan3A_628 : i32 to index
        %swap3A_660 = arith.constant 64 : index
        %swap3A_661 = tpu.vector_load %arg6[%swap3A_658, %swap3A_659, %swap3A_660] {strides = array<i32>} : memref<2x96x512xf32, #tpu.memory_space<vmem>>, vector<1x1x16xf32>,
        %swap3A_662 = vector.shape_cast %swap3A_661 : vector<1x1x16xf32> to vector<16xf32>
        %swap3A_663 = vector.shape_cast %get3A_91 : vector<16xf32> to vector<1x1x16xf32>
        tpu.vector_store %arg6[%swap3A_658, %swap3A_659, %swap3A_660], %swap3A_663 {add = true, strides = array<i32>} : memref<2x96x512xf32, #tpu.memory_space<vmem>>, vector<1x1x16xf32>,
        %swap3A_664 = arith.constant 0 : i32
        %swap3A_665 = arith.index_cast %swap3A_664 : i32 to index
        %swap3A_666 = arith.index_cast %scan3A_628 : i32 to index
        %swap3A_667 = arith.constant 80 : index
        %swap3A_668 = tpu.vector_load %arg6[%swap3A_665, %swap3A_666, %swap3A_667] {strides = array<i32>} : memref<2x96x512xf32, #tpu.memory_space<vmem>>, vector<1x1x16xf32>,
        %swap3A_669 = vector.shape_cast %swap3A_668 : vector<1x1x16xf32> to vector<16xf32>
        %swap3A_670 = vector.shape_cast %get3A_95 : vector<16xf32> to vector<1x1x16xf32>
        tpu.vector_store %arg6[%swap3A_665, %swap3A_666, %swap3A_667], %swap3A_670 {add = true, strides = array<i32>} : memref<2x96x512xf32, #tpu.memory_space<vmem>>, vector<1x1x16xf32>,
        %swap3A_671 = arith.constant 0 : i32
        %swap3A_672 = arith.index_cast %swap3A_671 : i32 to index
        %swap3A_673 = arith.index_cast %scan3A_628 : i32 to index
        %swap3A_674 = arith.constant 96 : index
        %swap3A_675 = tpu.vector_load %arg6[%swap3A_672, %swap3A_673, %swap3A_674] {strides = array<i32>} : memref<2x96x512xf32, #tpu.memory_space<vmem>>, vector<1x1x16xf32>,
        %swap3A_676 = vector.shape_cast %swap3A_675 : vector<1x1x16xf32> to vector<16xf32>
        %swap3A_677 = vector.shape_cast %get3A_99 : vector<16xf32> to vector<1x1x16xf32>
        tpu.vector_store %arg6[%swap3A_672, %swap3A_673, %swap3A_674], %swap3A_677 {add = true, strides = array<i32>} : memref<2x96x512xf32, #tpu.memory_space<vmem>>, vector<1x1x16xf32>,
        %swap3A_678 = arith.constant 0 : i32
        %swap3A_679 = arith.index_cast %swap3A_678 : i32 to index
        %swap3A_680 = arith.index_cast %scan3A_628 : i32 to index
        %swap3A_681 = arith.constant 112 : index
        %swap3A_682 = tpu.vector_load %arg6[%swap3A_679, %swap3A_680, %swap3A_681] {strides = array<i32>} : memref<2x96x512xf32, #tpu.memory_space<vmem>>, vector<1x1x16xf32>,
        %swap3A_683 = vector.shape_cast %swap3A_682 : vector<1x1x16xf32> to vector<16xf32>
        %swap3A_684 = vector.shape_cast %get3A_103 : vector<16xf32> to vector<1x1x16xf32>
        tpu.vector_store %arg6[%swap3A_679, %swap3A_680, %swap3A_681], %swap3A_684 {add = true, strides = array<i32>} : memref<2x96x512xf32, #tpu.memory_space<vmem>>, vector<1x1x16xf32>,
        %swap3A_685 = arith.constant 0 : i32
        %swap3A_686 = arith.index_cast %swap3A_685 : i32 to index
        %swap3A_687 = arith.index_cast %scan3A_628 : i32 to index
        %swap3A_688 = arith.constant 128 : index
        %swap3A_689 = tpu.vector_load %arg6[%swap3A_686, %swap3A_687, %swap3A_688] {strides = array<i32>} : memref<2x96x512xf32, #tpu.memory_space<vmem>>, vector<1x1x16xf32>,
        %swap3A_690 = vector.shape_cast %swap3A_689 : vector<1x1x16xf32> to vector<16xf32>
        %swap3A_691 = vector.shape_cast %get3A_107 : vector<16xf32> to vector<1x1x16xf32>
        tpu.vector_store %arg6[%swap3A_686, %swap3A_687, %swap3A_688], %swap3A_691 {add = true, strides = array<i32>} : memref<2x96x512xf32, #tpu.memory_space<vmem>>, vector<1x1x16xf32>,
        %swap3A_692 = arith.constant 0 : i32
        %swap3A_693 = arith.index_cast %swap3A_692 : i32 to index
        %swap3A_694 = arith.index_cast %scan3A_628 : i32 to index
        %swap3A_695 = arith.constant 144 : index
        %swap3A_696 = tpu.vector_load %arg6[%swap3A_693, %swap3A_694, %swap3A_695] {strides = array<i32>} : memref<2x96x512xf32, #tpu.memory_space<vmem>>, vector<1x1x16xf32>,
        %swap3A_697 = vector.shape_cast %swap3A_696 : vector<1x1x16xf32> to vector<16xf32>
        %swap3A_698 = vector.shape_cast %get3A_111 : vector<16xf32> to vector<1x1x16xf32>
        tpu.vector_store %arg6[%swap3A_693, %swap3A_694, %swap3A_695], %swap3A_698 {add = true, strides = array<i32>} : memref<2x96x512xf32, #tpu.memory_space<vmem>>, vector<1x1x16xf32>,
        %swap3A_699 = arith.constant 0 : i32
        %swap3A_700 = arith.index_cast %swap3A_699 : i32 to index
        %swap3A_701 = arith.index_cast %scan3A_628 : i32 to index
        %swap3A_702 = arith.constant 160 : index
        %swap3A_703 = tpu.vector_load %arg6[%swap3A_700, %swap3A_701, %swap3A_702] {strides = array<i32>} : memref<2x96x512xf32, #tpu.memory_space<vmem>>, vector<1x1x16xf32>,
        %swap3A_704 = vector.shape_cast %swap3A_703 : vector<1x1x16xf32> to vector<16xf32>
        %swap3A_705 = vector.shape_cast %get3A_115 : vector<16xf32> to vector<1x1x16xf32>
        tpu.vector_store %arg6[%swap3A_700, %swap3A_701, %swap3A_702], %swap3A_705 {add = true, strides = array<i32>} : memref<2x96x512xf32, #tpu.memory_space<vmem>>, vector<1x1x16xf32>,
        %swap3A_706 = arith.constant 0 : i32
        %swap3A_707 = arith.index_cast %swap3A_706 : i32 to index
        %swap3A_708 = arith.index_cast %scan3A_628 : i32 to index
        %swap3A_709 = arith.constant 176 : index
        %swap3A_710 = tpu.vector_load %arg6[%swap3A_707, %swap3A_708, %swap3A_709] {strides = array<i32>} : memref<2x96x512xf32, #tpu.memory_space<vmem>>, vector<1x1x16xf32>,
        %swap3A_711 = vector.shape_cast %swap3A_710 : vector<1x1x16xf32> to vector<16xf32>
        %swap3A_712 = vector.shape_cast %get3A_119 : vector<16xf32> to vector<1x1x16xf32>
        tpu.vector_store %arg6[%swap3A_707, %swap3A_708, %swap3A_709], %swap3A_712 {add = true, strides = array<i32>} : memref<2x96x512xf32, #tpu.memory_space<vmem>>, vector<1x1x16xf32>,
        %swap3A_713 = arith.constant 0 : i32
        %swap3A_714 = arith.index_cast %swap3A_713 : i32 to index
        %swap3A_715 = arith.index_cast %scan3A_628 : i32 to index
        %swap3A_716 = arith.constant 192 : index
        %swap3A_717 = tpu.vector_load %arg6[%swap3A_714, %swap3A_715, %swap3A_716] {strides = array<i32>} : memref<2x96x512xf32, #tpu.memory_space<vmem>>, vector<1x1x16xf32>,
        %swap3A_718 = vector.shape_cast %swap3A_717 : vector<1x1x16xf32> to vector<16xf32>
        %swap3A_719 = vector.shape_cast %get3A_123 : vector<16xf32> to vector<1x1x16xf32>
        tpu.vector_store %arg6[%swap3A_714, %swap3A_715, %swap3A_716], %swap3A_719 {add = true, strides = array<i32>} : memref<2x96x512xf32, #tpu.memory_space<vmem>>, vector<1x1x16xf32>,
        %swap3A_720 = arith.constant 0 : i32
        %swap3A_721 = arith.index_cast %swap3A_720 : i32 to index
        %swap3A_722 = arith.index_cast %scan3A_628 : i32 to index
        %swap3A_723 = arith.constant 208 : index
        %swap3A_724 = tpu.vector_load %arg6[%swap3A_721, %swap3A_722, %swap3A_723] {strides = array<i32>} : memref<2x96x512xf32, #tpu.memory_space<vmem>>, vector<1x1x16xf32>,
        %swap3A_725 = vector.shape_cast %swap3A_724 : vector<1x1x16xf32> to vector<16xf32>
        %swap3A_726 = vector.shape_cast %get3A_127 : vector<16xf32> to vector<1x1x16xf32>
        tpu.vector_store %arg6[%swap3A_721, %swap3A_722, %swap3A_723], %swap3A_726 {add = true, strides = array<i32>} : memref<2x96x512xf32, #tpu.memory_space<vmem>>, vector<1x1x16xf32>,
        %swap3A_727 = arith.constant 0 : i32
        %swap3A_728 = arith.index_cast %swap3A_727 : i32 to index
        %swap3A_729 = arith.index_cast %scan3A_628 : i32 to index
        %swap3A_730 = arith.constant 224 : index
        %swap3A_731 = tpu.vector_load %arg6[%swap3A_728, %swap3A_729, %swap3A_730] {strides = array<i32>} : memref<2x96x512xf32, #tpu.memory_space<vmem>>, vector<1x1x16xf32>,
        %swap3A_732 = vector.shape_cast %swap3A_731 : vector<1x1x16xf32> to vector<16xf32>
        %swap3A_733 = vector.shape_cast %get3A_131 : vector<16xf32> to vector<1x1x16xf32>
        tpu.vector_store %arg6[%swap3A_728, %swap3A_729, %swap3A_730], %swap3A_733 {add = true, strides = array<i32>} : memref<2x96x512xf32, #tpu.memory_space<vmem>>, vector<1x1x16xf32>,
        %swap3A_734 = arith.constant 0 : i32
        %swap3A_735 = arith.index_cast %swap3A_734 : i32 to index
        %swap3A_736 = arith.index_cast %scan3A_628 : i32 to index
        %swap3A_737 = arith.constant 240 : index
        %swap3A_738 = tpu.vector_load %arg6[%swap3A_735, %swap3A_736, %swap3A_737] {strides = array<i32>} : memref<2x96x512xf32, #tpu.memory_space<vmem>>, vector<1x1x16xf32>,
        %swap3A_739 = vector.shape_cast %swap3A_738 : vector<1x1x16xf32> to vector<16xf32>
        %swap3A_740 = vector.shape_cast %get3A_135 : vector<16xf32> to vector<1x1x16xf32>
        tpu.vector_store %arg6[%swap3A_735, %swap3A_736, %swap3A_737], %swap3A_740 {add = true, strides = array<i32>} : memref<2x96x512xf32, #tpu.memory_space<vmem>>, vector<1x1x16xf32>,
        %swap3A_741 = arith.constant 0 : i32
        %swap3A_742 = arith.index_cast %swap3A_741 : i32 to index
        %swap3A_743 = arith.index_cast %scan3A_628 : i32 to index
        %swap3A_744 = arith.constant 256 : index
        %swap3A_745 = tpu.vector_load %arg6[%swap3A_742, %swap3A_743, %swap3A_744] {strides = array<i32>} : memref<2x96x512xf32, #tpu.memory_space<vmem>>, vector<1x1x16xf32>,
        %swap3A_746 = vector.shape_cast %swap3A_745 : vector<1x1x16xf32> to vector<16xf32>
        %swap3A_747 = vector.shape_cast %get3A_139 : vector<16xf32> to vector<1x1x16xf32>
        tpu.vector_store %arg6[%swap3A_742, %swap3A_743, %swap3A_744], %swap3A_747 {add = true, strides = array<i32>} : memref<2x96x512xf32, #tpu.memory_space<vmem>>, vector<1x1x16xf32>,
        %swap3A_748 = arith.constant 0 : i32
        %swap3A_749 = arith.index_cast %swap3A_748 : i32 to index
        %swap3A_750 = arith.index_cast %scan3A_628 : i32 to index
        %swap3A_751 = arith.constant 272 : index
        %swap3A_752 = tpu.vector_load %arg6[%swap3A_749, %swap3A_750, %swap3A_751] {strides = array<i32>} : memref<2x96x512xf32, #tpu.memory_space<vmem>>, vector<1x1x16xf32>,
        %swap3A_753 = vector.shape_cast %swap3A_752 : vector<1x1x16xf32> to vector<16xf32>
        %swap3A_754 = vector.shape_cast %get3A_143 : vector<16xf32> to vector<1x1x16xf32>
        tpu.vector_store %arg6[%swap3A_749, %swap3A_750, %swap3A_751], %swap3A_754 {add = true, strides = array<i32>} : memref<2x96x512xf32, #tpu.memory_space<vmem>>, vector<1x1x16xf32>,
        %swap3A_755 = arith.constant 0 : i32
        %swap3A_756 = arith.index_cast %swap3A_755 : i32 to index
        %swap3A_757 = arith.index_cast %scan3A_628 : i32 to index
        %swap3A_758 = arith.constant 288 : index
        %swap3A_759 = tpu.vector_load %arg6[%swap3A_756, %swap3A_757, %swap3A_758] {strides = array<i32>} : memref<2x96x512xf32, #tpu.memory_space<vmem>>, vector<1x1x16xf32>,
        %swap3A_760 = vector.shape_cast %swap3A_759 : vector<1x1x16xf32> to vector<16xf32>
        %swap3A_761 = vector.shape_cast %get3A_147 : vector<16xf32> to vector<1x1x16xf32>
        tpu.vector_store %arg6[%swap3A_756, %swap3A_757, %swap3A_758], %swap3A_761 {add = true, strides = array<i32>} : memref<2x96x512xf32, #tpu.memory_space<vmem>>, vector<1x1x16xf32>,
        %swap3A_762 = arith.constant 0 : i32
        %swap3A_763 = arith.index_cast %swap3A_762 : i32 to index
        %swap3A_764 = arith.index_cast %scan3A_628 : i32 to index
        %swap3A_765 = arith.constant 304 : index
        %swap3A_766 = tpu.vector_load %arg6[%swap3A_763, %swap3A_764, %swap3A_765] {strides = array<i32>} : memref<2x96x512xf32, #tpu.memory_space<vmem>>, vector<1x1x16xf32>,
        %swap3A_767 = vector.shape_cast %swap3A_766 : vector<1x1x16xf32> to vector<16xf32>
        %swap3A_768 = vector.shape_cast %get3A_151 : vector<16xf32> to vector<1x1x16xf32>
        tpu.vector_store %arg6[%swap3A_763, %swap3A_764, %swap3A_765], %swap3A_768 {add = true, strides = array<i32>} : memref<2x96x512xf32, #tpu.memory_space<vmem>>, vector<1x1x16xf32>,
        %swap3A_769 = arith.constant 0 : i32
        %swap3A_770 = arith.index_cast %swap3A_769 : i32 to index
        %swap3A_771 = arith.index_cast %scan3A_628 : i32 to index
        %swap3A_772 = arith.constant 320 : index
        %swap3A_773 = tpu.vector_load %arg6[%swap3A_770, %swap3A_771, %swap3A_772] {strides = array<i32>} : memref<2x96x512xf32, #tpu.memory_space<vmem>>, vector<1x1x16xf32>,
        %swap3A_774 = vector.shape_cast %swap3A_773 : vector<1x1x16xf32> to vector<16xf32>
        %swap3A_775 = vector.shape_cast %get3A_155 : vector<16xf32> to vector<1x1x16xf32>
        tpu.vector_store %arg6[%swap3A_770, %swap3A_771, %swap3A_772], %swap3A_775 {add = true, strides = array<i32>} : memref<2x96x512xf32, #tpu.memory_space<vmem>>, vector<1x1x16xf32>,
        %swap3A_776 = arith.constant 0 : i32
        %swap3A_777 = arith.index_cast %swap3A_776 : i32 to index
        %swap3A_778 = arith.index_cast %scan3A_628 : i32 to index
        %swap3A_779 = arith.constant 336 : index
        %swap3A_780 = tpu.vector_load %arg6[%swap3A_777, %swap3A_778, %swap3A_779] {strides = array<i32>} : memref<2x96x512xf32, #tpu.memory_space<vmem>>, vector<1x1x16xf32>,
        %swap3A_781 = vector.shape_cast %swap3A_780 : vector<1x1x16xf32> to vector<16xf32>
        %swap3A_782 = vector.shape_cast %get3A_159 : vector<16xf32> to vector<1x1x16xf32>
        tpu.vector_store %arg6[%swap3A_777, %swap3A_778, %swap3A_779], %swap3A_782 {add = true, strides = array<i32>} : memref<2x96x512xf32, #tpu.memory_space<vmem>>, vector<1x1x16xf32>,
        %swap3A_783 = arith.constant 0 : i32
        %swap3A_784 = arith.index_cast %swap3A_783 : i32 to index
        %swap3A_785 = arith.index_cast %scan3A_628 : i32 to index
        %swap3A_786 = arith.constant 352 : index
        %swap3A_787 = tpu.vector_load %arg6[%swap3A_784, %swap3A_785, %swap3A_786] {strides = array<i32>} : memref<2x96x512xf32, #tpu.memory_space<vmem>>, vector<1x1x16xf32>,
        %swap3A_788 = vector.shape_cast %swap3A_787 : vector<1x1x16xf32> to vector<16xf32>
        %swap3A_789 = vector.shape_cast %get3A_163 : vector<16xf32> to vector<1x1x16xf32>
        tpu.vector_store %arg6[%swap3A_784, %swap3A_785, %swap3A_786], %swap3A_789 {add = true, strides = array<i32>} : memref<2x96x512xf32, #tpu.memory_space<vmem>>, vector<1x1x16xf32>,
        %swap3A_790 = arith.constant 0 : i32
        %swap3A_791 = arith.index_cast %swap3A_790 : i32 to index
        %swap3A_792 = arith.index_cast %scan3A_628 : i32 to index
        %swap3A_793 = arith.constant 368 : index
        %swap3A_794 = tpu.vector_load %arg6[%swap3A_791, %swap3A_792, %swap3A_793] {strides = array<i32>} : memref<2x96x512xf32, #tpu.memory_space<vmem>>, vector<1x1x16xf32>,
        %swap3A_795 = vector.shape_cast %swap3A_794 : vector<1x1x16xf32> to vector<16xf32>
        %swap3A_796 = vector.shape_cast %get3A_167 : vector<16xf32> to vector<1x1x16xf32>
        tpu.vector_store %arg6[%swap3A_791, %swap3A_792, %swap3A_793], %swap3A_796 {add = true, strides = array<i32>} : memref<2x96x512xf32, #tpu.memory_space<vmem>>, vector<1x1x16xf32>,
        %swap3A_797 = arith.constant 0 : i32
        %swap3A_798 = arith.index_cast %swap3A_797 : i32 to index
        %swap3A_799 = arith.index_cast %scan3A_628 : i32 to index
        %swap3A_800 = arith.constant 384 : index
        %swap3A_801 = tpu.vector_load %arg6[%swap3A_798, %swap3A_799, %swap3A_800] {strides = array<i32>} : memref<2x96x512xf32, #tpu.memory_space<vmem>>, vector<1x1x16xf32>,
        %swap3A_802 = vector.shape_cast %swap3A_801 : vector<1x1x16xf32> to vector<16xf32>
        %swap3A_803 = vector.shape_cast %get3A_171 : vector<16xf32> to vector<1x1x16xf32>
        tpu.vector_store %arg6[%swap3A_798, %swap3A_799, %swap3A_800], %swap3A_803 {add = true, strides = array<i32>} : memref<2x96x512xf32, #tpu.memory_space<vmem>>, vector<1x1x16xf32>,
        %swap3A_804 = arith.constant 0 : i32
        %swap3A_805 = arith.index_cast %swap3A_804 : i32 to index
        %swap3A_806 = arith.index_cast %scan3A_628 : i32 to index
        %swap3A_807 = arith.constant 400 : index
        %swap3A_808 = tpu.vector_load %arg6[%swap3A_805, %swap3A_806, %swap3A_807] {strides = array<i32>} : memref<2x96x512xf32, #tpu.memory_space<vmem>>, vector<1x1x16xf32>,
        %swap3A_809 = vector.shape_cast %swap3A_808 : vector<1x1x16xf32> to vector<16xf32>
        %swap3A_810 = vector.shape_cast %get3A_175 : vector<16xf32> to vector<1x1x16xf32>
        tpu.vector_store %arg6[%swap3A_805, %swap3A_806, %swap3A_807], %swap3A_810 {add = true, strides = array<i32>} : memref<2x96x512xf32, #tpu.memory_space<vmem>>, vector<1x1x16xf32>,
        %swap3A_811 = arith.constant 0 : i32
        %swap3A_812 = arith.index_cast %swap3A_811 : i32 to index
        %swap3A_813 = arith.index_cast %scan3A_628 : i32 to index
        %swap3A_814 = arith.constant 416 : index
        %swap3A_815 = tpu.vector_load %arg6[%swap3A_812, %swap3A_813, %swap3A_814] {strides = array<i32>} : memref<2x96x512xf32, #tpu.memory_space<vmem>>, vector<1x1x16xf32>,
        %swap3A_816 = vector.shape_cast %swap3A_815 : vector<1x1x16xf32> to vector<16xf32>
        %swap3A_817 = vector.shape_cast %get3A_179 : vector<16xf32> to vector<1x1x16xf32>
        tpu.vector_store %arg6[%swap3A_812, %swap3A_813, %swap3A_814], %swap3A_817 {add = true, strides = array<i32>} : memref<2x96x512xf32, #tpu.memory_space<vmem>>, vector<1x1x16xf32>,
        %swap3A_818 = arith.constant 0 : i32
        %swap3A_819 = arith.index_cast %swap3A_818 : i32 to index
        %swap3A_820 = arith.index_cast %scan3A_628 : i32 to index
        %swap3A_821 = arith.constant 432 : index
        %swap3A_822 = tpu.vector_load %arg6[%swap3A_819, %swap3A_820, %swap3A_821] {strides = array<i32>} : memref<2x96x512xf32, #tpu.memory_space<vmem>>, vector<1x1x16xf32>,
        %swap3A_823 = vector.shape_cast %swap3A_822 : vector<1x1x16xf32> to vector<16xf32>
        %swap3A_824 = vector.shape_cast %get3A_183 : vector<16xf32> to vector<1x1x16xf32>
        tpu.vector_store %arg6[%swap3A_819, %swap3A_820, %swap3A_821], %swap3A_824 {add = true, strides = array<i32>} : memref<2x96x512xf32, #tpu.memory_space<vmem>>, vector<1x1x16xf32>,
        %swap3A_825 = arith.constant 0 : i32
        %swap3A_826 = arith.index_cast %swap3A_825 : i32 to index
        %swap3A_827 = arith.index_cast %scan3A_628 : i32 to index
        %swap3A_828 = arith.constant 448 : index
        %swap3A_829 = tpu.vector_load %arg6[%swap3A_826, %swap3A_827, %swap3A_828] {strides = array<i32>} : memref<2x96x512xf32, #tpu.memory_space<vmem>>, vector<1x1x16xf32>,
        %swap3A_830 = vector.shape_cast %swap3A_829 : vector<1x1x16xf32> to vector<16xf32>
        %swap3A_831 = vector.shape_cast %get3A_187 : vector<16xf32> to vector<1x1x16xf32>
        tpu.vector_store %arg6[%swap3A_826, %swap3A_827, %swap3A_828], %swap3A_831 {add = true, strides = array<i32>} : memref<2x96x512xf32, #tpu.memory_space<vmem>>, vector<1x1x16xf32>,
        %swap3A_832 = arith.constant 0 : i32
        %swap3A_833 = arith.index_cast %swap3A_832 : i32 to index
        %swap3A_834 = arith.index_cast %scan3A_628 : i32 to index
        %swap3A_835 = arith.constant 464 : index
        %swap3A_836 = tpu.vector_load %arg6[%swap3A_833, %swap3A_834, %swap3A_835] {strides = array<i32>} : memref<2x96x512xf32, #tpu.memory_space<vmem>>, vector<1x1x16xf32>,
        %swap3A_837 = vector.shape_cast %swap3A_836 : vector<1x1x16xf32> to vector<16xf32>
        %swap3A_838 = vector.shape_cast %get3A_191 : vector<16xf32> to vector<1x1x16xf32>
        tpu.vector_store %arg6[%swap3A_833, %swap3A_834, %swap3A_835], %swap3A_838 {add = true, strides = array<i32>} : memref<2x96x512xf32, #tpu.memory_space<vmem>>, vector<1x1x16xf32>,
        %swap3A_839 = arith.constant 0 : i32
        %swap3A_840 = arith.index_cast %swap3A_839 : i32 to index
        %swap3A_841 = arith.index_cast %scan3A_628 : i32 to index
        %swap3A_842 = arith.constant 480 : index
        %swap3A_843 = tpu.vector_load %arg6[%swap3A_840, %swap3A_841, %swap3A_842] {strides = array<i32>} : memref<2x96x512xf32, #tpu.memory_space<vmem>>, vector<1x1x16xf32>,
        %swap3A_844 = vector.shape_cast %swap3A_843 : vector<1x1x16xf32> to vector<16xf32>
        %swap3A_845 = vector.shape_cast %get3A_195 : vector<16xf32> to vector<1x1x16xf32>
        tpu.vector_store %arg6[%swap3A_840, %swap3A_841, %swap3A_842], %swap3A_845 {add = true, strides = array<i32>} : memref<2x96x512xf32, #tpu.memory_space<vmem>>, vector<1x1x16xf32>,
        %swap3A_846 = arith.constant 0 : i32
        %swap3A_847 = arith.index_cast %swap3A_846 : i32 to index
        %swap3A_848 = arith.index_cast %scan3A_628 : i32 to index
        %swap3A_849 = arith.constant 496 : index
        %swap3A_850 = tpu.vector_load %arg6[%swap3A_847, %swap3A_848, %swap3A_849] {strides = array<i32>} : memref<2x96x512xf32, #tpu.memory_space<vmem>>, vector<1x1x16xf32>,
        %swap3A_851 = vector.shape_cast %swap3A_850 : vector<1x1x16xf32> to vector<16xf32>
        %swap3A_852 = vector.shape_cast %get3A_199 : vector<16xf32> to vector<1x1x16xf32>
        tpu.vector_store %arg6[%swap3A_847, %swap3A_848, %swap3A_849], %swap3A_852 {add = true, strides = array<i32>} : memref<2x96x512xf32, #tpu.memory_space<vmem>>, vector<1x1x16xf32>,
      }
      %scan3A_205 = arith.constant 96 : i32
      %mul3A_206 = arith.constant 32 : i32
      %mul3A_207 = arith.muli %add3A_57, %mul3A_206 : i32
      %add3A_208 = arith.addi %mul3A_207, %add3A : i32
      %mul3A_209 = arith.constant 96 : i32
      %mul3A_210 = arith.muli %add3A_208, %mul3A_209 : i32
      %dma_start3A = arith.constant 0 : i32
      %dma_start3A_211 = arith.constant 0 : i32
      %dma_start3A_212 = arith.constant 0 : i32
      %dma_start3A_213 = tpu.memref_slice %arg6[%dma_start3A, %dma_start3A_211, %dma_start3A_212] : memref<2x96x512xf32, #tpu.memory_space<vmem>> -> memref<1x96x512xf32, #tpu.memory_space<vmem>>
      %dma_start3A_214 = tpu.memref_squeeze %dma_start3A_213 : memref<1x96x512xf32, #tpu.memory_space<vmem>> -> memref<96x512xf32, #tpu.memory_space<vmem>>
      %dma_start3A_215 = arith.constant 0 : i32
      %dma_start3A_216 = tpu.memref_slice %arg5[%mul3A_210, %dma_start3A_215] : memref<98304x512xf32, #tpu.memory_space<hbm>> -> memref<96x512xf32, #tpu.memory_space<hbm>>
      %dma_start3A_217 = arith.constant 0 : i32
      %dma_start3A_218 = tpu.memref_slice %arg5[%mul3A_210, %dma_start3A_217] : memref<98304x512xf32, #tpu.memory_space<hbm>> -> memref<96x512xf32, #tpu.memory_space<hbm>>
      %dma_start3A_219 = arith.constant 0 : i32
      %dma_start3A_220 = arith.constant 0 : i32
      %dma_start3A_221 = tpu.memref_slice %arg6[%dma_start3A, %dma_start3A_219, %dma_start3A_220] : memref<2x96x512xf32, #tpu.memory_space<vmem>> -> memref<1x96x512xf32, #tpu.memory_space<vmem>>
      %dma_start3A_222 = tpu.memref_squeeze %dma_start3A_221 : memref<1x96x512xf32, #tpu.memory_space<vmem>> -> memref<96x512xf32, #tpu.memory_space<vmem>>
      tpu.enqueue_dma source(%dma_start3A_222 : memref<96x512xf32, #tpu.memory_space<vmem>>) target(%dma_start3A_218 : memref<96x512xf32, #tpu.memory_space<hbm>>) target_semaphore(%arg12 : memref<!tpu.dma_semaphore, #tpu.memory_space<semaphore_mem>>)
      %lt3A = arith.constant 31 : i32
      %lt3A_223 = arith.cmpi slt, %add3A_57, %lt3A : i32
      %convert_element_type3A_224 = arith.extui %lt3A_223 : i1 to i32
      %cond3A_225 = arith.constant 0 : i32
      %cond3A_226 = arith.cmpi ne, %convert_element_type3A_224, %cond3A_225 : i32
      scf.if %cond3A_226 {
        %ge3A = arith.constant 1 : i32
        %ge3A_403 = arith.cmpi sge, %add3A_57, %ge3A : i32
        %convert_element_type3A_404 = arith.extui %ge3A_403 : i1 to i32
        %cond3A_405 = arith.constant 0 : i32
        %cond3A_406 = arith.cmpi ne, %convert_element_type3A_404, %cond3A_405 : i32
        scf.if %cond3A_406 {
          %sub3A = arith.constant 1 : i32
          %sub3A_421 = arith.subi %add3A_57, %sub3A : i32
          %mul3A_422 = arith.constant 32 : i32
          %mul3A_423 = arith.muli %sub3A_421, %mul3A_422 : i32
          %add3A_424 = arith.addi %mul3A_423, %add3A : i32
          %mul3A_425 = arith.constant 96 : i32
          %mul3A_426 = arith.muli %add3A_424, %mul3A_425 : i32
          %dma_wait3A_427 = arith.constant 1 : i32
          %dma_wait3A_428 = arith.constant 0 : i32
          %dma_wait3A_429 = arith.constant 0 : i32
          %dma_wait3A_430 = tpu.memref_slice %arg6[%dma_wait3A_427, %dma_wait3A_428, %dma_wait3A_429] : memref<2x96x512xf32, #tpu.memory_space<vmem>> -> memref<1x96x512xf32, #tpu.memory_space<vmem>>
          %dma_wait3A_431 = tpu.memref_squeeze %dma_wait3A_430 : memref<1x96x512xf32, #tpu.memory_space<vmem>> -> memref<96x512xf32, #tpu.memory_space<vmem>>
          %dma_wait3A_432 = arith.constant 0 : i32
          %dma_wait3A_433 = tpu.memref_slice %arg5[%mul3A_426, %dma_wait3A_432] : memref<98304x512xf32, #tpu.memory_space<hbm>> -> memref<96x512xf32, #tpu.memory_space<hbm>>
          %dma_wait3A_434 = arith.constant 0 : i32
          %dma_wait3A_435 = tpu.memref_slice %arg5[%mul3A_426, %dma_wait3A_434] : memref<98304x512xf32, #tpu.memory_space<hbm>> -> memref<96x512xf32, #tpu.memory_space<hbm>>
          %dma_wait3A_436 = arith.constant 0 : i32
          %dma_wait3A_437 = arith.constant 0 : i32
          %dma_wait3A_438 = tpu.memref_slice %arg6[%dma_wait3A_427, %dma_wait3A_436, %dma_wait3A_437] : memref<2x96x512xf32, #tpu.memory_space<vmem>> -> memref<1x96x512xf32, #tpu.memory_space<vmem>>
          %dma_wait3A_439 = tpu.memref_squeeze %dma_wait3A_438 : memref<1x96x512xf32, #tpu.memory_space<vmem>> -> memref<96x512xf32, #tpu.memory_space<vmem>>
          tpu.wait_dma2 semaphore(%arg12 : memref<!tpu.dma_semaphore, #tpu.memory_space<semaphore_mem>>) src(%dma_wait3A_439 : memref<96x512xf32, #tpu.memory_space<vmem>>) dst(%dma_wait3A_435 : memref<96x512xf32, #tpu.memory_space<hbm>>)
        } else {
        }
        %add3A_407 = arith.constant 1 : i32
        %add3A_408 = arith.addi %add3A_57, %add3A_407 : i32
        %mul3A_409 = arith.constant 32 : i32
        %mul3A_410 = arith.muli %add3A_408, %mul3A_409 : i32
        %add3A_411 = arith.addi %mul3A_410, %add3A : i32
        %mul3A_412 = arith.constant 96 : i32
        %mul3A_413 = arith.muli %add3A_411, %mul3A_412 : i32
        %run_scoped3A_414 = arith.constant 1 : i32
        "tpu.region"() ({
          %run_scoped3A_421 = tpu.sem_alloc : memref<!tpu.dma_semaphore, #tpu.memory_space<semaphore_mem>>
          %dma_start3A_422 = arith.constant 0 : i32
          %dma_start3A_423 = tpu.memref_slice %arg10[%run_scoped3A_414, %dma_start3A_422] : memref<2x96xi32, #tpu.memory_space<smem>> -> memref<1x96xi32, #tpu.memory_space<smem>>
          %dma_start3A_424 = tpu.memref_squeeze %dma_start3A_423 : memref<1x96xi32, #tpu.memory_space<smem>> -> memref<96xi32, #tpu.memory_space<smem>>
          %dma_start3A_425 = tpu.memref_slice %arg9[%mul3A_413] : memref<98304xi32, #tpu.memory_space<vmem_shared>> -> memref<96xi32, #tpu.memory_space<vmem_shared>>
          tpu.enqueue_dma source(%dma_start3A_425 : memref<96xi32, #tpu.memory_space<vmem_shared>>) target(%dma_start3A_424 : memref<96xi32, #tpu.memory_space<smem>>) target_semaphore(%run_scoped3A_421 : memref<!tpu.dma_semaphore, #tpu.memory_space<semaphore_mem>>)
          %dma_wait3A_426 = arith.constant 0 : i32
          %dma_wait3A_427 = tpu.memref_slice %arg10[%run_scoped3A_414, %dma_wait3A_426] : memref<2x96xi32, #tpu.memory_space<smem>> -> memref<1x96xi32, #tpu.memory_space<smem>>
          %dma_wait3A_428 = tpu.memref_squeeze %dma_wait3A_427 : memref<1x96xi32, #tpu.memory_space<smem>> -> memref<96xi32, #tpu.memory_space<smem>>
          %dma_wait3A_429 = tpu.memref_slice %arg9[%mul3A_413] : memref<98304xi32, #tpu.memory_space<vmem_shared>> -> memref<96xi32, #tpu.memory_space<vmem_shared>>
          tpu.wait_dma2 semaphore(%run_scoped3A_421 : memref<!tpu.dma_semaphore, #tpu.memory_space<semaphore_mem>>) src(%dma_wait3A_429 : memref<96xi32, #tpu.memory_space<vmem_shared>>) dst(%dma_wait3A_428 : memref<96xi32, #tpu.memory_space<smem>>)
          tpu.yield
        }) : () -> ()
        %scan3A_415 = arith.constant 0 : i32
        %scan3A_416 = arith.constant 0 : i32
        %scan3A_417 = arith.constant 96 : i32
        %scan3A_418 = arith.addi %scan3A_416, %scan3A_417 : i32
        %scan3A_419 = arith.constant 4 : i32
        scf.for %scan3A_421 = %scan3A_416 to %scan3A_418 step %scan3A_419  : i32 {
          %get3A_422 = arith.constant 1 : i32
          %get3A_423 = arith.index_cast %get3A_422 : i32 to index
          %get3A_424 = arith.index_cast %scan3A_421 : i32 to index
          %get3A_425 = memref.load %arg10[%get3A_423, %get3A_424] : memref<2x96xi32, #tpu.memory_space<smem>>
          %jit3A = arith.constant 3 : i32
          %eq3A_426 = arith.constant 0 : i32
          %eq3A_427 = arith.cmpi eq, %jit3A, %eq3A_426 : i32
          %jit3A_428 = arith.constant 1 : i32
          %select_n3A = arith.select %eq3A_427, %jit3A_428, %jit3A : i32
          %rem3A = arith.remsi %scan3A_421, %select_n3A : i32
          %ne3A = arith.constant 0 : i32
          %ne3A_429 = arith.cmpi ne, %rem3A, %ne3A : i32
          %lt3A_430 = arith.constant 0 : i32
          %lt3A_431 = arith.cmpi slt, %rem3A, %lt3A_430 : i32
          %lt3A_432 = arith.constant 0 : i32
          %lt3A_433 = arith.cmpi slt, %select_n3A, %lt3A_432 : i32
          %ne3A_434 = arith.xori %lt3A_431, %lt3A_433 : i1
          %and3A = arith.andi %ne3A_434, %ne3A_429 : i1
          %add3A_435 = arith.addi %rem3A, %select_n3A : i32
          %select_n3A_436 = arith.select %and3A, %add3A_435, %rem3A : i32
          %eq3A_437 = arith.constant 0 : i32
          %eq3A_438 = arith.cmpi eq, %select_n3A_436, %eq3A_437 : i32
          %jit3A_439 = arith.constant 0 : i32
          %jit3A_440 = arith.constant 128 : i32
          %select_n3A_441 = arith.select %eq3A_438, %jit3A_439, %jit3A_440 : i32
          %add3A_442 = arith.addi %get3A_425, %select_n3A_441 : i32
          %dma_start3A_443 = arith.constant 1 : i32
          %dma_start3A_444 = arith.constant 0 : i32
          %dma_start3A_445 = tpu.memref_slice %arg6[%dma_start3A_443, %scan3A_421, %dma_start3A_444] : memref<2x96x512xf32, #tpu.memory_space<vmem>> -> memref<1x1x512xf32, #tpu.memory_space<vmem>>
          %dma_start3A_446 = tpu.memref_squeeze %dma_start3A_445 : memref<1x1x512xf32, #tpu.memory_space<vmem>> -> memref<512xf32, #tpu.memory_space<vmem>>
          %dma_start3A_447 = arith.constant 0 : i32
          %dma_start3A_448 = tpu.memref_slice %arg8[%add3A_442, %dma_start3A_447] : memref<256x512xf32, #tpu.memory_space<vmem_shared>> -> memref<1x512xf32, #tpu.memory_space<vmem_shared>>
          %dma_start3A_449 = tpu.memref_squeeze %dma_start3A_448 : memref<1x512xf32, #tpu.memory_space<vmem_shared>> -> memref<512xf32, #tpu.memory_space<vmem_shared>>
          %dma_start3A_450 = arith.constant 0 : i32
          %dma_start3A_451 = tpu.memref_slice %arg6[%dma_start3A_443, %scan3A_421, %dma_start3A_450] : memref<2x96x512xf32, #tpu.memory_space<vmem>> -> memref<1x1x512xf32, #tpu.memory_space<vmem>>
          %dma_start3A_452 = tpu.memref_squeeze %dma_start3A_451 : memref<1x1x512xf32, #tpu.memory_space<vmem>> -> memref<512xf32, #tpu.memory_space<vmem>>
          %dma_start3A_453 = arith.constant 0 : i32
          %dma_start3A_454 = tpu.memref_slice %arg8[%add3A_442, %dma_start3A_453] : memref<256x512xf32, #tpu.memory_space<vmem_shared>> -> memref<1x512xf32, #tpu.memory_space<vmem_shared>>
          %dma_start3A_455 = tpu.memref_squeeze %dma_start3A_454 : memref<1x512xf32, #tpu.memory_space<vmem_shared>> -> memref<512xf32, #tpu.memory_space<vmem_shared>>
          tpu.enqueue_dma source(%dma_start3A_455 : memref<512xf32, #tpu.memory_space<vmem_shared>>) target(%dma_start3A_452 : memref<512xf32, #tpu.memory_space<vmem>>) target_semaphore(%arg11 : memref<!tpu.dma_semaphore, #tpu.memory_space<semaphore_mem>>)
          %scan3A_456 = arith.constant 1 : i32
          %scan3A_457 = arith.addi %scan3A_421, %scan3A_456 : i32
          %get3A_458 = arith.constant 1 : i32
          %get3A_459 = arith.index_cast %get3A_458 : i32 to index
          %get3A_460 = arith.index_cast %scan3A_457 : i32 to index
          %get3A_461 = memref.load %arg10[%get3A_459, %get3A_460] : memref<2x96xi32, #tpu.memory_space<smem>>
          %jit3A_462 = arith.constant 3 : i32
          %eq3A_463 = arith.constant 0 : i32
          %eq3A_464 = arith.cmpi eq, %jit3A_462, %eq3A_463 : i32
          %jit3A_465 = arith.constant 1 : i32
          %select_n3A_466 = arith.select %eq3A_464, %jit3A_465, %jit3A_462 : i32
          %rem3A_467 = arith.remsi %scan3A_457, %select_n3A_466 : i32
          %ne3A_468 = arith.constant 0 : i32
          %ne3A_469 = arith.cmpi ne, %rem3A_467, %ne3A_468 : i32
          %lt3A_470 = arith.constant 0 : i32
          %lt3A_471 = arith.cmpi slt, %rem3A_467, %lt3A_470 : i32
          %lt3A_472 = arith.constant 0 : i32
          %lt3A_473 = arith.cmpi slt, %select_n3A_466, %lt3A_472 : i32
          %ne3A_474 = arith.xori %lt3A_471, %lt3A_473 : i1
          %and3A_475 = arith.andi %ne3A_474, %ne3A_469 : i1
          %add3A_476 = arith.addi %rem3A_467, %select_n3A_466 : i32
          %select_n3A_477 = arith.select %and3A_475, %add3A_476, %rem3A_467 : i32
          %eq3A_478 = arith.constant 0 : i32
          %eq3A_479 = arith.cmpi eq, %select_n3A_477, %eq3A_478 : i32
          %jit3A_480 = arith.constant 0 : i32
          %jit3A_481 = arith.constant 128 : i32
          %select_n3A_482 = arith.select %eq3A_479, %jit3A_480, %jit3A_481 : i32
          %add3A_483 = arith.addi %get3A_461, %select_n3A_482 : i32
          %dma_start3A_484 = arith.constant 1 : i32
          %dma_start3A_485 = arith.constant 0 : i32
          %dma_start3A_486 = tpu.memref_slice %arg6[%dma_start3A_484, %scan3A_457, %dma_start3A_485] : memref<2x96x512xf32, #tpu.memory_space<vmem>> -> memref<1x1x512xf32, #tpu.memory_space<vmem>>
          %dma_start3A_487 = tpu.memref_squeeze %dma_start3A_486 : memref<1x1x512xf32, #tpu.memory_space<vmem>> -> memref<512xf32, #tpu.memory_space<vmem>>
          %dma_start3A_488 = arith.constant 0 : i32
          %dma_start3A_489 = tpu.memref_slice %arg8[%add3A_483, %dma_start3A_488] : memref<256x512xf32, #tpu.memory_space<vmem_shared>> -> memref<1x512xf32, #tpu.memory_space<vmem_shared>>
          %dma_start3A_490 = tpu.memref_squeeze %dma_start3A_489 : memref<1x512xf32, #tpu.memory_space<vmem_shared>> -> memref<512xf32, #tpu.memory_space<vmem_shared>>
          %dma_start3A_491 = arith.constant 0 : i32
          %dma_start3A_492 = tpu.memref_slice %arg6[%dma_start3A_484, %scan3A_457, %dma_start3A_491] : memref<2x96x512xf32, #tpu.memory_space<vmem>> -> memref<1x1x512xf32, #tpu.memory_space<vmem>>
          %dma_start3A_493 = tpu.memref_squeeze %dma_start3A_492 : memref<1x1x512xf32, #tpu.memory_space<vmem>> -> memref<512xf32, #tpu.memory_space<vmem>>
          %dma_start3A_494 = arith.constant 0 : i32
          %dma_start3A_495 = tpu.memref_slice %arg8[%add3A_483, %dma_start3A_494] : memref<256x512xf32, #tpu.memory_space<vmem_shared>> -> memref<1x512xf32, #tpu.memory_space<vmem_shared>>
          %dma_start3A_496 = tpu.memref_squeeze %dma_start3A_495 : memref<1x512xf32, #tpu.memory_space<vmem_shared>> -> memref<512xf32, #tpu.memory_space<vmem_shared>>
          tpu.enqueue_dma source(%dma_start3A_496 : memref<512xf32, #tpu.memory_space<vmem_shared>>) target(%dma_start3A_493 : memref<512xf32, #tpu.memory_space<vmem>>) target_semaphore(%arg11 : memref<!tpu.dma_semaphore, #tpu.memory_space<semaphore_mem>>)
          %scan3A_497 = arith.constant 2 : i32
          %scan3A_498 = arith.addi %scan3A_421, %scan3A_497 : i32
          %get3A_499 = arith.constant 1 : i32
          %get3A_500 = arith.index_cast %get3A_499 : i32 to index
          %get3A_501 = arith.index_cast %scan3A_498 : i32 to index
          %get3A_502 = memref.load %arg10[%get3A_500, %get3A_501] : memref<2x96xi32, #tpu.memory_space<smem>>
          %jit3A_503 = arith.constant 3 : i32
          %eq3A_504 = arith.constant 0 : i32
          %eq3A_505 = arith.cmpi eq, %jit3A_503, %eq3A_504 : i32
          %jit3A_506 = arith.constant 1 : i32
          %select_n3A_507 = arith.select %eq3A_505, %jit3A_506, %jit3A_503 : i32
          %rem3A_508 = arith.remsi %scan3A_498, %select_n3A_507 : i32
          %ne3A_509 = arith.constant 0 : i32
          %ne3A_510 = arith.cmpi ne, %rem3A_508, %ne3A_509 : i32
          %lt3A_511 = arith.constant 0 : i32
          %lt3A_512 = arith.cmpi slt, %rem3A_508, %lt3A_511 : i32
          %lt3A_513 = arith.constant 0 : i32
          %lt3A_514 = arith.cmpi slt, %select_n3A_507, %lt3A_513 : i32
          %ne3A_515 = arith.xori %lt3A_512, %lt3A_514 : i1
          %and3A_516 = arith.andi %ne3A_515, %ne3A_510 : i1
          %add3A_517 = arith.addi %rem3A_508, %select_n3A_507 : i32
          %select_n3A_518 = arith.select %and3A_516, %add3A_517, %rem3A_508 : i32
          %eq3A_519 = arith.constant 0 : i32
          %eq3A_520 = arith.cmpi eq, %select_n3A_518, %eq3A_519 : i32
          %jit3A_521 = arith.constant 0 : i32
          %jit3A_522 = arith.constant 128 : i32
          %select_n3A_523 = arith.select %eq3A_520, %jit3A_521, %jit3A_522 : i32
          %add3A_524 = arith.addi %get3A_502, %select_n3A_523 : i32
          %dma_start3A_525 = arith.constant 1 : i32
          %dma_start3A_526 = arith.constant 0 : i32
          %dma_start3A_527 = tpu.memref_slice %arg6[%dma_start3A_525, %scan3A_498, %dma_start3A_526] : memref<2x96x512xf32, #tpu.memory_space<vmem>> -> memref<1x1x512xf32, #tpu.memory_space<vmem>>
          %dma_start3A_528 = tpu.memref_squeeze %dma_start3A_527 : memref<1x1x512xf32, #tpu.memory_space<vmem>> -> memref<512xf32, #tpu.memory_space<vmem>>
          %dma_start3A_529 = arith.constant 0 : i32
          %dma_start3A_530 = tpu.memref_slice %arg8[%add3A_524, %dma_start3A_529] : memref<256x512xf32, #tpu.memory_space<vmem_shared>> -> memref<1x512xf32, #tpu.memory_space<vmem_shared>>
          %dma_start3A_531 = tpu.memref_squeeze %dma_start3A_530 : memref<1x512xf32, #tpu.memory_space<vmem_shared>> -> memref<512xf32, #tpu.memory_space<vmem_shared>>
          %dma_start3A_532 = arith.constant 0 : i32
          %dma_start3A_533 = tpu.memref_slice %arg6[%dma_start3A_525, %scan3A_498, %dma_start3A_532] : memref<2x96x512xf32, #tpu.memory_space<vmem>> -> memref<1x1x512xf32, #tpu.memory_space<vmem>>
          %dma_start3A_534 = tpu.memref_squeeze %dma_start3A_533 : memref<1x1x512xf32, #tpu.memory_space<vmem>> -> memref<512xf32, #tpu.memory_space<vmem>>
          %dma_start3A_535 = arith.constant 0 : i32
          %dma_start3A_536 = tpu.memref_slice %arg8[%add3A_524, %dma_start3A_535] : memref<256x512xf32, #tpu.memory_space<vmem_shared>> -> memref<1x512xf32, #tpu.memory_space<vmem_shared>>
          %dma_start3A_537 = tpu.memref_squeeze %dma_start3A_536 : memref<1x512xf32, #tpu.memory_space<vmem_shared>> -> memref<512xf32, #tpu.memory_space<vmem_shared>>
          tpu.enqueue_dma source(%dma_start3A_537 : memref<512xf32, #tpu.memory_space<vmem_shared>>) target(%dma_start3A_534 : memref<512xf32, #tpu.memory_space<vmem>>) target_semaphore(%arg11 : memref<!tpu.dma_semaphore, #tpu.memory_space<semaphore_mem>>)
          %scan3A_538 = arith.constant 3 : i32
          %scan3A_539 = arith.addi %scan3A_421, %scan3A_538 : i32
          %get3A_540 = arith.constant 1 : i32
          %get3A_541 = arith.index_cast %get3A_540 : i32 to index
          %get3A_542 = arith.index_cast %scan3A_539 : i32 to index
          %get3A_543 = memref.load %arg10[%get3A_541, %get3A_542] : memref<2x96xi32, #tpu.memory_space<smem>>
          %jit3A_544 = arith.constant 3 : i32
          %eq3A_545 = arith.constant 0 : i32
          %eq3A_546 = arith.cmpi eq, %jit3A_544, %eq3A_545 : i32
          %jit3A_547 = arith.constant 1 : i32
          %select_n3A_548 = arith.select %eq3A_546, %jit3A_547, %jit3A_544 : i32
          %rem3A_549 = arith.remsi %scan3A_539, %select_n3A_548 : i32
          %ne3A_550 = arith.constant 0 : i32
          %ne3A_551 = arith.cmpi ne, %rem3A_549, %ne3A_550 : i32
          %lt3A_552 = arith.constant 0 : i32
          %lt3A_553 = arith.cmpi slt, %rem3A_549, %lt3A_552 : i32
          %lt3A_554 = arith.constant 0 : i32
          %lt3A_555 = arith.cmpi slt, %select_n3A_548, %lt3A_554 : i32
          %ne3A_556 = arith.xori %lt3A_553, %lt3A_555 : i1
          %and3A_557 = arith.andi %ne3A_556, %ne3A_551 : i1
          %add3A_558 = arith.addi %rem3A_549, %select_n3A_548 : i32
          %select_n3A_559 = arith.select %and3A_557, %add3A_558, %rem3A_549 : i32
          %eq3A_560 = arith.constant 0 : i32
          %eq3A_561 = arith.cmpi eq, %select_n3A_559, %eq3A_560 : i32
          %jit3A_562 = arith.constant 0 : i32
          %jit3A_563 = arith.constant 128 : i32
          %select_n3A_564 = arith.select %eq3A_561, %jit3A_562, %jit3A_563 : i32
          %add3A_565 = arith.addi %get3A_543, %select_n3A_564 : i32
          %dma_start3A_566 = arith.constant 1 : i32
          %dma_start3A_567 = arith.constant 0 : i32
          %dma_start3A_568 = tpu.memref_slice %arg6[%dma_start3A_566, %scan3A_539, %dma_start3A_567] : memref<2x96x512xf32, #tpu.memory_space<vmem>> -> memref<1x1x512xf32, #tpu.memory_space<vmem>>
          %dma_start3A_569 = tpu.memref_squeeze %dma_start3A_568 : memref<1x1x512xf32, #tpu.memory_space<vmem>> -> memref<512xf32, #tpu.memory_space<vmem>>
          %dma_start3A_570 = arith.constant 0 : i32
          %dma_start3A_571 = tpu.memref_slice %arg8[%add3A_565, %dma_start3A_570] : memref<256x512xf32, #tpu.memory_space<vmem_shared>> -> memref<1x512xf32, #tpu.memory_space<vmem_shared>>
          %dma_start3A_572 = tpu.memref_squeeze %dma_start3A_571 : memref<1x512xf32, #tpu.memory_space<vmem_shared>> -> memref<512xf32, #tpu.memory_space<vmem_shared>>
          %dma_start3A_573 = arith.constant 0 : i32
          %dma_start3A_574 = tpu.memref_slice %arg6[%dma_start3A_566, %scan3A_539, %dma_start3A_573] : memref<2x96x512xf32, #tpu.memory_space<vmem>> -> memref<1x1x512xf32, #tpu.memory_space<vmem>>
          %dma_start3A_575 = tpu.memref_squeeze %dma_start3A_574 : memref<1x1x512xf32, #tpu.memory_space<vmem>> -> memref<512xf32, #tpu.memory_space<vmem>>
          %dma_start3A_576 = arith.constant 0 : i32
          %dma_start3A_577 = tpu.memref_slice %arg8[%add3A_565, %dma_start3A_576] : memref<256x512xf32, #tpu.memory_space<vmem_shared>> -> memref<1x512xf32, #tpu.memory_space<vmem_shared>>
          %dma_start3A_578 = tpu.memref_squeeze %dma_start3A_577 : memref<1x512xf32, #tpu.memory_space<vmem_shared>> -> memref<512xf32, #tpu.memory_space<vmem_shared>>
          tpu.enqueue_dma source(%dma_start3A_578 : memref<512xf32, #tpu.memory_space<vmem_shared>>) target(%dma_start3A_575 : memref<512xf32, #tpu.memory_space<vmem>>) target_semaphore(%arg11 : memref<!tpu.dma_semaphore, #tpu.memory_space<semaphore_mem>>)
        }
        %scan3A_420 = arith.constant 96 : i32
      } else {
      }
      %mul3A_227 = arith.constant 2 : i32
      %mul3A_228 = arith.muli %scan3A_53, %mul3A_227 : i32
      %add3A_229 = arith.constant 1 : i32
      %add3A_230 = arith.addi %mul3A_228, %add3A_229 : i32
      %dma_wait3A_231 = arith.constant 1 : i32
      %dma_wait3A_232 = arith.constant 0 : i32
      %dma_wait3A_233 = arith.constant 0 : i32
      %dma_wait3A_234 = tpu.memref_slice %arg6[%dma_wait3A_231, %dma_wait3A_232, %dma_wait3A_233] : memref<2x96x512xf32, #tpu.memory_space<vmem>> -> memref<1x96x512xf32, #tpu.memory_space<vmem>>
      %dma_wait3A_235 = tpu.memref_squeeze %dma_wait3A_234 : memref<1x96x512xf32, #tpu.memory_space<vmem>> -> memref<96x512xf32, #tpu.memory_space<vmem>>
      %dma_wait3A_236 = arith.constant 0 : i32
      %dma_wait3A_237 = arith.constant 0 : i32
      %dma_wait3A_238 = tpu.memref_slice %arg3[%dma_wait3A_236, %dma_wait3A_237] : memref<256x512xf32, #tpu.memory_space<hbm>> -> memref<96x512xf32, #tpu.memory_space<hbm>>
      %dma_wait3A_239 = arith.constant 0 : i32
      %dma_wait3A_240 = arith.constant 0 : i32
      %dma_wait3A_241 = tpu.memref_slice %arg6[%dma_wait3A_231, %dma_wait3A_239, %dma_wait3A_240] : memref<2x96x512xf32, #tpu.memory_space<vmem>> -> memref<1x96x512xf32, #tpu.memory_space<vmem>>
      %dma_wait3A_242 = tpu.memref_squeeze %dma_wait3A_241 : memref<1x96x512xf32, #tpu.memory_space<vmem>> -> memref<96x512xf32, #tpu.memory_space<vmem>>
      %dma_wait3A_243 = arith.constant 0 : i32
      %dma_wait3A_244 = arith.constant 0 : i32
      %dma_wait3A_245 = tpu.memref_slice %arg3[%dma_wait3A_243, %dma_wait3A_244] : memref<256x512xf32, #tpu.memory_space<hbm>> -> memref<96x512xf32, #tpu.memory_space<hbm>>
      tpu.wait_dma2 semaphore(%arg11 : memref<!tpu.dma_semaphore, #tpu.memory_space<semaphore_mem>>) src(%dma_wait3A_245 : memref<96x512xf32, #tpu.memory_space<hbm>>) dst(%dma_wait3A_242 : memref<96x512xf32, #tpu.memory_space<vmem>>)
      %get3A_246 = arith.index_cast %add3A_230 : i32 to index
      %get3A_247 = arith.constant 0 : index
      %get3A_248 = tpu.vector_load %arg7[%get3A_246, %get3A_247] {strides = array<i32>} : memref<32x512xf32, #tpu.memory_space<vmem>>, vector<1x16xf32>,
      %get3A_249 = vector.shape_cast %get3A_248 : vector<1x16xf32> to vector<16xf32>
      %get3A_250 = arith.index_cast %add3A_230 : i32 to index
      %get3A_251 = arith.constant 16 : index
      %get3A_252 = tpu.vector_load %arg7[%get3A_250, %get3A_251] {strides = array<i32>} : memref<32x512xf32, #tpu.memory_space<vmem>>, vector<1x16xf32>,
      %get3A_253 = vector.shape_cast %get3A_252 : vector<1x16xf32> to vector<16xf32>
      %get3A_254 = arith.index_cast %add3A_230 : i32 to index
      %get3A_255 = arith.constant 32 : index
      %get3A_256 = tpu.vector_load %arg7[%get3A_254, %get3A_255] {strides = array<i32>} : memref<32x512xf32, #tpu.memory_space<vmem>>, vector<1x16xf32>,
      %get3A_257 = vector.shape_cast %get3A_256 : vector<1x16xf32> to vector<16xf32>
      %get3A_258 = arith.index_cast %add3A_230 : i32 to index
      %get3A_259 = arith.constant 48 : index
      %get3A_260 = tpu.vector_load %arg7[%get3A_258, %get3A_259] {strides = array<i32>} : memref<32x512xf32, #tpu.memory_space<vmem>>, vector<1x16xf32>,
      %get3A_261 = vector.shape_cast %get3A_260 : vector<1x16xf32> to vector<16xf32>
      %get3A_262 = arith.index_cast %add3A_230 : i32 to index
      %get3A_263 = arith.constant 64 : index
      %get3A_264 = tpu.vector_load %arg7[%get3A_262, %get3A_263] {strides = array<i32>} : memref<32x512xf32, #tpu.memory_space<vmem>>, vector<1x16xf32>,
      %get3A_265 = vector.shape_cast %get3A_264 : vector<1x16xf32> to vector<16xf32>
      %get3A_266 = arith.index_cast %add3A_230 : i32 to index
      %get3A_267 = arith.constant 80 : index
      %get3A_268 = tpu.vector_load %arg7[%get3A_266, %get3A_267] {strides = array<i32>} : memref<32x512xf32, #tpu.memory_space<vmem>>, vector<1x16xf32>,
      %get3A_269 = vector.shape_cast %get3A_268 : vector<1x16xf32> to vector<16xf32>
      %get3A_270 = arith.index_cast %add3A_230 : i32 to index
      %get3A_271 = arith.constant 96 : index
      %get3A_272 = tpu.vector_load %arg7[%get3A_270, %get3A_271] {strides = array<i32>} : memref<32x512xf32, #tpu.memory_space<vmem>>, vector<1x16xf32>,
      %get3A_273 = vector.shape_cast %get3A_272 : vector<1x16xf32> to vector<16xf32>
      %get3A_274 = arith.index_cast %add3A_230 : i32 to index
      %get3A_275 = arith.constant 112 : index
      %get3A_276 = tpu.vector_load %arg7[%get3A_274, %get3A_275] {strides = array<i32>} : memref<32x512xf32, #tpu.memory_space<vmem>>, vector<1x16xf32>,
      %get3A_277 = vector.shape_cast %get3A_276 : vector<1x16xf32> to vector<16xf32>
      %get3A_278 = arith.index_cast %add3A_230 : i32 to index
      %get3A_279 = arith.constant 128 : index
      %get3A_280 = tpu.vector_load %arg7[%get3A_278, %get3A_279] {strides = array<i32>} : memref<32x512xf32, #tpu.memory_space<vmem>>, vector<1x16xf32>,
      %get3A_281 = vector.shape_cast %get3A_280 : vector<1x16xf32> to vector<16xf32>
      %get3A_282 = arith.index_cast %add3A_230 : i32 to index
      %get3A_283 = arith.constant 144 : index
      %get3A_284 = tpu.vector_load %arg7[%get3A_282, %get3A_283] {strides = array<i32>} : memref<32x512xf32, #tpu.memory_space<vmem>>, vector<1x16xf32>,
      %get3A_285 = vector.shape_cast %get3A_284 : vector<1x16xf32> to vector<16xf32>
      %get3A_286 = arith.index_cast %add3A_230 : i32 to index
      %get3A_287 = arith.constant 160 : index
      %get3A_288 = tpu.vector_load %arg7[%get3A_286, %get3A_287] {strides = array<i32>} : memref<32x512xf32, #tpu.memory_space<vmem>>, vector<1x16xf32>,
      %get3A_289 = vector.shape_cast %get3A_288 : vector<1x16xf32> to vector<16xf32>
      %get3A_290 = arith.index_cast %add3A_230 : i32 to index
      %get3A_291 = arith.constant 176 : index
      %get3A_292 = tpu.vector_load %arg7[%get3A_290, %get3A_291] {strides = array<i32>} : memref<32x512xf32, #tpu.memory_space<vmem>>, vector<1x16xf32>,
      %get3A_293 = vector.shape_cast %get3A_292 : vector<1x16xf32> to vector<16xf32>
      %get3A_294 = arith.index_cast %add3A_230 : i32 to index
      %get3A_295 = arith.constant 192 : index
      %get3A_296 = tpu.vector_load %arg7[%get3A_294, %get3A_295] {strides = array<i32>} : memref<32x512xf32, #tpu.memory_space<vmem>>, vector<1x16xf32>,
      %get3A_297 = vector.shape_cast %get3A_296 : vector<1x16xf32> to vector<16xf32>
      %get3A_298 = arith.index_cast %add3A_230 : i32 to index
      %get3A_299 = arith.constant 208 : index
      %get3A_300 = tpu.vector_load %arg7[%get3A_298, %get3A_299] {strides = array<i32>} : memref<32x512xf32, #tpu.memory_space<vmem>>, vector<1x16xf32>,
      %get3A_301 = vector.shape_cast %get3A_300 : vector<1x16xf32> to vector<16xf32>
      %get3A_302 = arith.index_cast %add3A_230 : i32 to index
      %get3A_303 = arith.constant 224 : index
      %get3A_304 = tpu.vector_load %arg7[%get3A_302, %get3A_303] {strides = array<i32>} : memref<32x512xf32, #tpu.memory_space<vmem>>, vector<1x16xf32>,
      %get3A_305 = vector.shape_cast %get3A_304 : vector<1x16xf32> to vector<16xf32>
      %get3A_306 = arith.index_cast %add3A_230 : i32 to index
      %get3A_307 = arith.constant 240 : index
      %get3A_308 = tpu.vector_load %arg7[%get3A_306, %get3A_307] {strides = array<i32>} : memref<32x512xf32, #tpu.memory_space<vmem>>, vector<1x16xf32>,
      %get3A_309 = vector.shape_cast %get3A_308 : vector<1x16xf32> to vector<16xf32>
      %get3A_310 = arith.index_cast %add3A_230 : i32 to index
      %get3A_311 = arith.constant 256 : index
      %get3A_312 = tpu.vector_load %arg7[%get3A_310, %get3A_311] {strides = array<i32>} : memref<32x512xf32, #tpu.memory_space<vmem>>, vector<1x16xf32>,
      %get3A_313 = vector.shape_cast %get3A_312 : vector<1x16xf32> to vector<16xf32>
      %get3A_314 = arith.index_cast %add3A_230 : i32 to index
      %get3A_315 = arith.constant 272 : index
      %get3A_316 = tpu.vector_load %arg7[%get3A_314, %get3A_315] {strides = array<i32>} : memref<32x512xf32, #tpu.memory_space<vmem>>, vector<1x16xf32>,
      %get3A_317 = vector.shape_cast %get3A_316 : vector<1x16xf32> to vector<16xf32>
      %get3A_318 = arith.index_cast %add3A_230 : i32 to index
      %get3A_319 = arith.constant 288 : index
      %get3A_320 = tpu.vector_load %arg7[%get3A_318, %get3A_319] {strides = array<i32>} : memref<32x512xf32, #tpu.memory_space<vmem>>, vector<1x16xf32>,
      %get3A_321 = vector.shape_cast %get3A_320 : vector<1x16xf32> to vector<16xf32>
      %get3A_322 = arith.index_cast %add3A_230 : i32 to index
      %get3A_323 = arith.constant 304 : index
      %get3A_324 = tpu.vector_load %arg7[%get3A_322, %get3A_323] {strides = array<i32>} : memref<32x512xf32, #tpu.memory_space<vmem>>, vector<1x16xf32>,
      %get3A_325 = vector.shape_cast %get3A_324 : vector<1x16xf32> to vector<16xf32>
      %get3A_326 = arith.index_cast %add3A_230 : i32 to index
      %get3A_327 = arith.constant 320 : index
      %get3A_328 = tpu.vector_load %arg7[%get3A_326, %get3A_327] {strides = array<i32>} : memref<32x512xf32, #tpu.memory_space<vmem>>, vector<1x16xf32>,
      %get3A_329 = vector.shape_cast %get3A_328 : vector<1x16xf32> to vector<16xf32>
      %get3A_330 = arith.index_cast %add3A_230 : i32 to index
      %get3A_331 = arith.constant 336 : index
      %get3A_332 = tpu.vector_load %arg7[%get3A_330, %get3A_331] {strides = array<i32>} : memref<32x512xf32, #tpu.memory_space<vmem>>, vector<1x16xf32>,
      %get3A_333 = vector.shape_cast %get3A_332 : vector<1x16xf32> to vector<16xf32>
      %get3A_334 = arith.index_cast %add3A_230 : i32 to index
      %get3A_335 = arith.constant 352 : index
      %get3A_336 = tpu.vector_load %arg7[%get3A_334, %get3A_335] {strides = array<i32>} : memref<32x512xf32, #tpu.memory_space<vmem>>, vector<1x16xf32>,
      %get3A_337 = vector.shape_cast %get3A_336 : vector<1x16xf32> to vector<16xf32>
      %get3A_338 = arith.index_cast %add3A_230 : i32 to index
      %get3A_339 = arith.constant 368 : index
      %get3A_340 = tpu.vector_load %arg7[%get3A_338, %get3A_339] {strides = array<i32>} : memref<32x512xf32, #tpu.memory_space<vmem>>, vector<1x16xf32>,
      %get3A_341 = vector.shape_cast %get3A_340 : vector<1x16xf32> to vector<16xf32>
      %get3A_342 = arith.index_cast %add3A_230 : i32 to index
      %get3A_343 = arith.constant 384 : index
      %get3A_344 = tpu.vector_load %arg7[%get3A_342, %get3A_343] {strides = array<i32>} : memref<32x512xf32, #tpu.memory_space<vmem>>, vector<1x16xf32>,
      %get3A_345 = vector.shape_cast %get3A_344 : vector<1x16xf32> to vector<16xf32>
      %get3A_346 = arith.index_cast %add3A_230 : i32 to index
      %get3A_347 = arith.constant 400 : index
      %get3A_348 = tpu.vector_load %arg7[%get3A_346, %get3A_347] {strides = array<i32>} : memref<32x512xf32, #tpu.memory_space<vmem>>, vector<1x16xf32>,
      %get3A_349 = vector.shape_cast %get3A_348 : vector<1x16xf32> to vector<16xf32>
      %get3A_350 = arith.index_cast %add3A_230 : i32 to index
      %get3A_351 = arith.constant 416 : index
      %get3A_352 = tpu.vector_load %arg7[%get3A_350, %get3A_351] {strides = array<i32>} : memref<32x512xf32, #tpu.memory_space<vmem>>, vector<1x16xf32>,
      %get3A_353 = vector.shape_cast %get3A_352 : vector<1x16xf32> to vector<16xf32>
      %get3A_354 = arith.index_cast %add3A_230 : i32 to index
      %get3A_355 = arith.constant 432 : index
      %get3A_356 = tpu.vector_load %arg7[%get3A_354, %get3A_355] {strides = array<i32>} : memref<32x512xf32, #tpu.memory_space<vmem>>, vector<1x16xf32>,
      %get3A_357 = vector.shape_cast %get3A_356 : vector<1x16xf32> to vector<16xf32>
      %get3A_358 = arith.index_cast %add3A_230 : i32 to index
      %get3A_359 = arith.constant 448 : index
      %get3A_360 = tpu.vector_load %arg7[%get3A_358, %get3A_359] {strides = array<i32>} : memref<32x512xf32, #tpu.memory_space<vmem>>, vector<1x16xf32>,
      %get3A_361 = vector.shape_cast %get3A_360 : vector<1x16xf32> to vector<16xf32>
      %get3A_362 = arith.index_cast %add3A_230 : i32 to index
      %get3A_363 = arith.constant 464 : index
      %get3A_364 = tpu.vector_load %arg7[%get3A_362, %get3A_363] {strides = array<i32>} : memref<32x512xf32, #tpu.memory_space<vmem>>, vector<1x16xf32>,
      %get3A_365 = vector.shape_cast %get3A_364 : vector<1x16xf32> to vector<16xf32>
      %get3A_366 = arith.index_cast %add3A_230 : i32 to index
      %get3A_367 = arith.constant 480 : index
      %get3A_368 = tpu.vector_load %arg7[%get3A_366, %get3A_367] {strides = array<i32>} : memref<32x512xf32, #tpu.memory_space<vmem>>, vector<1x16xf32>,
      %get3A_369 = vector.shape_cast %get3A_368 : vector<1x16xf32> to vector<16xf32>
      %get3A_370 = arith.index_cast %add3A_230 : i32 to index
      %get3A_371 = arith.constant 496 : index
      %get3A_372 = tpu.vector_load %arg7[%get3A_370, %get3A_371] {strides = array<i32>} : memref<32x512xf32, #tpu.memory_space<vmem>>, vector<1x16xf32>,
      %get3A_373 = vector.shape_cast %get3A_372 : vector<1x16xf32> to vector<16xf32>
      %scan3A_374 = arith.constant 0 : i32
      %scan3A_375 = arith.constant 0 : i32
      %scan3A_376 = arith.constant 96 : i32
      %scan3A_377 = arith.addi %scan3A_375, %scan3A_376 : i32
      %scan3A_378 = arith.constant 2 : i32
      scf.for %scan3A_403 = %scan3A_375 to %scan3A_377 step %scan3A_378  : i32 {
        %swap3A = arith.constant 1 : i32
        %swap3A_404 = arith.index_cast %swap3A : i32 to index
        %swap3A_405 = arith.index_cast %scan3A_403 : i32 to index
        %swap3A_406 = arith.constant 0 : index
        %swap3A_407 = tpu.vector_load %arg6[%swap3A_404, %swap3A_405, %swap3A_406] {strides = array<i32>} : memref<2x96x512xf32, #tpu.memory_space<vmem>>, vector<1x1x16xf32>,
        %swap3A_408 = vector.shape_cast %swap3A_407 : vector<1x1x16xf32> to vector<16xf32>
        %swap3A_409 = vector.shape_cast %get3A_249 : vector<16xf32> to vector<1x1x16xf32>
        tpu.vector_store %arg6[%swap3A_404, %swap3A_405, %swap3A_406], %swap3A_409 {add = true, strides = array<i32>} : memref<2x96x512xf32, #tpu.memory_space<vmem>>, vector<1x1x16xf32>,
        %swap3A_410 = arith.constant 1 : i32
        %swap3A_411 = arith.index_cast %swap3A_410 : i32 to index
        %swap3A_412 = arith.index_cast %scan3A_403 : i32 to index
        %swap3A_413 = arith.constant 16 : index
        %swap3A_414 = tpu.vector_load %arg6[%swap3A_411, %swap3A_412, %swap3A_413] {strides = array<i32>} : memref<2x96x512xf32, #tpu.memory_space<vmem>>, vector<1x1x16xf32>,
        %swap3A_415 = vector.shape_cast %swap3A_414 : vector<1x1x16xf32> to vector<16xf32>
        %swap3A_416 = vector.shape_cast %get3A_253 : vector<16xf32> to vector<1x1x16xf32>
        tpu.vector_store %arg6[%swap3A_411, %swap3A_412, %swap3A_413], %swap3A_416 {add = true, strides = array<i32>} : memref<2x96x512xf32, #tpu.memory_space<vmem>>, vector<1x1x16xf32>,
        %swap3A_417 = arith.constant 1 : i32
        %swap3A_418 = arith.index_cast %swap3A_417 : i32 to index
        %swap3A_419 = arith.index_cast %scan3A_403 : i32 to index
        %swap3A_420 = arith.constant 32 : index
        %swap3A_421 = tpu.vector_load %arg6[%swap3A_418, %swap3A_419, %swap3A_420] {strides = array<i32>} : memref<2x96x512xf32, #tpu.memory_space<vmem>>, vector<1x1x16xf32>,
        %swap3A_422 = vector.shape_cast %swap3A_421 : vector<1x1x16xf32> to vector<16xf32>
        %swap3A_423 = vector.shape_cast %get3A_257 : vector<16xf32> to vector<1x1x16xf32>
        tpu.vector_store %arg6[%swap3A_418, %swap3A_419, %swap3A_420], %swap3A_423 {add = true, strides = array<i32>} : memref<2x96x512xf32, #tpu.memory_space<vmem>>, vector<1x1x16xf32>,
        %swap3A_424 = arith.constant 1 : i32
        %swap3A_425 = arith.index_cast %swap3A_424 : i32 to index
        %swap3A_426 = arith.index_cast %scan3A_403 : i32 to index
        %swap3A_427 = arith.constant 48 : index
        %swap3A_428 = tpu.vector_load %arg6[%swap3A_425, %swap3A_426, %swap3A_427] {strides = array<i32>} : memref<2x96x512xf32, #tpu.memory_space<vmem>>, vector<1x1x16xf32>,
        %swap3A_429 = vector.shape_cast %swap3A_428 : vector<1x1x16xf32> to vector<16xf32>
        %swap3A_430 = vector.shape_cast %get3A_261 : vector<16xf32> to vector<1x1x16xf32>
        tpu.vector_store %arg6[%swap3A_425, %swap3A_426, %swap3A_427], %swap3A_430 {add = true, strides = array<i32>} : memref<2x96x512xf32, #tpu.memory_space<vmem>>, vector<1x1x16xf32>,
        %swap3A_431 = arith.constant 1 : i32
        %swap3A_432 = arith.index_cast %swap3A_431 : i32 to index
        %swap3A_433 = arith.index_cast %scan3A_403 : i32 to index
        %swap3A_434 = arith.constant 64 : index
        %swap3A_435 = tpu.vector_load %arg6[%swap3A_432, %swap3A_433, %swap3A_434] {strides = array<i32>} : memref<2x96x512xf32, #tpu.memory_space<vmem>>, vector<1x1x16xf32>,
        %swap3A_436 = vector.shape_cast %swap3A_435 : vector<1x1x16xf32> to vector<16xf32>
        %swap3A_437 = vector.shape_cast %get3A_265 : vector<16xf32> to vector<1x1x16xf32>
        tpu.vector_store %arg6[%swap3A_432, %swap3A_433, %swap3A_434], %swap3A_437 {add = true, strides = array<i32>} : memref<2x96x512xf32, #tpu.memory_space<vmem>>, vector<1x1x16xf32>,
        %swap3A_438 = arith.constant 1 : i32
        %swap3A_439 = arith.index_cast %swap3A_438 : i32 to index
        %swap3A_440 = arith.index_cast %scan3A_403 : i32 to index
        %swap3A_441 = arith.constant 80 : index
        %swap3A_442 = tpu.vector_load %arg6[%swap3A_439, %swap3A_440, %swap3A_441] {strides = array<i32>} : memref<2x96x512xf32, #tpu.memory_space<vmem>>, vector<1x1x16xf32>,
        %swap3A_443 = vector.shape_cast %swap3A_442 : vector<1x1x16xf32> to vector<16xf32>
        %swap3A_444 = vector.shape_cast %get3A_269 : vector<16xf32> to vector<1x1x16xf32>
        tpu.vector_store %arg6[%swap3A_439, %swap3A_440, %swap3A_441], %swap3A_444 {add = true, strides = array<i32>} : memref<2x96x512xf32, #tpu.memory_space<vmem>>, vector<1x1x16xf32>,
        %swap3A_445 = arith.constant 1 : i32
        %swap3A_446 = arith.index_cast %swap3A_445 : i32 to index
        %swap3A_447 = arith.index_cast %scan3A_403 : i32 to index
        %swap3A_448 = arith.constant 96 : index
        %swap3A_449 = tpu.vector_load %arg6[%swap3A_446, %swap3A_447, %swap3A_448] {strides = array<i32>} : memref<2x96x512xf32, #tpu.memory_space<vmem>>, vector<1x1x16xf32>,
        %swap3A_450 = vector.shape_cast %swap3A_449 : vector<1x1x16xf32> to vector<16xf32>
        %swap3A_451 = vector.shape_cast %get3A_273 : vector<16xf32> to vector<1x1x16xf32>
        tpu.vector_store %arg6[%swap3A_446, %swap3A_447, %swap3A_448], %swap3A_451 {add = true, strides = array<i32>} : memref<2x96x512xf32, #tpu.memory_space<vmem>>, vector<1x1x16xf32>,
        %swap3A_452 = arith.constant 1 : i32
        %swap3A_453 = arith.index_cast %swap3A_452 : i32 to index
        %swap3A_454 = arith.index_cast %scan3A_403 : i32 to index
        %swap3A_455 = arith.constant 112 : index
        %swap3A_456 = tpu.vector_load %arg6[%swap3A_453, %swap3A_454, %swap3A_455] {strides = array<i32>} : memref<2x96x512xf32, #tpu.memory_space<vmem>>, vector<1x1x16xf32>,
        %swap3A_457 = vector.shape_cast %swap3A_456 : vector<1x1x16xf32> to vector<16xf32>
        %swap3A_458 = vector.shape_cast %get3A_277 : vector<16xf32> to vector<1x1x16xf32>
        tpu.vector_store %arg6[%swap3A_453, %swap3A_454, %swap3A_455], %swap3A_458 {add = true, strides = array<i32>} : memref<2x96x512xf32, #tpu.memory_space<vmem>>, vector<1x1x16xf32>,
        %swap3A_459 = arith.constant 1 : i32
        %swap3A_460 = arith.index_cast %swap3A_459 : i32 to index
        %swap3A_461 = arith.index_cast %scan3A_403 : i32 to index
        %swap3A_462 = arith.constant 128 : index
        %swap3A_463 = tpu.vector_load %arg6[%swap3A_460, %swap3A_461, %swap3A_462] {strides = array<i32>} : memref<2x96x512xf32, #tpu.memory_space<vmem>>, vector<1x1x16xf32>,
        %swap3A_464 = vector.shape_cast %swap3A_463 : vector<1x1x16xf32> to vector<16xf32>
        %swap3A_465 = vector.shape_cast %get3A_281 : vector<16xf32> to vector<1x1x16xf32>
        tpu.vector_store %arg6[%swap3A_460, %swap3A_461, %swap3A_462], %swap3A_465 {add = true, strides = array<i32>} : memref<2x96x512xf32, #tpu.memory_space<vmem>>, vector<1x1x16xf32>,
        %swap3A_466 = arith.constant 1 : i32
        %swap3A_467 = arith.index_cast %swap3A_466 : i32 to index
        %swap3A_468 = arith.index_cast %scan3A_403 : i32 to index
        %swap3A_469 = arith.constant 144 : index
        %swap3A_470 = tpu.vector_load %arg6[%swap3A_467, %swap3A_468, %swap3A_469] {strides = array<i32>} : memref<2x96x512xf32, #tpu.memory_space<vmem>>, vector<1x1x16xf32>,
        %swap3A_471 = vector.shape_cast %swap3A_470 : vector<1x1x16xf32> to vector<16xf32>
        %swap3A_472 = vector.shape_cast %get3A_285 : vector<16xf32> to vector<1x1x16xf32>
        tpu.vector_store %arg6[%swap3A_467, %swap3A_468, %swap3A_469], %swap3A_472 {add = true, strides = array<i32>} : memref<2x96x512xf32, #tpu.memory_space<vmem>>, vector<1x1x16xf32>,
        %swap3A_473 = arith.constant 1 : i32
        %swap3A_474 = arith.index_cast %swap3A_473 : i32 to index
        %swap3A_475 = arith.index_cast %scan3A_403 : i32 to index
        %swap3A_476 = arith.constant 160 : index
        %swap3A_477 = tpu.vector_load %arg6[%swap3A_474, %swap3A_475, %swap3A_476] {strides = array<i32>} : memref<2x96x512xf32, #tpu.memory_space<vmem>>, vector<1x1x16xf32>,
        %swap3A_478 = vector.shape_cast %swap3A_477 : vector<1x1x16xf32> to vector<16xf32>
        %swap3A_479 = vector.shape_cast %get3A_289 : vector<16xf32> to vector<1x1x16xf32>
        tpu.vector_store %arg6[%swap3A_474, %swap3A_475, %swap3A_476], %swap3A_479 {add = true, strides = array<i32>} : memref<2x96x512xf32, #tpu.memory_space<vmem>>, vector<1x1x16xf32>,
        %swap3A_480 = arith.constant 1 : i32
        %swap3A_481 = arith.index_cast %swap3A_480 : i32 to index
        %swap3A_482 = arith.index_cast %scan3A_403 : i32 to index
        %swap3A_483 = arith.constant 176 : index
        %swap3A_484 = tpu.vector_load %arg6[%swap3A_481, %swap3A_482, %swap3A_483] {strides = array<i32>} : memref<2x96x512xf32, #tpu.memory_space<vmem>>, vector<1x1x16xf32>,
        %swap3A_485 = vector.shape_cast %swap3A_484 : vector<1x1x16xf32> to vector<16xf32>
        %swap3A_486 = vector.shape_cast %get3A_293 : vector<16xf32> to vector<1x1x16xf32>
        tpu.vector_store %arg6[%swap3A_481, %swap3A_482, %swap3A_483], %swap3A_486 {add = true, strides = array<i32>} : memref<2x96x512xf32, #tpu.memory_space<vmem>>, vector<1x1x16xf32>,
        %swap3A_487 = arith.constant 1 : i32
        %swap3A_488 = arith.index_cast %swap3A_487 : i32 to index
        %swap3A_489 = arith.index_cast %scan3A_403 : i32 to index
        %swap3A_490 = arith.constant 192 : index
        %swap3A_491 = tpu.vector_load %arg6[%swap3A_488, %swap3A_489, %swap3A_490] {strides = array<i32>} : memref<2x96x512xf32, #tpu.memory_space<vmem>>, vector<1x1x16xf32>,
        %swap3A_492 = vector.shape_cast %swap3A_491 : vector<1x1x16xf32> to vector<16xf32>
        %swap3A_493 = vector.shape_cast %get3A_297 : vector<16xf32> to vector<1x1x16xf32>
        tpu.vector_store %arg6[%swap3A_488, %swap3A_489, %swap3A_490], %swap3A_493 {add = true, strides = array<i32>} : memref<2x96x512xf32, #tpu.memory_space<vmem>>, vector<1x1x16xf32>,
        %swap3A_494 = arith.constant 1 : i32
        %swap3A_495 = arith.index_cast %swap3A_494 : i32 to index
        %swap3A_496 = arith.index_cast %scan3A_403 : i32 to index
        %swap3A_497 = arith.constant 208 : index
        %swap3A_498 = tpu.vector_load %arg6[%swap3A_495, %swap3A_496, %swap3A_497] {strides = array<i32>} : memref<2x96x512xf32, #tpu.memory_space<vmem>>, vector<1x1x16xf32>,
        %swap3A_499 = vector.shape_cast %swap3A_498 : vector<1x1x16xf32> to vector<16xf32>
        %swap3A_500 = vector.shape_cast %get3A_301 : vector<16xf32> to vector<1x1x16xf32>
        tpu.vector_store %arg6[%swap3A_495, %swap3A_496, %swap3A_497], %swap3A_500 {add = true, strides = array<i32>} : memref<2x96x512xf32, #tpu.memory_space<vmem>>, vector<1x1x16xf32>,
        %swap3A_501 = arith.constant 1 : i32
        %swap3A_502 = arith.index_cast %swap3A_501 : i32 to index
        %swap3A_503 = arith.index_cast %scan3A_403 : i32 to index
        %swap3A_504 = arith.constant 224 : index
        %swap3A_505 = tpu.vector_load %arg6[%swap3A_502, %swap3A_503, %swap3A_504] {strides = array<i32>} : memref<2x96x512xf32, #tpu.memory_space<vmem>>, vector<1x1x16xf32>,
        %swap3A_506 = vector.shape_cast %swap3A_505 : vector<1x1x16xf32> to vector<16xf32>
        %swap3A_507 = vector.shape_cast %get3A_305 : vector<16xf32> to vector<1x1x16xf32>
        tpu.vector_store %arg6[%swap3A_502, %swap3A_503, %swap3A_504], %swap3A_507 {add = true, strides = array<i32>} : memref<2x96x512xf32, #tpu.memory_space<vmem>>, vector<1x1x16xf32>,
        %swap3A_508 = arith.constant 1 : i32
        %swap3A_509 = arith.index_cast %swap3A_508 : i32 to index
        %swap3A_510 = arith.index_cast %scan3A_403 : i32 to index
        %swap3A_511 = arith.constant 240 : index
        %swap3A_512 = tpu.vector_load %arg6[%swap3A_509, %swap3A_510, %swap3A_511] {strides = array<i32>} : memref<2x96x512xf32, #tpu.memory_space<vmem>>, vector<1x1x16xf32>,
        %swap3A_513 = vector.shape_cast %swap3A_512 : vector<1x1x16xf32> to vector<16xf32>
        %swap3A_514 = vector.shape_cast %get3A_309 : vector<16xf32> to vector<1x1x16xf32>
        tpu.vector_store %arg6[%swap3A_509, %swap3A_510, %swap3A_511], %swap3A_514 {add = true, strides = array<i32>} : memref<2x96x512xf32, #tpu.memory_space<vmem>>, vector<1x1x16xf32>,
        %swap3A_515 = arith.constant 1 : i32
        %swap3A_516 = arith.index_cast %swap3A_515 : i32 to index
        %swap3A_517 = arith.index_cast %scan3A_403 : i32 to index
        %swap3A_518 = arith.constant 256 : index
        %swap3A_519 = tpu.vector_load %arg6[%swap3A_516, %swap3A_517, %swap3A_518] {strides = array<i32>} : memref<2x96x512xf32, #tpu.memory_space<vmem>>, vector<1x1x16xf32>,
        %swap3A_520 = vector.shape_cast %swap3A_519 : vector<1x1x16xf32> to vector<16xf32>
        %swap3A_521 = vector.shape_cast %get3A_313 : vector<16xf32> to vector<1x1x16xf32>
        tpu.vector_store %arg6[%swap3A_516, %swap3A_517, %swap3A_518], %swap3A_521 {add = true, strides = array<i32>} : memref<2x96x512xf32, #tpu.memory_space<vmem>>, vector<1x1x16xf32>,
        %swap3A_522 = arith.constant 1 : i32
        %swap3A_523 = arith.index_cast %swap3A_522 : i32 to index
        %swap3A_524 = arith.index_cast %scan3A_403 : i32 to index
        %swap3A_525 = arith.constant 272 : index
        %swap3A_526 = tpu.vector_load %arg6[%swap3A_523, %swap3A_524, %swap3A_525] {strides = array<i32>} : memref<2x96x512xf32, #tpu.memory_space<vmem>>, vector<1x1x16xf32>,
        %swap3A_527 = vector.shape_cast %swap3A_526 : vector<1x1x16xf32> to vector<16xf32>
        %swap3A_528 = vector.shape_cast %get3A_317 : vector<16xf32> to vector<1x1x16xf32>
        tpu.vector_store %arg6[%swap3A_523, %swap3A_524, %swap3A_525], %swap3A_528 {add = true, strides = array<i32>} : memref<2x96x512xf32, #tpu.memory_space<vmem>>, vector<1x1x16xf32>,
        %swap3A_529 = arith.constant 1 : i32
        %swap3A_530 = arith.index_cast %swap3A_529 : i32 to index
        %swap3A_531 = arith.index_cast %scan3A_403 : i32 to index
        %swap3A_532 = arith.constant 288 : index
        %swap3A_533 = tpu.vector_load %arg6[%swap3A_530, %swap3A_531, %swap3A_532] {strides = array<i32>} : memref<2x96x512xf32, #tpu.memory_space<vmem>>, vector<1x1x16xf32>,
        %swap3A_534 = vector.shape_cast %swap3A_533 : vector<1x1x16xf32> to vector<16xf32>
        %swap3A_535 = vector.shape_cast %get3A_321 : vector<16xf32> to vector<1x1x16xf32>
        tpu.vector_store %arg6[%swap3A_530, %swap3A_531, %swap3A_532], %swap3A_535 {add = true, strides = array<i32>} : memref<2x96x512xf32, #tpu.memory_space<vmem>>, vector<1x1x16xf32>,
        %swap3A_536 = arith.constant 1 : i32
        %swap3A_537 = arith.index_cast %swap3A_536 : i32 to index
        %swap3A_538 = arith.index_cast %scan3A_403 : i32 to index
        %swap3A_539 = arith.constant 304 : index
        %swap3A_540 = tpu.vector_load %arg6[%swap3A_537, %swap3A_538, %swap3A_539] {strides = array<i32>} : memref<2x96x512xf32, #tpu.memory_space<vmem>>, vector<1x1x16xf32>,
        %swap3A_541 = vector.shape_cast %swap3A_540 : vector<1x1x16xf32> to vector<16xf32>
        %swap3A_542 = vector.shape_cast %get3A_325 : vector<16xf32> to vector<1x1x16xf32>
        tpu.vector_store %arg6[%swap3A_537, %swap3A_538, %swap3A_539], %swap3A_542 {add = true, strides = array<i32>} : memref<2x96x512xf32, #tpu.memory_space<vmem>>, vector<1x1x16xf32>,
        %swap3A_543 = arith.constant 1 : i32
        %swap3A_544 = arith.index_cast %swap3A_543 : i32 to index
        %swap3A_545 = arith.index_cast %scan3A_403 : i32 to index
        %swap3A_546 = arith.constant 320 : index
        %swap3A_547 = tpu.vector_load %arg6[%swap3A_544, %swap3A_545, %swap3A_546] {strides = array<i32>} : memref<2x96x512xf32, #tpu.memory_space<vmem>>, vector<1x1x16xf32>,
        %swap3A_548 = vector.shape_cast %swap3A_547 : vector<1x1x16xf32> to vector<16xf32>
        %swap3A_549 = vector.shape_cast %get3A_329 : vector<16xf32> to vector<1x1x16xf32>
        tpu.vector_store %arg6[%swap3A_544, %swap3A_545, %swap3A_546], %swap3A_549 {add = true, strides = array<i32>} : memref<2x96x512xf32, #tpu.memory_space<vmem>>, vector<1x1x16xf32>,
        %swap3A_550 = arith.constant 1 : i32
        %swap3A_551 = arith.index_cast %swap3A_550 : i32 to index
        %swap3A_552 = arith.index_cast %scan3A_403 : i32 to index
        %swap3A_553 = arith.constant 336 : index
        %swap3A_554 = tpu.vector_load %arg6[%swap3A_551, %swap3A_552, %swap3A_553] {strides = array<i32>} : memref<2x96x512xf32, #tpu.memory_space<vmem>>, vector<1x1x16xf32>,
        %swap3A_555 = vector.shape_cast %swap3A_554 : vector<1x1x16xf32> to vector<16xf32>
        %swap3A_556 = vector.shape_cast %get3A_333 : vector<16xf32> to vector<1x1x16xf32>
        tpu.vector_store %arg6[%swap3A_551, %swap3A_552, %swap3A_553], %swap3A_556 {add = true, strides = array<i32>} : memref<2x96x512xf32, #tpu.memory_space<vmem>>, vector<1x1x16xf32>,
        %swap3A_557 = arith.constant 1 : i32
        %swap3A_558 = arith.index_cast %swap3A_557 : i32 to index
        %swap3A_559 = arith.index_cast %scan3A_403 : i32 to index
        %swap3A_560 = arith.constant 352 : index
        %swap3A_561 = tpu.vector_load %arg6[%swap3A_558, %swap3A_559, %swap3A_560] {strides = array<i32>} : memref<2x96x512xf32, #tpu.memory_space<vmem>>, vector<1x1x16xf32>,
        %swap3A_562 = vector.shape_cast %swap3A_561 : vector<1x1x16xf32> to vector<16xf32>
        %swap3A_563 = vector.shape_cast %get3A_337 : vector<16xf32> to vector<1x1x16xf32>
        tpu.vector_store %arg6[%swap3A_558, %swap3A_559, %swap3A_560], %swap3A_563 {add = true, strides = array<i32>} : memref<2x96x512xf32, #tpu.memory_space<vmem>>, vector<1x1x16xf32>,
        %swap3A_564 = arith.constant 1 : i32
        %swap3A_565 = arith.index_cast %swap3A_564 : i32 to index
        %swap3A_566 = arith.index_cast %scan3A_403 : i32 to index
        %swap3A_567 = arith.constant 368 : index
        %swap3A_568 = tpu.vector_load %arg6[%swap3A_565, %swap3A_566, %swap3A_567] {strides = array<i32>} : memref<2x96x512xf32, #tpu.memory_space<vmem>>, vector<1x1x16xf32>,
        %swap3A_569 = vector.shape_cast %swap3A_568 : vector<1x1x16xf32> to vector<16xf32>
        %swap3A_570 = vector.shape_cast %get3A_341 : vector<16xf32> to vector<1x1x16xf32>
        tpu.vector_store %arg6[%swap3A_565, %swap3A_566, %swap3A_567], %swap3A_570 {add = true, strides = array<i32>} : memref<2x96x512xf32, #tpu.memory_space<vmem>>, vector<1x1x16xf32>,
        %swap3A_571 = arith.constant 1 : i32
        %swap3A_572 = arith.index_cast %swap3A_571 : i32 to index
        %swap3A_573 = arith.index_cast %scan3A_403 : i32 to index
        %swap3A_574 = arith.constant 384 : index
        %swap3A_575 = tpu.vector_load %arg6[%swap3A_572, %swap3A_573, %swap3A_574] {strides = array<i32>} : memref<2x96x512xf32, #tpu.memory_space<vmem>>, vector<1x1x16xf32>,
        %swap3A_576 = vector.shape_cast %swap3A_575 : vector<1x1x16xf32> to vector<16xf32>
        %swap3A_577 = vector.shape_cast %get3A_345 : vector<16xf32> to vector<1x1x16xf32>
        tpu.vector_store %arg6[%swap3A_572, %swap3A_573, %swap3A_574], %swap3A_577 {add = true, strides = array<i32>} : memref<2x96x512xf32, #tpu.memory_space<vmem>>, vector<1x1x16xf32>,
        %swap3A_578 = arith.constant 1 : i32
        %swap3A_579 = arith.index_cast %swap3A_578 : i32 to index
        %swap3A_580 = arith.index_cast %scan3A_403 : i32 to index
        %swap3A_581 = arith.constant 400 : index
        %swap3A_582 = tpu.vector_load %arg6[%swap3A_579, %swap3A_580, %swap3A_581] {strides = array<i32>} : memref<2x96x512xf32, #tpu.memory_space<vmem>>, vector<1x1x16xf32>,
        %swap3A_583 = vector.shape_cast %swap3A_582 : vector<1x1x16xf32> to vector<16xf32>
        %swap3A_584 = vector.shape_cast %get3A_349 : vector<16xf32> to vector<1x1x16xf32>
        tpu.vector_store %arg6[%swap3A_579, %swap3A_580, %swap3A_581], %swap3A_584 {add = true, strides = array<i32>} : memref<2x96x512xf32, #tpu.memory_space<vmem>>, vector<1x1x16xf32>,
        %swap3A_585 = arith.constant 1 : i32
        %swap3A_586 = arith.index_cast %swap3A_585 : i32 to index
        %swap3A_587 = arith.index_cast %scan3A_403 : i32 to index
        %swap3A_588 = arith.constant 416 : index
        %swap3A_589 = tpu.vector_load %arg6[%swap3A_586, %swap3A_587, %swap3A_588] {strides = array<i32>} : memref<2x96x512xf32, #tpu.memory_space<vmem>>, vector<1x1x16xf32>,
        %swap3A_590 = vector.shape_cast %swap3A_589 : vector<1x1x16xf32> to vector<16xf32>
        %swap3A_591 = vector.shape_cast %get3A_353 : vector<16xf32> to vector<1x1x16xf32>
        tpu.vector_store %arg6[%swap3A_586, %swap3A_587, %swap3A_588], %swap3A_591 {add = true, strides = array<i32>} : memref<2x96x512xf32, #tpu.memory_space<vmem>>, vector<1x1x16xf32>,
        %swap3A_592 = arith.constant 1 : i32
        %swap3A_593 = arith.index_cast %swap3A_592 : i32 to index
        %swap3A_594 = arith.index_cast %scan3A_403 : i32 to index
        %swap3A_595 = arith.constant 432 : index
        %swap3A_596 = tpu.vector_load %arg6[%swap3A_593, %swap3A_594, %swap3A_595] {strides = array<i32>} : memref<2x96x512xf32, #tpu.memory_space<vmem>>, vector<1x1x16xf32>,
        %swap3A_597 = vector.shape_cast %swap3A_596 : vector<1x1x16xf32> to vector<16xf32>
        %swap3A_598 = vector.shape_cast %get3A_357 : vector<16xf32> to vector<1x1x16xf32>
        tpu.vector_store %arg6[%swap3A_593, %swap3A_594, %swap3A_595], %swap3A_598 {add = true, strides = array<i32>} : memref<2x96x512xf32, #tpu.memory_space<vmem>>, vector<1x1x16xf32>,
        %swap3A_599 = arith.constant 1 : i32
        %swap3A_600 = arith.index_cast %swap3A_599 : i32 to index
        %swap3A_601 = arith.index_cast %scan3A_403 : i32 to index
        %swap3A_602 = arith.constant 448 : index
        %swap3A_603 = tpu.vector_load %arg6[%swap3A_600, %swap3A_601, %swap3A_602] {strides = array<i32>} : memref<2x96x512xf32, #tpu.memory_space<vmem>>, vector<1x1x16xf32>,
        %swap3A_604 = vector.shape_cast %swap3A_603 : vector<1x1x16xf32> to vector<16xf32>
        %swap3A_605 = vector.shape_cast %get3A_361 : vector<16xf32> to vector<1x1x16xf32>
        tpu.vector_store %arg6[%swap3A_600, %swap3A_601, %swap3A_602], %swap3A_605 {add = true, strides = array<i32>} : memref<2x96x512xf32, #tpu.memory_space<vmem>>, vector<1x1x16xf32>,
        %swap3A_606 = arith.constant 1 : i32
        %swap3A_607 = arith.index_cast %swap3A_606 : i32 to index
        %swap3A_608 = arith.index_cast %scan3A_403 : i32 to index
        %swap3A_609 = arith.constant 464 : index
        %swap3A_610 = tpu.vector_load %arg6[%swap3A_607, %swap3A_608, %swap3A_609] {strides = array<i32>} : memref<2x96x512xf32, #tpu.memory_space<vmem>>, vector<1x1x16xf32>,
        %swap3A_611 = vector.shape_cast %swap3A_610 : vector<1x1x16xf32> to vector<16xf32>
        %swap3A_612 = vector.shape_cast %get3A_365 : vector<16xf32> to vector<1x1x16xf32>
        tpu.vector_store %arg6[%swap3A_607, %swap3A_608, %swap3A_609], %swap3A_612 {add = true, strides = array<i32>} : memref<2x96x512xf32, #tpu.memory_space<vmem>>, vector<1x1x16xf32>,
        %swap3A_613 = arith.constant 1 : i32
        %swap3A_614 = arith.index_cast %swap3A_613 : i32 to index
        %swap3A_615 = arith.index_cast %scan3A_403 : i32 to index
        %swap3A_616 = arith.constant 480 : index
        %swap3A_617 = tpu.vector_load %arg6[%swap3A_614, %swap3A_615, %swap3A_616] {strides = array<i32>} : memref<2x96x512xf32, #tpu.memory_space<vmem>>, vector<1x1x16xf32>,
        %swap3A_618 = vector.shape_cast %swap3A_617 : vector<1x1x16xf32> to vector<16xf32>
        %swap3A_619 = vector.shape_cast %get3A_369 : vector<16xf32> to vector<1x1x16xf32>
        tpu.vector_store %arg6[%swap3A_614, %swap3A_615, %swap3A_616], %swap3A_619 {add = true, strides = array<i32>} : memref<2x96x512xf32, #tpu.memory_space<vmem>>, vector<1x1x16xf32>,
        %swap3A_620 = arith.constant 1 : i32
        %swap3A_621 = arith.index_cast %swap3A_620 : i32 to index
        %swap3A_622 = arith.index_cast %scan3A_403 : i32 to index
        %swap3A_623 = arith.constant 496 : index
        %swap3A_624 = tpu.vector_load %arg6[%swap3A_621, %swap3A_622, %swap3A_623] {strides = array<i32>} : memref<2x96x512xf32, #tpu.memory_space<vmem>>, vector<1x1x16xf32>,
        %swap3A_625 = vector.shape_cast %swap3A_624 : vector<1x1x16xf32> to vector<16xf32>
        %swap3A_626 = vector.shape_cast %get3A_373 : vector<16xf32> to vector<1x1x16xf32>
        tpu.vector_store %arg6[%swap3A_621, %swap3A_622, %swap3A_623], %swap3A_626 {add = true, strides = array<i32>} : memref<2x96x512xf32, #tpu.memory_space<vmem>>, vector<1x1x16xf32>,
        %scan3A_627 = arith.constant 1 : i32
        %scan3A_628 = arith.addi %scan3A_403, %scan3A_627 : i32
        %swap3A_629 = arith.constant 1 : i32
        %swap3A_630 = arith.index_cast %swap3A_629 : i32 to index
        %swap3A_631 = arith.index_cast %scan3A_628 : i32 to index
        %swap3A_632 = arith.constant 0 : index
        %swap3A_633 = tpu.vector_load %arg6[%swap3A_630, %swap3A_631, %swap3A_632] {strides = array<i32>} : memref<2x96x512xf32, #tpu.memory_space<vmem>>, vector<1x1x16xf32>,
        %swap3A_634 = vector.shape_cast %swap3A_633 : vector<1x1x16xf32> to vector<16xf32>
        %swap3A_635 = vector.shape_cast %get3A_249 : vector<16xf32> to vector<1x1x16xf32>
        tpu.vector_store %arg6[%swap3A_630, %swap3A_631, %swap3A_632], %swap3A_635 {add = true, strides = array<i32>} : memref<2x96x512xf32, #tpu.memory_space<vmem>>, vector<1x1x16xf32>,
        %swap3A_636 = arith.constant 1 : i32
        %swap3A_637 = arith.index_cast %swap3A_636 : i32 to index
        %swap3A_638 = arith.index_cast %scan3A_628 : i32 to index
        %swap3A_639 = arith.constant 16 : index
        %swap3A_640 = tpu.vector_load %arg6[%swap3A_637, %swap3A_638, %swap3A_639] {strides = array<i32>} : memref<2x96x512xf32, #tpu.memory_space<vmem>>, vector<1x1x16xf32>,
        %swap3A_641 = vector.shape_cast %swap3A_640 : vector<1x1x16xf32> to vector<16xf32>
        %swap3A_642 = vector.shape_cast %get3A_253 : vector<16xf32> to vector<1x1x16xf32>
        tpu.vector_store %arg6[%swap3A_637, %swap3A_638, %swap3A_639], %swap3A_642 {add = true, strides = array<i32>} : memref<2x96x512xf32, #tpu.memory_space<vmem>>, vector<1x1x16xf32>,
        %swap3A_643 = arith.constant 1 : i32
        %swap3A_644 = arith.index_cast %swap3A_643 : i32 to index
        %swap3A_645 = arith.index_cast %scan3A_628 : i32 to index
        %swap3A_646 = arith.constant 32 : index
        %swap3A_647 = tpu.vector_load %arg6[%swap3A_644, %swap3A_645, %swap3A_646] {strides = array<i32>} : memref<2x96x512xf32, #tpu.memory_space<vmem>>, vector<1x1x16xf32>,
        %swap3A_648 = vector.shape_cast %swap3A_647 : vector<1x1x16xf32> to vector<16xf32>
        %swap3A_649 = vector.shape_cast %get3A_257 : vector<16xf32> to vector<1x1x16xf32>
        tpu.vector_store %arg6[%swap3A_644, %swap3A_645, %swap3A_646], %swap3A_649 {add = true, strides = array<i32>} : memref<2x96x512xf32, #tpu.memory_space<vmem>>, vector<1x1x16xf32>,
        %swap3A_650 = arith.constant 1 : i32
        %swap3A_651 = arith.index_cast %swap3A_650 : i32 to index
        %swap3A_652 = arith.index_cast %scan3A_628 : i32 to index
        %swap3A_653 = arith.constant 48 : index
        %swap3A_654 = tpu.vector_load %arg6[%swap3A_651, %swap3A_652, %swap3A_653] {strides = array<i32>} : memref<2x96x512xf32, #tpu.memory_space<vmem>>, vector<1x1x16xf32>,
        %swap3A_655 = vector.shape_cast %swap3A_654 : vector<1x1x16xf32> to vector<16xf32>
        %swap3A_656 = vector.shape_cast %get3A_261 : vector<16xf32> to vector<1x1x16xf32>
        tpu.vector_store %arg6[%swap3A_651, %swap3A_652, %swap3A_653], %swap3A_656 {add = true, strides = array<i32>} : memref<2x96x512xf32, #tpu.memory_space<vmem>>, vector<1x1x16xf32>,
        %swap3A_657 = arith.constant 1 : i32
        %swap3A_658 = arith.index_cast %swap3A_657 : i32 to index
        %swap3A_659 = arith.index_cast %scan3A_628 : i32 to index
        %swap3A_660 = arith.constant 64 : index
        %swap3A_661 = tpu.vector_load %arg6[%swap3A_658, %swap3A_659, %swap3A_660] {strides = array<i32>} : memref<2x96x512xf32, #tpu.memory_space<vmem>>, vector<1x1x16xf32>,
        %swap3A_662 = vector.shape_cast %swap3A_661 : vector<1x1x16xf32> to vector<16xf32>
        %swap3A_663 = vector.shape_cast %get3A_265 : vector<16xf32> to vector<1x1x16xf32>
        tpu.vector_store %arg6[%swap3A_658, %swap3A_659, %swap3A_660], %swap3A_663 {add = true, strides = array<i32>} : memref<2x96x512xf32, #tpu.memory_space<vmem>>, vector<1x1x16xf32>,
        %swap3A_664 = arith.constant 1 : i32
        %swap3A_665 = arith.index_cast %swap3A_664 : i32 to index
        %swap3A_666 = arith.index_cast %scan3A_628 : i32 to index
        %swap3A_667 = arith.constant 80 : index
        %swap3A_668 = tpu.vector_load %arg6[%swap3A_665, %swap3A_666, %swap3A_667] {strides = array<i32>} : memref<2x96x512xf32, #tpu.memory_space<vmem>>, vector<1x1x16xf32>,
        %swap3A_669 = vector.shape_cast %swap3A_668 : vector<1x1x16xf32> to vector<16xf32>
        %swap3A_670 = vector.shape_cast %get3A_269 : vector<16xf32> to vector<1x1x16xf32>
        tpu.vector_store %arg6[%swap3A_665, %swap3A_666, %swap3A_667], %swap3A_670 {add = true, strides = array<i32>} : memref<2x96x512xf32, #tpu.memory_space<vmem>>, vector<1x1x16xf32>,
        %swap3A_671 = arith.constant 1 : i32
        %swap3A_672 = arith.index_cast %swap3A_671 : i32 to index
        %swap3A_673 = arith.index_cast %scan3A_628 : i32 to index
        %swap3A_674 = arith.constant 96 : index
        %swap3A_675 = tpu.vector_load %arg6[%swap3A_672, %swap3A_673, %swap3A_674] {strides = array<i32>} : memref<2x96x512xf32, #tpu.memory_space<vmem>>, vector<1x1x16xf32>,
        %swap3A_676 = vector.shape_cast %swap3A_675 : vector<1x1x16xf32> to vector<16xf32>
        %swap3A_677 = vector.shape_cast %get3A_273 : vector<16xf32> to vector<1x1x16xf32>
        tpu.vector_store %arg6[%swap3A_672, %swap3A_673, %swap3A_674], %swap3A_677 {add = true, strides = array<i32>} : memref<2x96x512xf32, #tpu.memory_space<vmem>>, vector<1x1x16xf32>,
        %swap3A_678 = arith.constant 1 : i32
        %swap3A_679 = arith.index_cast %swap3A_678 : i32 to index
        %swap3A_680 = arith.index_cast %scan3A_628 : i32 to index
        %swap3A_681 = arith.constant 112 : index
        %swap3A_682 = tpu.vector_load %arg6[%swap3A_679, %swap3A_680, %swap3A_681] {strides = array<i32>} : memref<2x96x512xf32, #tpu.memory_space<vmem>>, vector<1x1x16xf32>,
        %swap3A_683 = vector.shape_cast %swap3A_682 : vector<1x1x16xf32> to vector<16xf32>
        %swap3A_684 = vector.shape_cast %get3A_277 : vector<16xf32> to vector<1x1x16xf32>
        tpu.vector_store %arg6[%swap3A_679, %swap3A_680, %swap3A_681], %swap3A_684 {add = true, strides = array<i32>} : memref<2x96x512xf32, #tpu.memory_space<vmem>>, vector<1x1x16xf32>,
        %swap3A_685 = arith.constant 1 : i32
        %swap3A_686 = arith.index_cast %swap3A_685 : i32 to index
        %swap3A_687 = arith.index_cast %scan3A_628 : i32 to index
        %swap3A_688 = arith.constant 128 : index
        %swap3A_689 = tpu.vector_load %arg6[%swap3A_686, %swap3A_687, %swap3A_688] {strides = array<i32>} : memref<2x96x512xf32, #tpu.memory_space<vmem>>, vector<1x1x16xf32>,
        %swap3A_690 = vector.shape_cast %swap3A_689 : vector<1x1x16xf32> to vector<16xf32>
        %swap3A_691 = vector.shape_cast %get3A_281 : vector<16xf32> to vector<1x1x16xf32>
        tpu.vector_store %arg6[%swap3A_686, %swap3A_687, %swap3A_688], %swap3A_691 {add = true, strides = array<i32>} : memref<2x96x512xf32, #tpu.memory_space<vmem>>, vector<1x1x16xf32>,
        %swap3A_692 = arith.constant 1 : i32
        %swap3A_693 = arith.index_cast %swap3A_692 : i32 to index
        %swap3A_694 = arith.index_cast %scan3A_628 : i32 to index
        %swap3A_695 = arith.constant 144 : index
        %swap3A_696 = tpu.vector_load %arg6[%swap3A_693, %swap3A_694, %swap3A_695] {strides = array<i32>} : memref<2x96x512xf32, #tpu.memory_space<vmem>>, vector<1x1x16xf32>,
        %swap3A_697 = vector.shape_cast %swap3A_696 : vector<1x1x16xf32> to vector<16xf32>
        %swap3A_698 = vector.shape_cast %get3A_285 : vector<16xf32> to vector<1x1x16xf32>
        tpu.vector_store %arg6[%swap3A_693, %swap3A_694, %swap3A_695], %swap3A_698 {add = true, strides = array<i32>} : memref<2x96x512xf32, #tpu.memory_space<vmem>>, vector<1x1x16xf32>,
        %swap3A_699 = arith.constant 1 : i32
        %swap3A_700 = arith.index_cast %swap3A_699 : i32 to index
        %swap3A_701 = arith.index_cast %scan3A_628 : i32 to index
        %swap3A_702 = arith.constant 160 : index
        %swap3A_703 = tpu.vector_load %arg6[%swap3A_700, %swap3A_701, %swap3A_702] {strides = array<i32>} : memref<2x96x512xf32, #tpu.memory_space<vmem>>, vector<1x1x16xf32>,
        %swap3A_704 = vector.shape_cast %swap3A_703 : vector<1x1x16xf32> to vector<16xf32>
        %swap3A_705 = vector.shape_cast %get3A_289 : vector<16xf32> to vector<1x1x16xf32>
        tpu.vector_store %arg6[%swap3A_700, %swap3A_701, %swap3A_702], %swap3A_705 {add = true, strides = array<i32>} : memref<2x96x512xf32, #tpu.memory_space<vmem>>, vector<1x1x16xf32>,
        %swap3A_706 = arith.constant 1 : i32
        %swap3A_707 = arith.index_cast %swap3A_706 : i32 to index
        %swap3A_708 = arith.index_cast %scan3A_628 : i32 to index
        %swap3A_709 = arith.constant 176 : index
        %swap3A_710 = tpu.vector_load %arg6[%swap3A_707, %swap3A_708, %swap3A_709] {strides = array<i32>} : memref<2x96x512xf32, #tpu.memory_space<vmem>>, vector<1x1x16xf32>,
        %swap3A_711 = vector.shape_cast %swap3A_710 : vector<1x1x16xf32> to vector<16xf32>
        %swap3A_712 = vector.shape_cast %get3A_293 : vector<16xf32> to vector<1x1x16xf32>
        tpu.vector_store %arg6[%swap3A_707, %swap3A_708, %swap3A_709], %swap3A_712 {add = true, strides = array<i32>} : memref<2x96x512xf32, #tpu.memory_space<vmem>>, vector<1x1x16xf32>,
        %swap3A_713 = arith.constant 1 : i32
        %swap3A_714 = arith.index_cast %swap3A_713 : i32 to index
        %swap3A_715 = arith.index_cast %scan3A_628 : i32 to index
        %swap3A_716 = arith.constant 192 : index
        %swap3A_717 = tpu.vector_load %arg6[%swap3A_714, %swap3A_715, %swap3A_716] {strides = array<i32>} : memref<2x96x512xf32, #tpu.memory_space<vmem>>, vector<1x1x16xf32>,
        %swap3A_718 = vector.shape_cast %swap3A_717 : vector<1x1x16xf32> to vector<16xf32>
        %swap3A_719 = vector.shape_cast %get3A_297 : vector<16xf32> to vector<1x1x16xf32>
        tpu.vector_store %arg6[%swap3A_714, %swap3A_715, %swap3A_716], %swap3A_719 {add = true, strides = array<i32>} : memref<2x96x512xf32, #tpu.memory_space<vmem>>, vector<1x1x16xf32>,
        %swap3A_720 = arith.constant 1 : i32
        %swap3A_721 = arith.index_cast %swap3A_720 : i32 to index
        %swap3A_722 = arith.index_cast %scan3A_628 : i32 to index
        %swap3A_723 = arith.constant 208 : index
        %swap3A_724 = tpu.vector_load %arg6[%swap3A_721, %swap3A_722, %swap3A_723] {strides = array<i32>} : memref<2x96x512xf32, #tpu.memory_space<vmem>>, vector<1x1x16xf32>,
        %swap3A_725 = vector.shape_cast %swap3A_724 : vector<1x1x16xf32> to vector<16xf32>
        %swap3A_726 = vector.shape_cast %get3A_301 : vector<16xf32> to vector<1x1x16xf32>
        tpu.vector_store %arg6[%swap3A_721, %swap3A_722, %swap3A_723], %swap3A_726 {add = true, strides = array<i32>} : memref<2x96x512xf32, #tpu.memory_space<vmem>>, vector<1x1x16xf32>,
        %swap3A_727 = arith.constant 1 : i32
        %swap3A_728 = arith.index_cast %swap3A_727 : i32 to index
        %swap3A_729 = arith.index_cast %scan3A_628 : i32 to index
        %swap3A_730 = arith.constant 224 : index
        %swap3A_731 = tpu.vector_load %arg6[%swap3A_728, %swap3A_729, %swap3A_730] {strides = array<i32>} : memref<2x96x512xf32, #tpu.memory_space<vmem>>, vector<1x1x16xf32>,
        %swap3A_732 = vector.shape_cast %swap3A_731 : vector<1x1x16xf32> to vector<16xf32>
        %swap3A_733 = vector.shape_cast %get3A_305 : vector<16xf32> to vector<1x1x16xf32>
        tpu.vector_store %arg6[%swap3A_728, %swap3A_729, %swap3A_730], %swap3A_733 {add = true, strides = array<i32>} : memref<2x96x512xf32, #tpu.memory_space<vmem>>, vector<1x1x16xf32>,
        %swap3A_734 = arith.constant 1 : i32
        %swap3A_735 = arith.index_cast %swap3A_734 : i32 to index
        %swap3A_736 = arith.index_cast %scan3A_628 : i32 to index
        %swap3A_737 = arith.constant 240 : index
        %swap3A_738 = tpu.vector_load %arg6[%swap3A_735, %swap3A_736, %swap3A_737] {strides = array<i32>} : memref<2x96x512xf32, #tpu.memory_space<vmem>>, vector<1x1x16xf32>,
        %swap3A_739 = vector.shape_cast %swap3A_738 : vector<1x1x16xf32> to vector<16xf32>
        %swap3A_740 = vector.shape_cast %get3A_309 : vector<16xf32> to vector<1x1x16xf32>
        tpu.vector_store %arg6[%swap3A_735, %swap3A_736, %swap3A_737], %swap3A_740 {add = true, strides = array<i32>} : memref<2x96x512xf32, #tpu.memory_space<vmem>>, vector<1x1x16xf32>,
        %swap3A_741 = arith.constant 1 : i32
        %swap3A_742 = arith.index_cast %swap3A_741 : i32 to index
        %swap3A_743 = arith.index_cast %scan3A_628 : i32 to index
        %swap3A_744 = arith.constant 256 : index
        %swap3A_745 = tpu.vector_load %arg6[%swap3A_742, %swap3A_743, %swap3A_744] {strides = array<i32>} : memref<2x96x512xf32, #tpu.memory_space<vmem>>, vector<1x1x16xf32>,
        %swap3A_746 = vector.shape_cast %swap3A_745 : vector<1x1x16xf32> to vector<16xf32>
        %swap3A_747 = vector.shape_cast %get3A_313 : vector<16xf32> to vector<1x1x16xf32>
        tpu.vector_store %arg6[%swap3A_742, %swap3A_743, %swap3A_744], %swap3A_747 {add = true, strides = array<i32>} : memref<2x96x512xf32, #tpu.memory_space<vmem>>, vector<1x1x16xf32>,
        %swap3A_748 = arith.constant 1 : i32
        %swap3A_749 = arith.index_cast %swap3A_748 : i32 to index
        %swap3A_750 = arith.index_cast %scan3A_628 : i32 to index
        %swap3A_751 = arith.constant 272 : index
        %swap3A_752 = tpu.vector_load %arg6[%swap3A_749, %swap3A_750, %swap3A_751] {strides = array<i32>} : memref<2x96x512xf32, #tpu.memory_space<vmem>>, vector<1x1x16xf32>,
        %swap3A_753 = vector.shape_cast %swap3A_752 : vector<1x1x16xf32> to vector<16xf32>
        %swap3A_754 = vector.shape_cast %get3A_317 : vector<16xf32> to vector<1x1x16xf32>
        tpu.vector_store %arg6[%swap3A_749, %swap3A_750, %swap3A_751], %swap3A_754 {add = true, strides = array<i32>} : memref<2x96x512xf32, #tpu.memory_space<vmem>>, vector<1x1x16xf32>,
        %swap3A_755 = arith.constant 1 : i32
        %swap3A_756 = arith.index_cast %swap3A_755 : i32 to index
        %swap3A_757 = arith.index_cast %scan3A_628 : i32 to index
        %swap3A_758 = arith.constant 288 : index
        %swap3A_759 = tpu.vector_load %arg6[%swap3A_756, %swap3A_757, %swap3A_758] {strides = array<i32>} : memref<2x96x512xf32, #tpu.memory_space<vmem>>, vector<1x1x16xf32>,
        %swap3A_760 = vector.shape_cast %swap3A_759 : vector<1x1x16xf32> to vector<16xf32>
        %swap3A_761 = vector.shape_cast %get3A_321 : vector<16xf32> to vector<1x1x16xf32>
        tpu.vector_store %arg6[%swap3A_756, %swap3A_757, %swap3A_758], %swap3A_761 {add = true, strides = array<i32>} : memref<2x96x512xf32, #tpu.memory_space<vmem>>, vector<1x1x16xf32>,
        %swap3A_762 = arith.constant 1 : i32
        %swap3A_763 = arith.index_cast %swap3A_762 : i32 to index
        %swap3A_764 = arith.index_cast %scan3A_628 : i32 to index
        %swap3A_765 = arith.constant 304 : index
        %swap3A_766 = tpu.vector_load %arg6[%swap3A_763, %swap3A_764, %swap3A_765] {strides = array<i32>} : memref<2x96x512xf32, #tpu.memory_space<vmem>>, vector<1x1x16xf32>,
        %swap3A_767 = vector.shape_cast %swap3A_766 : vector<1x1x16xf32> to vector<16xf32>
        %swap3A_768 = vector.shape_cast %get3A_325 : vector<16xf32> to vector<1x1x16xf32>
        tpu.vector_store %arg6[%swap3A_763, %swap3A_764, %swap3A_765], %swap3A_768 {add = true, strides = array<i32>} : memref<2x96x512xf32, #tpu.memory_space<vmem>>, vector<1x1x16xf32>,
        %swap3A_769 = arith.constant 1 : i32
        %swap3A_770 = arith.index_cast %swap3A_769 : i32 to index
        %swap3A_771 = arith.index_cast %scan3A_628 : i32 to index
        %swap3A_772 = arith.constant 320 : index
        %swap3A_773 = tpu.vector_load %arg6[%swap3A_770, %swap3A_771, %swap3A_772] {strides = array<i32>} : memref<2x96x512xf32, #tpu.memory_space<vmem>>, vector<1x1x16xf32>,
        %swap3A_774 = vector.shape_cast %swap3A_773 : vector<1x1x16xf32> to vector<16xf32>
        %swap3A_775 = vector.shape_cast %get3A_329 : vector<16xf32> to vector<1x1x16xf32>
        tpu.vector_store %arg6[%swap3A_770, %swap3A_771, %swap3A_772], %swap3A_775 {add = true, strides = array<i32>} : memref<2x96x512xf32, #tpu.memory_space<vmem>>, vector<1x1x16xf32>,
        %swap3A_776 = arith.constant 1 : i32
        %swap3A_777 = arith.index_cast %swap3A_776 : i32 to index
        %swap3A_778 = arith.index_cast %scan3A_628 : i32 to index
        %swap3A_779 = arith.constant 336 : index
        %swap3A_780 = tpu.vector_load %arg6[%swap3A_777, %swap3A_778, %swap3A_779] {strides = array<i32>} : memref<2x96x512xf32, #tpu.memory_space<vmem>>, vector<1x1x16xf32>,
        %swap3A_781 = vector.shape_cast %swap3A_780 : vector<1x1x16xf32> to vector<16xf32>
        %swap3A_782 = vector.shape_cast %get3A_333 : vector<16xf32> to vector<1x1x16xf32>
        tpu.vector_store %arg6[%swap3A_777, %swap3A_778, %swap3A_779], %swap3A_782 {add = true, strides = array<i32>} : memref<2x96x512xf32, #tpu.memory_space<vmem>>, vector<1x1x16xf32>,
        %swap3A_783 = arith.constant 1 : i32
        %swap3A_784 = arith.index_cast %swap3A_783 : i32 to index
        %swap3A_785 = arith.index_cast %scan3A_628 : i32 to index
        %swap3A_786 = arith.constant 352 : index
        %swap3A_787 = tpu.vector_load %arg6[%swap3A_784, %swap3A_785, %swap3A_786] {strides = array<i32>} : memref<2x96x512xf32, #tpu.memory_space<vmem>>, vector<1x1x16xf32>,
        %swap3A_788 = vector.shape_cast %swap3A_787 : vector<1x1x16xf32> to vector<16xf32>
        %swap3A_789 = vector.shape_cast %get3A_337 : vector<16xf32> to vector<1x1x16xf32>
        tpu.vector_store %arg6[%swap3A_784, %swap3A_785, %swap3A_786], %swap3A_789 {add = true, strides = array<i32>} : memref<2x96x512xf32, #tpu.memory_space<vmem>>, vector<1x1x16xf32>,
        %swap3A_790 = arith.constant 1 : i32
        %swap3A_791 = arith.index_cast %swap3A_790 : i32 to index
        %swap3A_792 = arith.index_cast %scan3A_628 : i32 to index
        %swap3A_793 = arith.constant 368 : index
        %swap3A_794 = tpu.vector_load %arg6[%swap3A_791, %swap3A_792, %swap3A_793] {strides = array<i32>} : memref<2x96x512xf32, #tpu.memory_space<vmem>>, vector<1x1x16xf32>,
        %swap3A_795 = vector.shape_cast %swap3A_794 : vector<1x1x16xf32> to vector<16xf32>
        %swap3A_796 = vector.shape_cast %get3A_341 : vector<16xf32> to vector<1x1x16xf32>
        tpu.vector_store %arg6[%swap3A_791, %swap3A_792, %swap3A_793], %swap3A_796 {add = true, strides = array<i32>} : memref<2x96x512xf32, #tpu.memory_space<vmem>>, vector<1x1x16xf32>,
        %swap3A_797 = arith.constant 1 : i32
        %swap3A_798 = arith.index_cast %swap3A_797 : i32 to index
        %swap3A_799 = arith.index_cast %scan3A_628 : i32 to index
        %swap3A_800 = arith.constant 384 : index
        %swap3A_801 = tpu.vector_load %arg6[%swap3A_798, %swap3A_799, %swap3A_800] {strides = array<i32>} : memref<2x96x512xf32, #tpu.memory_space<vmem>>, vector<1x1x16xf32>,
        %swap3A_802 = vector.shape_cast %swap3A_801 : vector<1x1x16xf32> to vector<16xf32>
        %swap3A_803 = vector.shape_cast %get3A_345 : vector<16xf32> to vector<1x1x16xf32>
        tpu.vector_store %arg6[%swap3A_798, %swap3A_799, %swap3A_800], %swap3A_803 {add = true, strides = array<i32>} : memref<2x96x512xf32, #tpu.memory_space<vmem>>, vector<1x1x16xf32>,
        %swap3A_804 = arith.constant 1 : i32
        %swap3A_805 = arith.index_cast %swap3A_804 : i32 to index
        %swap3A_806 = arith.index_cast %scan3A_628 : i32 to index
        %swap3A_807 = arith.constant 400 : index
        %swap3A_808 = tpu.vector_load %arg6[%swap3A_805, %swap3A_806, %swap3A_807] {strides = array<i32>} : memref<2x96x512xf32, #tpu.memory_space<vmem>>, vector<1x1x16xf32>,
        %swap3A_809 = vector.shape_cast %swap3A_808 : vector<1x1x16xf32> to vector<16xf32>
        %swap3A_810 = vector.shape_cast %get3A_349 : vector<16xf32> to vector<1x1x16xf32>
        tpu.vector_store %arg6[%swap3A_805, %swap3A_806, %swap3A_807], %swap3A_810 {add = true, strides = array<i32>} : memref<2x96x512xf32, #tpu.memory_space<vmem>>, vector<1x1x16xf32>,
        %swap3A_811 = arith.constant 1 : i32
        %swap3A_812 = arith.index_cast %swap3A_811 : i32 to index
        %swap3A_813 = arith.index_cast %scan3A_628 : i32 to index
        %swap3A_814 = arith.constant 416 : index
        %swap3A_815 = tpu.vector_load %arg6[%swap3A_812, %swap3A_813, %swap3A_814] {strides = array<i32>} : memref<2x96x512xf32, #tpu.memory_space<vmem>>, vector<1x1x16xf32>,
        %swap3A_816 = vector.shape_cast %swap3A_815 : vector<1x1x16xf32> to vector<16xf32>
        %swap3A_817 = vector.shape_cast %get3A_353 : vector<16xf32> to vector<1x1x16xf32>
        tpu.vector_store %arg6[%swap3A_812, %swap3A_813, %swap3A_814], %swap3A_817 {add = true, strides = array<i32>} : memref<2x96x512xf32, #tpu.memory_space<vmem>>, vector<1x1x16xf32>,
        %swap3A_818 = arith.constant 1 : i32
        %swap3A_819 = arith.index_cast %swap3A_818 : i32 to index
        %swap3A_820 = arith.index_cast %scan3A_628 : i32 to index
        %swap3A_821 = arith.constant 432 : index
        %swap3A_822 = tpu.vector_load %arg6[%swap3A_819, %swap3A_820, %swap3A_821] {strides = array<i32>} : memref<2x96x512xf32, #tpu.memory_space<vmem>>, vector<1x1x16xf32>,
        %swap3A_823 = vector.shape_cast %swap3A_822 : vector<1x1x16xf32> to vector<16xf32>
        %swap3A_824 = vector.shape_cast %get3A_357 : vector<16xf32> to vector<1x1x16xf32>
        tpu.vector_store %arg6[%swap3A_819, %swap3A_820, %swap3A_821], %swap3A_824 {add = true, strides = array<i32>} : memref<2x96x512xf32, #tpu.memory_space<vmem>>, vector<1x1x16xf32>,
        %swap3A_825 = arith.constant 1 : i32
        %swap3A_826 = arith.index_cast %swap3A_825 : i32 to index
        %swap3A_827 = arith.index_cast %scan3A_628 : i32 to index
        %swap3A_828 = arith.constant 448 : index
        %swap3A_829 = tpu.vector_load %arg6[%swap3A_826, %swap3A_827, %swap3A_828] {strides = array<i32>} : memref<2x96x512xf32, #tpu.memory_space<vmem>>, vector<1x1x16xf32>,
        %swap3A_830 = vector.shape_cast %swap3A_829 : vector<1x1x16xf32> to vector<16xf32>
        %swap3A_831 = vector.shape_cast %get3A_361 : vector<16xf32> to vector<1x1x16xf32>
        tpu.vector_store %arg6[%swap3A_826, %swap3A_827, %swap3A_828], %swap3A_831 {add = true, strides = array<i32>} : memref<2x96x512xf32, #tpu.memory_space<vmem>>, vector<1x1x16xf32>,
        %swap3A_832 = arith.constant 1 : i32
        %swap3A_833 = arith.index_cast %swap3A_832 : i32 to index
        %swap3A_834 = arith.index_cast %scan3A_628 : i32 to index
        %swap3A_835 = arith.constant 464 : index
        %swap3A_836 = tpu.vector_load %arg6[%swap3A_833, %swap3A_834, %swap3A_835] {strides = array<i32>} : memref<2x96x512xf32, #tpu.memory_space<vmem>>, vector<1x1x16xf32>,
        %swap3A_837 = vector.shape_cast %swap3A_836 : vector<1x1x16xf32> to vector<16xf32>
        %swap3A_838 = vector.shape_cast %get3A_365 : vector<16xf32> to vector<1x1x16xf32>
        tpu.vector_store %arg6[%swap3A_833, %swap3A_834, %swap3A_835], %swap3A_838 {add = true, strides = array<i32>} : memref<2x96x512xf32, #tpu.memory_space<vmem>>, vector<1x1x16xf32>,
        %swap3A_839 = arith.constant 1 : i32
        %swap3A_840 = arith.index_cast %swap3A_839 : i32 to index
        %swap3A_841 = arith.index_cast %scan3A_628 : i32 to index
        %swap3A_842 = arith.constant 480 : index
        %swap3A_843 = tpu.vector_load %arg6[%swap3A_840, %swap3A_841, %swap3A_842] {strides = array<i32>} : memref<2x96x512xf32, #tpu.memory_space<vmem>>, vector<1x1x16xf32>,
        %swap3A_844 = vector.shape_cast %swap3A_843 : vector<1x1x16xf32> to vector<16xf32>
        %swap3A_845 = vector.shape_cast %get3A_369 : vector<16xf32> to vector<1x1x16xf32>
        tpu.vector_store %arg6[%swap3A_840, %swap3A_841, %swap3A_842], %swap3A_845 {add = true, strides = array<i32>} : memref<2x96x512xf32, #tpu.memory_space<vmem>>, vector<1x1x16xf32>,
        %swap3A_846 = arith.constant 1 : i32
        %swap3A_847 = arith.index_cast %swap3A_846 : i32 to index
        %swap3A_848 = arith.index_cast %scan3A_628 : i32 to index
        %swap3A_849 = arith.constant 496 : index
        %swap3A_850 = tpu.vector_load %arg6[%swap3A_847, %swap3A_848, %swap3A_849] {strides = array<i32>} : memref<2x96x512xf32, #tpu.memory_space<vmem>>, vector<1x1x16xf32>,
        %swap3A_851 = vector.shape_cast %swap3A_850 : vector<1x1x16xf32> to vector<16xf32>
        %swap3A_852 = vector.shape_cast %get3A_373 : vector<16xf32> to vector<1x1x16xf32>
        tpu.vector_store %arg6[%swap3A_847, %swap3A_848, %swap3A_849], %swap3A_852 {add = true, strides = array<i32>} : memref<2x96x512xf32, #tpu.memory_space<vmem>>, vector<1x1x16xf32>,
      }
      %scan3A_379 = arith.constant 96 : i32
      %mul3A_380 = arith.constant 32 : i32
      %mul3A_381 = arith.muli %add3A_230, %mul3A_380 : i32
      %add3A_382 = arith.addi %mul3A_381, %add3A : i32
      %mul3A_383 = arith.constant 96 : i32
      %mul3A_384 = arith.muli %add3A_382, %mul3A_383 : i32
      %dma_start3A_385 = arith.constant 1 : i32
      %dma_start3A_386 = arith.constant 0 : i32
      %dma_start3A_387 = arith.constant 0 : i32
      %dma_start3A_388 = tpu.memref_slice %arg6[%dma_start3A_385, %dma_start3A_386, %dma_start3A_387] : memref<2x96x512xf32, #tpu.memory_space<vmem>> -> memref<1x96x512xf32, #tpu.memory_space<vmem>>
      %dma_start3A_389 = tpu.memref_squeeze %dma_start3A_388 : memref<1x96x512xf32, #tpu.memory_space<vmem>> -> memref<96x512xf32, #tpu.memory_space<vmem>>
      %dma_start3A_390 = arith.constant 0 : i32
      %dma_start3A_391 = tpu.memref_slice %arg5[%mul3A_384, %dma_start3A_390] : memref<98304x512xf32, #tpu.memory_space<hbm>> -> memref<96x512xf32, #tpu.memory_space<hbm>>
      %dma_start3A_392 = arith.constant 0 : i32
      %dma_start3A_393 = tpu.memref_slice %arg5[%mul3A_384, %dma_start3A_392] : memref<98304x512xf32, #tpu.memory_space<hbm>> -> memref<96x512xf32, #tpu.memory_space<hbm>>
      %dma_start3A_394 = arith.constant 0 : i32
      %dma_start3A_395 = arith.constant 0 : i32
      %dma_start3A_396 = tpu.memref_slice %arg6[%dma_start3A_385, %dma_start3A_394, %dma_start3A_395] : memref<2x96x512xf32, #tpu.memory_space<vmem>> -> memref<1x96x512xf32, #tpu.memory_space<vmem>>
      %dma_start3A_397 = tpu.memref_squeeze %dma_start3A_396 : memref<1x96x512xf32, #tpu.memory_space<vmem>> -> memref<96x512xf32, #tpu.memory_space<vmem>>
      tpu.enqueue_dma source(%dma_start3A_397 : memref<96x512xf32, #tpu.memory_space<vmem>>) target(%dma_start3A_393 : memref<96x512xf32, #tpu.memory_space<hbm>>) target_semaphore(%arg12 : memref<!tpu.dma_semaphore, #tpu.memory_space<semaphore_mem>>)
      %lt3A_398 = arith.constant 31 : i32
      %lt3A_399 = arith.cmpi slt, %add3A_230, %lt3A_398 : i32
      %convert_element_type3A_400 = arith.extui %lt3A_399 : i1 to i32
      %cond3A_401 = arith.constant 0 : i32
      %cond3A_402 = arith.cmpi ne, %convert_element_type3A_400, %cond3A_401 : i32
      scf.if %cond3A_402 {
        %ge3A = arith.constant 1 : i32
        %ge3A_403 = arith.cmpi sge, %add3A_230, %ge3A : i32
        %convert_element_type3A_404 = arith.extui %ge3A_403 : i1 to i32
        %cond3A_405 = arith.constant 0 : i32
        %cond3A_406 = arith.cmpi ne, %convert_element_type3A_404, %cond3A_405 : i32
        scf.if %cond3A_406 {
          %sub3A = arith.constant 1 : i32
          %sub3A_421 = arith.subi %add3A_230, %sub3A : i32
          %mul3A_422 = arith.constant 32 : i32
          %mul3A_423 = arith.muli %sub3A_421, %mul3A_422 : i32
          %add3A_424 = arith.addi %mul3A_423, %add3A : i32
          %mul3A_425 = arith.constant 96 : i32
          %mul3A_426 = arith.muli %add3A_424, %mul3A_425 : i32
          %dma_wait3A_427 = arith.constant 0 : i32
          %dma_wait3A_428 = arith.constant 0 : i32
          %dma_wait3A_429 = arith.constant 0 : i32
          %dma_wait3A_430 = tpu.memref_slice %arg6[%dma_wait3A_427, %dma_wait3A_428, %dma_wait3A_429] : memref<2x96x512xf32, #tpu.memory_space<vmem>> -> memref<1x96x512xf32, #tpu.memory_space<vmem>>
          %dma_wait3A_431 = tpu.memref_squeeze %dma_wait3A_430 : memref<1x96x512xf32, #tpu.memory_space<vmem>> -> memref<96x512xf32, #tpu.memory_space<vmem>>
          %dma_wait3A_432 = arith.constant 0 : i32
          %dma_wait3A_433 = tpu.memref_slice %arg5[%mul3A_426, %dma_wait3A_432] : memref<98304x512xf32, #tpu.memory_space<hbm>> -> memref<96x512xf32, #tpu.memory_space<hbm>>
          %dma_wait3A_434 = arith.constant 0 : i32
          %dma_wait3A_435 = tpu.memref_slice %arg5[%mul3A_426, %dma_wait3A_434] : memref<98304x512xf32, #tpu.memory_space<hbm>> -> memref<96x512xf32, #tpu.memory_space<hbm>>
          %dma_wait3A_436 = arith.constant 0 : i32
          %dma_wait3A_437 = arith.constant 0 : i32
          %dma_wait3A_438 = tpu.memref_slice %arg6[%dma_wait3A_427, %dma_wait3A_436, %dma_wait3A_437] : memref<2x96x512xf32, #tpu.memory_space<vmem>> -> memref<1x96x512xf32, #tpu.memory_space<vmem>>
          %dma_wait3A_439 = tpu.memref_squeeze %dma_wait3A_438 : memref<1x96x512xf32, #tpu.memory_space<vmem>> -> memref<96x512xf32, #tpu.memory_space<vmem>>
          tpu.wait_dma2 semaphore(%arg12 : memref<!tpu.dma_semaphore, #tpu.memory_space<semaphore_mem>>) src(%dma_wait3A_439 : memref<96x512xf32, #tpu.memory_space<vmem>>) dst(%dma_wait3A_435 : memref<96x512xf32, #tpu.memory_space<hbm>>)
        } else {
        }
        %add3A_407 = arith.constant 1 : i32
        %add3A_408 = arith.addi %add3A_230, %add3A_407 : i32
        %mul3A_409 = arith.constant 32 : i32
        %mul3A_410 = arith.muli %add3A_408, %mul3A_409 : i32
        %add3A_411 = arith.addi %mul3A_410, %add3A : i32
        %mul3A_412 = arith.constant 96 : i32
        %mul3A_413 = arith.muli %add3A_411, %mul3A_412 : i32
        %run_scoped3A_414 = arith.constant 0 : i32
        "tpu.region"() ({
          %run_scoped3A_421 = tpu.sem_alloc : memref<!tpu.dma_semaphore, #tpu.memory_space<semaphore_mem>>
          %dma_start3A_422 = arith.constant 0 : i32
          %dma_start3A_423 = tpu.memref_slice %arg10[%run_scoped3A_414, %dma_start3A_422] : memref<2x96xi32, #tpu.memory_space<smem>> -> memref<1x96xi32, #tpu.memory_space<smem>>
          %dma_start3A_424 = tpu.memref_squeeze %dma_start3A_423 : memref<1x96xi32, #tpu.memory_space<smem>> -> memref<96xi32, #tpu.memory_space<smem>>
          %dma_start3A_425 = tpu.memref_slice %arg9[%mul3A_413] : memref<98304xi32, #tpu.memory_space<vmem_shared>> -> memref<96xi32, #tpu.memory_space<vmem_shared>>
          tpu.enqueue_dma source(%dma_start3A_425 : memref<96xi32, #tpu.memory_space<vmem_shared>>) target(%dma_start3A_424 : memref<96xi32, #tpu.memory_space<smem>>) target_semaphore(%run_scoped3A_421 : memref<!tpu.dma_semaphore, #tpu.memory_space<semaphore_mem>>)
          %dma_wait3A_426 = arith.constant 0 : i32
          %dma_wait3A_427 = tpu.memref_slice %arg10[%run_scoped3A_414, %dma_wait3A_426] : memref<2x96xi32, #tpu.memory_space<smem>> -> memref<1x96xi32, #tpu.memory_space<smem>>
          %dma_wait3A_428 = tpu.memref_squeeze %dma_wait3A_427 : memref<1x96xi32, #tpu.memory_space<smem>> -> memref<96xi32, #tpu.memory_space<smem>>
          %dma_wait3A_429 = tpu.memref_slice %arg9[%mul3A_413] : memref<98304xi32, #tpu.memory_space<vmem_shared>> -> memref<96xi32, #tpu.memory_space<vmem_shared>>
          tpu.wait_dma2 semaphore(%run_scoped3A_421 : memref<!tpu.dma_semaphore, #tpu.memory_space<semaphore_mem>>) src(%dma_wait3A_429 : memref<96xi32, #tpu.memory_space<vmem_shared>>) dst(%dma_wait3A_428 : memref<96xi32, #tpu.memory_space<smem>>)
          tpu.yield
        }) : () -> ()
        %scan3A_415 = arith.constant 0 : i32
        %scan3A_416 = arith.constant 0 : i32
        %scan3A_417 = arith.constant 96 : i32
        %scan3A_418 = arith.addi %scan3A_416, %scan3A_417 : i32
        %scan3A_419 = arith.constant 4 : i32
        scf.for %scan3A_421 = %scan3A_416 to %scan3A_418 step %scan3A_419  : i32 {
          %get3A_422 = arith.constant 0 : i32
          %get3A_423 = arith.index_cast %get3A_422 : i32 to index
          %get3A_424 = arith.index_cast %scan3A_421 : i32 to index
          %get3A_425 = memref.load %arg10[%get3A_423, %get3A_424] : memref<2x96xi32, #tpu.memory_space<smem>>
          %jit3A = arith.constant 3 : i32
          %eq3A_426 = arith.constant 0 : i32
          %eq3A_427 = arith.cmpi eq, %jit3A, %eq3A_426 : i32
          %jit3A_428 = arith.constant 1 : i32
          %select_n3A = arith.select %eq3A_427, %jit3A_428, %jit3A : i32
          %rem3A = arith.remsi %scan3A_421, %select_n3A : i32
          %ne3A = arith.constant 0 : i32
          %ne3A_429 = arith.cmpi ne, %rem3A, %ne3A : i32
          %lt3A_430 = arith.constant 0 : i32
          %lt3A_431 = arith.cmpi slt, %rem3A, %lt3A_430 : i32
          %lt3A_432 = arith.constant 0 : i32
          %lt3A_433 = arith.cmpi slt, %select_n3A, %lt3A_432 : i32
          %ne3A_434 = arith.xori %lt3A_431, %lt3A_433 : i1
          %and3A = arith.andi %ne3A_434, %ne3A_429 : i1
          %add3A_435 = arith.addi %rem3A, %select_n3A : i32
          %select_n3A_436 = arith.select %and3A, %add3A_435, %rem3A : i32
          %eq3A_437 = arith.constant 0 : i32
          %eq3A_438 = arith.cmpi eq, %select_n3A_436, %eq3A_437 : i32
          %jit3A_439 = arith.constant 0 : i32
          %jit3A_440 = arith.constant 128 : i32
          %select_n3A_441 = arith.select %eq3A_438, %jit3A_439, %jit3A_440 : i32
          %add3A_442 = arith.addi %get3A_425, %select_n3A_441 : i32
          %dma_start3A_443 = arith.constant 0 : i32
          %dma_start3A_444 = arith.constant 0 : i32
          %dma_start3A_445 = tpu.memref_slice %arg6[%dma_start3A_443, %scan3A_421, %dma_start3A_444] : memref<2x96x512xf32, #tpu.memory_space<vmem>> -> memref<1x1x512xf32, #tpu.memory_space<vmem>>
          %dma_start3A_446 = tpu.memref_squeeze %dma_start3A_445 : memref<1x1x512xf32, #tpu.memory_space<vmem>> -> memref<512xf32, #tpu.memory_space<vmem>>
          %dma_start3A_447 = arith.constant 0 : i32
          %dma_start3A_448 = tpu.memref_slice %arg8[%add3A_442, %dma_start3A_447] : memref<256x512xf32, #tpu.memory_space<vmem_shared>> -> memref<1x512xf32, #tpu.memory_space<vmem_shared>>
          %dma_start3A_449 = tpu.memref_squeeze %dma_start3A_448 : memref<1x512xf32, #tpu.memory_space<vmem_shared>> -> memref<512xf32, #tpu.memory_space<vmem_shared>>
          %dma_start3A_450 = arith.constant 0 : i32
          %dma_start3A_451 = tpu.memref_slice %arg6[%dma_start3A_443, %scan3A_421, %dma_start3A_450] : memref<2x96x512xf32, #tpu.memory_space<vmem>> -> memref<1x1x512xf32, #tpu.memory_space<vmem>>
          %dma_start3A_452 = tpu.memref_squeeze %dma_start3A_451 : memref<1x1x512xf32, #tpu.memory_space<vmem>> -> memref<512xf32, #tpu.memory_space<vmem>>
          %dma_start3A_453 = arith.constant 0 : i32
          %dma_start3A_454 = tpu.memref_slice %arg8[%add3A_442, %dma_start3A_453] : memref<256x512xf32, #tpu.memory_space<vmem_shared>> -> memref<1x512xf32, #tpu.memory_space<vmem_shared>>
          %dma_start3A_455 = tpu.memref_squeeze %dma_start3A_454 : memref<1x512xf32, #tpu.memory_space<vmem_shared>> -> memref<512xf32, #tpu.memory_space<vmem_shared>>
          tpu.enqueue_dma source(%dma_start3A_455 : memref<512xf32, #tpu.memory_space<vmem_shared>>) target(%dma_start3A_452 : memref<512xf32, #tpu.memory_space<vmem>>) target_semaphore(%arg11 : memref<!tpu.dma_semaphore, #tpu.memory_space<semaphore_mem>>)
          %scan3A_456 = arith.constant 1 : i32
          %scan3A_457 = arith.addi %scan3A_421, %scan3A_456 : i32
          %get3A_458 = arith.constant 0 : i32
          %get3A_459 = arith.index_cast %get3A_458 : i32 to index
          %get3A_460 = arith.index_cast %scan3A_457 : i32 to index
          %get3A_461 = memref.load %arg10[%get3A_459, %get3A_460] : memref<2x96xi32, #tpu.memory_space<smem>>
          %jit3A_462 = arith.constant 3 : i32
          %eq3A_463 = arith.constant 0 : i32
          %eq3A_464 = arith.cmpi eq, %jit3A_462, %eq3A_463 : i32
          %jit3A_465 = arith.constant 1 : i32
          %select_n3A_466 = arith.select %eq3A_464, %jit3A_465, %jit3A_462 : i32
          %rem3A_467 = arith.remsi %scan3A_457, %select_n3A_466 : i32
          %ne3A_468 = arith.constant 0 : i32
          %ne3A_469 = arith.cmpi ne, %rem3A_467, %ne3A_468 : i32
          %lt3A_470 = arith.constant 0 : i32
          %lt3A_471 = arith.cmpi slt, %rem3A_467, %lt3A_470 : i32
          %lt3A_472 = arith.constant 0 : i32
          %lt3A_473 = arith.cmpi slt, %select_n3A_466, %lt3A_472 : i32
          %ne3A_474 = arith.xori %lt3A_471, %lt3A_473 : i1
          %and3A_475 = arith.andi %ne3A_474, %ne3A_469 : i1
          %add3A_476 = arith.addi %rem3A_467, %select_n3A_466 : i32
          %select_n3A_477 = arith.select %and3A_475, %add3A_476, %rem3A_467 : i32
          %eq3A_478 = arith.constant 0 : i32
          %eq3A_479 = arith.cmpi eq, %select_n3A_477, %eq3A_478 : i32
          %jit3A_480 = arith.constant 0 : i32
          %jit3A_481 = arith.constant 128 : i32
          %select_n3A_482 = arith.select %eq3A_479, %jit3A_480, %jit3A_481 : i32
          %add3A_483 = arith.addi %get3A_461, %select_n3A_482 : i32
          %dma_start3A_484 = arith.constant 0 : i32
          %dma_start3A_485 = arith.constant 0 : i32
          %dma_start3A_486 = tpu.memref_slice %arg6[%dma_start3A_484, %scan3A_457, %dma_start3A_485] : memref<2x96x512xf32, #tpu.memory_space<vmem>> -> memref<1x1x512xf32, #tpu.memory_space<vmem>>
          %dma_start3A_487 = tpu.memref_squeeze %dma_start3A_486 : memref<1x1x512xf32, #tpu.memory_space<vmem>> -> memref<512xf32, #tpu.memory_space<vmem>>
          %dma_start3A_488 = arith.constant 0 : i32
          %dma_start3A_489 = tpu.memref_slice %arg8[%add3A_483, %dma_start3A_488] : memref<256x512xf32, #tpu.memory_space<vmem_shared>> -> memref<1x512xf32, #tpu.memory_space<vmem_shared>>
          %dma_start3A_490 = tpu.memref_squeeze %dma_start3A_489 : memref<1x512xf32, #tpu.memory_space<vmem_shared>> -> memref<512xf32, #tpu.memory_space<vmem_shared>>
          %dma_start3A_491 = arith.constant 0 : i32
          %dma_start3A_492 = tpu.memref_slice %arg6[%dma_start3A_484, %scan3A_457, %dma_start3A_491] : memref<2x96x512xf32, #tpu.memory_space<vmem>> -> memref<1x1x512xf32, #tpu.memory_space<vmem>>
          %dma_start3A_493 = tpu.memref_squeeze %dma_start3A_492 : memref<1x1x512xf32, #tpu.memory_space<vmem>> -> memref<512xf32, #tpu.memory_space<vmem>>
          %dma_start3A_494 = arith.constant 0 : i32
          %dma_start3A_495 = tpu.memref_slice %arg8[%add3A_483, %dma_start3A_494] : memref<256x512xf32, #tpu.memory_space<vmem_shared>> -> memref<1x512xf32, #tpu.memory_space<vmem_shared>>
          %dma_start3A_496 = tpu.memref_squeeze %dma_start3A_495 : memref<1x512xf32, #tpu.memory_space<vmem_shared>> -> memref<512xf32, #tpu.memory_space<vmem_shared>>
          tpu.enqueue_dma source(%dma_start3A_496 : memref<512xf32, #tpu.memory_space<vmem_shared>>) target(%dma_start3A_493 : memref<512xf32, #tpu.memory_space<vmem>>) target_semaphore(%arg11 : memref<!tpu.dma_semaphore, #tpu.memory_space<semaphore_mem>>)
          %scan3A_497 = arith.constant 2 : i32
          %scan3A_498 = arith.addi %scan3A_421, %scan3A_497 : i32
          %get3A_499 = arith.constant 0 : i32
          %get3A_500 = arith.index_cast %get3A_499 : i32 to index
          %get3A_501 = arith.index_cast %scan3A_498 : i32 to index
          %get3A_502 = memref.load %arg10[%get3A_500, %get3A_501] : memref<2x96xi32, #tpu.memory_space<smem>>
          %jit3A_503 = arith.constant 3 : i32
          %eq3A_504 = arith.constant 0 : i32
          %eq3A_505 = arith.cmpi eq, %jit3A_503, %eq3A_504 : i32
          %jit3A_506 = arith.constant 1 : i32
          %select_n3A_507 = arith.select %eq3A_505, %jit3A_506, %jit3A_503 : i32
          %rem3A_508 = arith.remsi %scan3A_498, %select_n3A_507 : i32
          %ne3A_509 = arith.constant 0 : i32
          %ne3A_510 = arith.cmpi ne, %rem3A_508, %ne3A_509 : i32
          %lt3A_511 = arith.constant 0 : i32
          %lt3A_512 = arith.cmpi slt, %rem3A_508, %lt3A_511 : i32
          %lt3A_513 = arith.constant 0 : i32
          %lt3A_514 = arith.cmpi slt, %select_n3A_507, %lt3A_513 : i32
          %ne3A_515 = arith.xori %lt3A_512, %lt3A_514 : i1
          %and3A_516 = arith.andi %ne3A_515, %ne3A_510 : i1
          %add3A_517 = arith.addi %rem3A_508, %select_n3A_507 : i32
          %select_n3A_518 = arith.select %and3A_516, %add3A_517, %rem3A_508 : i32
          %eq3A_519 = arith.constant 0 : i32
          %eq3A_520 = arith.cmpi eq, %select_n3A_518, %eq3A_519 : i32
          %jit3A_521 = arith.constant 0 : i32
          %jit3A_522 = arith.constant 128 : i32
          %select_n3A_523 = arith.select %eq3A_520, %jit3A_521, %jit3A_522 : i32
          %add3A_524 = arith.addi %get3A_502, %select_n3A_523 : i32
          %dma_start3A_525 = arith.constant 0 : i32
          %dma_start3A_526 = arith.constant 0 : i32
          %dma_start3A_527 = tpu.memref_slice %arg6[%dma_start3A_525, %scan3A_498, %dma_start3A_526] : memref<2x96x512xf32, #tpu.memory_space<vmem>> -> memref<1x1x512xf32, #tpu.memory_space<vmem>>
          %dma_start3A_528 = tpu.memref_squeeze %dma_start3A_527 : memref<1x1x512xf32, #tpu.memory_space<vmem>> -> memref<512xf32, #tpu.memory_space<vmem>>
          %dma_start3A_529 = arith.constant 0 : i32
          %dma_start3A_530 = tpu.memref_slice %arg8[%add3A_524, %dma_start3A_529] : memref<256x512xf32, #tpu.memory_space<vmem_shared>> -> memref<1x512xf32, #tpu.memory_space<vmem_shared>>
          %dma_start3A_531 = tpu.memref_squeeze %dma_start3A_530 : memref<1x512xf32, #tpu.memory_space<vmem_shared>> -> memref<512xf32, #tpu.memory_space<vmem_shared>>
          %dma_start3A_532 = arith.constant 0 : i32
          %dma_start3A_533 = tpu.memref_slice %arg6[%dma_start3A_525, %scan3A_498, %dma_start3A_532] : memref<2x96x512xf32, #tpu.memory_space<vmem>> -> memref<1x1x512xf32, #tpu.memory_space<vmem>>
          %dma_start3A_534 = tpu.memref_squeeze %dma_start3A_533 : memref<1x1x512xf32, #tpu.memory_space<vmem>> -> memref<512xf32, #tpu.memory_space<vmem>>
          %dma_start3A_535 = arith.constant 0 : i32
          %dma_start3A_536 = tpu.memref_slice %arg8[%add3A_524, %dma_start3A_535] : memref<256x512xf32, #tpu.memory_space<vmem_shared>> -> memref<1x512xf32, #tpu.memory_space<vmem_shared>>
          %dma_start3A_537 = tpu.memref_squeeze %dma_start3A_536 : memref<1x512xf32, #tpu.memory_space<vmem_shared>> -> memref<512xf32, #tpu.memory_space<vmem_shared>>
          tpu.enqueue_dma source(%dma_start3A_537 : memref<512xf32, #tpu.memory_space<vmem_shared>>) target(%dma_start3A_534 : memref<512xf32, #tpu.memory_space<vmem>>) target_semaphore(%arg11 : memref<!tpu.dma_semaphore, #tpu.memory_space<semaphore_mem>>)
          %scan3A_538 = arith.constant 3 : i32
          %scan3A_539 = arith.addi %scan3A_421, %scan3A_538 : i32
          %get3A_540 = arith.constant 0 : i32
          %get3A_541 = arith.index_cast %get3A_540 : i32 to index
          %get3A_542 = arith.index_cast %scan3A_539 : i32 to index
          %get3A_543 = memref.load %arg10[%get3A_541, %get3A_542] : memref<2x96xi32, #tpu.memory_space<smem>>
          %jit3A_544 = arith.constant 3 : i32
          %eq3A_545 = arith.constant 0 : i32
          %eq3A_546 = arith.cmpi eq, %jit3A_544, %eq3A_545 : i32
          %jit3A_547 = arith.constant 1 : i32
          %select_n3A_548 = arith.select %eq3A_546, %jit3A_547, %jit3A_544 : i32
          %rem3A_549 = arith.remsi %scan3A_539, %select_n3A_548 : i32
          %ne3A_550 = arith.constant 0 : i32
          %ne3A_551 = arith.cmpi ne, %rem3A_549, %ne3A_550 : i32
          %lt3A_552 = arith.constant 0 : i32
          %lt3A_553 = arith.cmpi slt, %rem3A_549, %lt3A_552 : i32
          %lt3A_554 = arith.constant 0 : i32
          %lt3A_555 = arith.cmpi slt, %select_n3A_548, %lt3A_554 : i32
          %ne3A_556 = arith.xori %lt3A_553, %lt3A_555 : i1
          %and3A_557 = arith.andi %ne3A_556, %ne3A_551 : i1
          %add3A_558 = arith.addi %rem3A_549, %select_n3A_548 : i32
          %select_n3A_559 = arith.select %and3A_557, %add3A_558, %rem3A_549 : i32
          %eq3A_560 = arith.constant 0 : i32
          %eq3A_561 = arith.cmpi eq, %select_n3A_559, %eq3A_560 : i32
          %jit3A_562 = arith.constant 0 : i32
          %jit3A_563 = arith.constant 128 : i32
          %select_n3A_564 = arith.select %eq3A_561, %jit3A_562, %jit3A_563 : i32
          %add3A_565 = arith.addi %get3A_543, %select_n3A_564 : i32
          %dma_start3A_566 = arith.constant 0 : i32
          %dma_start3A_567 = arith.constant 0 : i32
          %dma_start3A_568 = tpu.memref_slice %arg6[%dma_start3A_566, %scan3A_539, %dma_start3A_567] : memref<2x96x512xf32, #tpu.memory_space<vmem>> -> memref<1x1x512xf32, #tpu.memory_space<vmem>>
          %dma_start3A_569 = tpu.memref_squeeze %dma_start3A_568 : memref<1x1x512xf32, #tpu.memory_space<vmem>> -> memref<512xf32, #tpu.memory_space<vmem>>
          %dma_start3A_570 = arith.constant 0 : i32
          %dma_start3A_571 = tpu.memref_slice %arg8[%add3A_565, %dma_start3A_570] : memref<256x512xf32, #tpu.memory_space<vmem_shared>> -> memref<1x512xf32, #tpu.memory_space<vmem_shared>>
          %dma_start3A_572 = tpu.memref_squeeze %dma_start3A_571 : memref<1x512xf32, #tpu.memory_space<vmem_shared>> -> memref<512xf32, #tpu.memory_space<vmem_shared>>
          %dma_start3A_573 = arith.constant 0 : i32
          %dma_start3A_574 = tpu.memref_slice %arg6[%dma_start3A_566, %scan3A_539, %dma_start3A_573] : memref<2x96x512xf32, #tpu.memory_space<vmem>> -> memref<1x1x512xf32, #tpu.memory_space<vmem>>
          %dma_start3A_575 = tpu.memref_squeeze %dma_start3A_574 : memref<1x1x512xf32, #tpu.memory_space<vmem>> -> memref<512xf32, #tpu.memory_space<vmem>>
          %dma_start3A_576 = arith.constant 0 : i32
          %dma_start3A_577 = tpu.memref_slice %arg8[%add3A_565, %dma_start3A_576] : memref<256x512xf32, #tpu.memory_space<vmem_shared>> -> memref<1x512xf32, #tpu.memory_space<vmem_shared>>
          %dma_start3A_578 = tpu.memref_squeeze %dma_start3A_577 : memref<1x512xf32, #tpu.memory_space<vmem_shared>> -> memref<512xf32, #tpu.memory_space<vmem_shared>>
          tpu.enqueue_dma source(%dma_start3A_578 : memref<512xf32, #tpu.memory_space<vmem_shared>>) target(%dma_start3A_575 : memref<512xf32, #tpu.memory_space<vmem>>) target_semaphore(%arg11 : memref<!tpu.dma_semaphore, #tpu.memory_space<semaphore_mem>>)
        }
        %scan3A_420 = arith.constant 96 : i32
      } else {
      }
    }
    %scan3A_19 = arith.constant 16 : i32
    %add3A_20 = arith.constant 960 : i32
    %add3A_21 = arith.addi %add3A_20, %add3A : i32
    %mul3A_22 = arith.constant 96 : i32
    %mul3A_23 = arith.muli %add3A_21, %mul3A_22 : i32
    %dma_wait3A = arith.constant 0 : i32
    %dma_wait3A_24 = arith.constant 0 : i32
    %dma_wait3A_25 = arith.constant 0 : i32
    %dma_wait3A_26 = tpu.memref_slice %arg6[%dma_wait3A, %dma_wait3A_24, %dma_wait3A_25] : memref<2x96x512xf32, #tpu.memory_space<vmem>> -> memref<1x96x512xf32, #tpu.memory_space<vmem>>
    %dma_wait3A_27 = tpu.memref_squeeze %dma_wait3A_26 : memref<1x96x512xf32, #tpu.memory_space<vmem>> -> memref<96x512xf32, #tpu.memory_space<vmem>>
    %dma_wait3A_28 = arith.constant 0 : i32
    %dma_wait3A_29 = tpu.memref_slice %arg5[%mul3A_23, %dma_wait3A_28] : memref<98304x512xf32, #tpu.memory_space<hbm>> -> memref<96x512xf32, #tpu.memory_space<hbm>>
    %dma_wait3A_30 = arith.constant 0 : i32
    %dma_wait3A_31 = tpu.memref_slice %arg5[%mul3A_23, %dma_wait3A_30] : memref<98304x512xf32, #tpu.memory_space<hbm>> -> memref<96x512xf32, #tpu.memory_space<hbm>>
    %dma_wait3A_32 = arith.constant 0 : i32
    %dma_wait3A_33 = arith.constant 0 : i32
    %dma_wait3A_34 = tpu.memref_slice %arg6[%dma_wait3A, %dma_wait3A_32, %dma_wait3A_33] : memref<2x96x512xf32, #tpu.memory_space<vmem>> -> memref<1x96x512xf32, #tpu.memory_space<vmem>>
    %dma_wait3A_35 = tpu.memref_squeeze %dma_wait3A_34 : memref<1x96x512xf32, #tpu.memory_space<vmem>> -> memref<96x512xf32, #tpu.memory_space<vmem>>
    tpu.wait_dma2 semaphore(%arg12 : memref<!tpu.dma_semaphore, #tpu.memory_space<semaphore_mem>>) src(%dma_wait3A_35 : memref<96x512xf32, #tpu.memory_space<vmem>>) dst(%dma_wait3A_31 : memref<96x512xf32, #tpu.memory_space<hbm>>)
    %add3A_36 = arith.constant 992 : i32
    %add3A_37 = arith.addi %add3A_36, %add3A : i32
    %mul3A_38 = arith.constant 96 : i32
    %mul3A_39 = arith.muli %add3A_37, %mul3A_38 : i32
    %dma_wait3A_40 = arith.constant 1 : i32
    %dma_wait3A_41 = arith.constant 0 : i32
    %dma_wait3A_42 = arith.constant 0 : i32
    %dma_wait3A_43 = tpu.memref_slice %arg6[%dma_wait3A_40, %dma_wait3A_41, %dma_wait3A_42] : memref<2x96x512xf32, #tpu.memory_space<vmem>> -> memref<1x96x512xf32, #tpu.memory_space<vmem>>
    %dma_wait3A_44 = tpu.memref_squeeze %dma_wait3A_43 : memref<1x96x512xf32, #tpu.memory_space<vmem>> -> memref<96x512xf32, #tpu.memory_space<vmem>>
    %dma_wait3A_45 = arith.constant 0 : i32
    %dma_wait3A_46 = tpu.memref_slice %arg5[%mul3A_39, %dma_wait3A_45] : memref<98304x512xf32, #tpu.memory_space<hbm>> -> memref<96x512xf32, #tpu.memory_space<hbm>>
    %dma_wait3A_47 = arith.constant 0 : i32
    %dma_wait3A_48 = tpu.memref_slice %arg5[%mul3A_39, %dma_wait3A_47] : memref<98304x512xf32, #tpu.memory_space<hbm>> -> memref<96x512xf32, #tpu.memory_space<hbm>>
    %dma_wait3A_49 = arith.constant 0 : i32
    %dma_wait3A_50 = arith.constant 0 : i32
    %dma_wait3A_51 = tpu.memref_slice %arg6[%dma_wait3A_40, %dma_wait3A_49, %dma_wait3A_50] : memref<2x96x512xf32, #tpu.memory_space<vmem>> -> memref<1x96x512xf32, #tpu.memory_space<vmem>>
    %dma_wait3A_52 = tpu.memref_squeeze %dma_wait3A_51 : memref<1x96x512xf32, #tpu.memory_space<vmem>> -> memref<96x512xf32, #tpu.memory_space<vmem>>
    tpu.wait_dma2 semaphore(%arg12 : memref<!tpu.dma_semaphore, #tpu.memory_space<semaphore_mem>>) src(%dma_wait3A_52 : memref<96x512xf32, #tpu.memory_space<vmem>>) dst(%dma_wait3A_48 : memref<96x512xf32, #tpu.memory_space<hbm>>)
    return
  }
}

module attributes {stable_mosaic.version = 14 : i64} {
  func.func @_prep_body(%arg0: memref<128x512xf32, #tpu.memory_space<vmem>>, %arg1: memref<128x512xf32, #tpu.memory_space<vmem>>, %arg2: memref<256x512xf32, #tpu.memory_space<vmem>>, %arg3: memref<1024x512xf32, #tpu.memory_space<vmem>>) attributes {dimension_semantics = [], scalar_prefetch = 0 : i64, scratch_operands = 0 : i64, tpu.core_type = #tpu.core_type<tc>} {
    %get3A = arith.constant 0 : index
    %get3A_0 = arith.constant 0 : index
    %get3A_1 = vector.load %arg0[%get3A, %get3A_0] : memref<128x512xf32, #tpu.memory_space<vmem>>, vector<128x512xf32>
    %get3A_2 = arith.constant 0 : index
    %get3A_3 = arith.constant 0 : index
    %get3A_4 = vector.load %arg1[%get3A_2, %get3A_3] : memref<128x512xf32, #tpu.memory_space<vmem>>, vector<128x512xf32>
    %abs3A = math.absf %get3A_1 : vector<128x512xf32>
    %reduce_max3A = arith.constant dense<0xFF800000> : vector<128xf32>
    %reduce_max3A_5 = vector.multi_reduction <maximumf>, %abs3A, %reduce_max3A [1] : vector<128x512xf32> to vector<128xf32>
    %broadcast_in_dim3A = vector.shape_cast %reduce_max3A_5 : vector<128xf32> to vector<128x1xf32>
    %abs3A_6 = math.absf %get3A_4 : vector<128x512xf32>
    %reduce_max3A_7 = arith.constant dense<0xFF800000> : vector<128xf32>
    %reduce_max3A_8 = vector.multi_reduction <maximumf>, %abs3A_6, %reduce_max3A_7 [1] : vector<128x512xf32> to vector<128xf32>
    %broadcast_in_dim3A_9 = vector.shape_cast %reduce_max3A_8 : vector<128xf32> to vector<128x1xf32>
    %gt3A = arith.constant 1.000000e+00 : f32
    %gt3A_10 = vector.broadcast %gt3A : f32 to vector<128x1xf32>
    %gt3A_11 = arith.cmpf ogt, %broadcast_in_dim3A, %gt3A_10 : vector<128x1xf32>
    %div3A = arith.constant 1.000000e+00 : f32
    %div3A_12 = vector.broadcast %div3A : f32 to vector<128x1xf32>
    %div3A_13 = arith.divf %div3A_12, %broadcast_in_dim3A : vector<128x1xf32>
    %jit3A = arith.constant 1.000000e+00 : f32
    %broadcast_in_dim3A_14 = vector.broadcast %jit3A : f32 to vector<128x1xf32>
    %select_n3A = arith.select %gt3A_11, %div3A_13, %broadcast_in_dim3A_14 : vector<128x1xi1>, vector<128x1xf32>
    %gt3A_15 = arith.constant 1.270000e+02 : f32
    %gt3A_16 = vector.broadcast %gt3A_15 : f32 to vector<128x1xf32>
    %gt3A_17 = arith.cmpf ogt, %broadcast_in_dim3A_9, %gt3A_16 : vector<128x1xf32>
    %div3A_18 = arith.constant 1.270000e+02 : f32
    %div3A_19 = vector.broadcast %div3A_18 : f32 to vector<128x1xf32>
    %div3A_20 = arith.divf %div3A_19, %broadcast_in_dim3A_9 : vector<128x1xf32>
    %jit3A_21 = arith.constant 1.000000e+00 : f32
    %broadcast_in_dim3A_22 = vector.broadcast %jit3A_21 : f32 to vector<128x1xf32>
    %select_n3A_23 = arith.select %gt3A_17, %div3A_20, %broadcast_in_dim3A_22 : vector<128x1xi1>, vector<128x1xf32>
    %mul3A = arith.constant 2.000000e+00 : f32
    %mul3A_24 = vector.broadcast %mul3A : f32 to vector<128x1xf32>
    %mul3A_25 = arith.mulf %mul3A_24, %select_n3A : vector<128x1xf32>
    %mul3A_26 = vector.broadcast %mul3A_25 : vector<128x1xf32> to vector<128x512xf32>
    %mul3A_27 = arith.mulf %get3A_1, %mul3A_26 : vector<128x512xf32>
    %swap3A = arith.constant 0 : index
    %swap3A_28 = arith.constant 0 : index
    %swap3A_29 = vector.load %arg2[%swap3A, %swap3A_28] : memref<256x512xf32, #tpu.memory_space<vmem>>, vector<128x512xf32>
    tpu.vector_store %arg2[%swap3A, %swap3A_28], %mul3A_27 {strides = array<i32>} : memref<256x512xf32, #tpu.memory_space<vmem>>, vector<128x512xf32>,
    %mul3A_30 = arith.constant 2.000000e+00 : f32
    %mul3A_31 = vector.broadcast %mul3A_30 : f32 to vector<128x1xf32>
    %mul3A_32 = arith.mulf %mul3A_31, %select_n3A_23 : vector<128x1xf32>
    %mul3A_33 = vector.broadcast %mul3A_32 : vector<128x1xf32> to vector<128x512xf32>
    %mul3A_34 = arith.mulf %get3A_4, %mul3A_33 : vector<128x512xf32>
    %swap3A_35 = arith.constant 128 : index
    %swap3A_36 = arith.constant 0 : index
    %swap3A_37 = vector.load %arg2[%swap3A_35, %swap3A_36] : memref<256x512xf32, #tpu.memory_space<vmem>>, vector<128x512xf32>
    tpu.vector_store %arg2[%swap3A_35, %swap3A_36], %mul3A_34 {strides = array<i32>} : memref<256x512xf32, #tpu.memory_space<vmem>>, vector<128x512xf32>,
    %iota3A = tpu.iota {dimensions = array<i32: 0>} : vector<1024x512xi32>
    %jit3A_38 = arith.constant 32 : i32
    %eq3A = arith.constant 0 : i32
    %eq3A_39 = arith.cmpi eq, %jit3A_38, %eq3A : i32
    %jit3A_40 = arith.constant 1 : i32
    %select_n3A_41 = arith.select %eq3A_39, %jit3A_40, %jit3A_38 : i32
    %rem3A = vector.broadcast %select_n3A_41 : i32 to vector<1024x512xi32>
    %rem3A_42 = arith.remsi %iota3A, %rem3A : vector<1024x512xi32>
    %ne3A = arith.constant 0 : i32
    %ne3A_43 = vector.broadcast %ne3A : i32 to vector<1024x512xi32>
    %ne3A_44 = arith.cmpi ne, %rem3A_42, %ne3A_43 : vector<1024x512xi32>
    %lt3A = arith.constant 0 : i32
    %lt3A_45 = vector.broadcast %lt3A : i32 to vector<1024x512xi32>
    %lt3A_46 = arith.cmpi slt, %rem3A_42, %lt3A_45 : vector<1024x512xi32>
    %lt3A_47 = arith.constant 0 : i32
    %lt3A_48 = arith.cmpi slt, %select_n3A_41, %lt3A_47 : i32
    %ne3A_49 = vector.broadcast %lt3A_48 : i1 to vector<1024x512xi1>
    %ne3A_50 = vector.broadcast %ne3A_49 : vector<1024x512xi1> to vector<1024x512xi1>
    %ne3A_51 = arith.xori %lt3A_46, %ne3A_50 : vector<1024x512xi1>
    %and3A = arith.andi %ne3A_51, %ne3A_44 : vector<1024x512xi1>
    %add3A = vector.broadcast %select_n3A_41 : i32 to vector<1024x512xi32>
    %add3A_52 = arith.addi %rem3A_42, %add3A : vector<1024x512xi32>
    %select_n3A_53 = arith.select %and3A, %add3A_52, %rem3A_42 : vector<1024x512xi1>, vector<1024x512xi32>
    %mul3A_54 = arith.constant 32 : i32
    %mul3A_55 = vector.broadcast %mul3A_54 : i32 to vector<1024x512xi32>
    %mul3A_56 = arith.muli %select_n3A_53, %mul3A_55 : vector<1024x512xi32>
    %jit3A_57 = arith.constant 32 : i32
    %div3A_58 = vector.broadcast %jit3A_57 : i32 to vector<1024x512xi32>
    %div3A_59 = arith.divsi %iota3A, %div3A_58 : vector<1024x512xi32>
    %sign3A = arith.constant 0 : i32
    %sign3A_60 = vector.broadcast %sign3A : i32 to vector<1024x512xi32>
    %sign3A_61 = arith.cmpi sgt, %iota3A, %sign3A_60 : vector<1024x512xi32>
    %sign3A_62 = arith.extui %sign3A_61 : vector<1024x512xi1> to vector<1024x512xi32>
    %sign3A_63 = arith.constant 0 : i32
    %sign3A_64 = vector.broadcast %sign3A_63 : i32 to vector<1024x512xi32>
    %sign3A_65 = arith.cmpi slt, %iota3A, %sign3A_64 : vector<1024x512xi32>
    %sign3A_66 = arith.extui %sign3A_65 : vector<1024x512xi1> to vector<1024x512xi32>
    %sign3A_67 = arith.subi %sign3A_62, %sign3A_66 : vector<1024x512xi32>
    %sign3A_68 = arith.constant 0 : i32
    %sign3A_69 = arith.cmpi sgt, %jit3A_57, %sign3A_68 : i32
    %sign3A_70 = arith.extui %sign3A_69 : i1 to i32
    %sign3A_71 = arith.constant 0 : i32
    %sign3A_72 = arith.cmpi slt, %jit3A_57, %sign3A_71 : i32
    %sign3A_73 = arith.extui %sign3A_72 : i1 to i32
    %sign3A_74 = arith.subi %sign3A_70, %sign3A_73 : i32
    %ne3A_75 = vector.broadcast %sign3A_74 : i32 to vector<1024x512xi32>
    %ne3A_76 = arith.cmpi ne, %sign3A_67, %ne3A_75 : vector<1024x512xi32>
    %rem3A_77 = vector.broadcast %jit3A_57 : i32 to vector<1024x512xi32>
    %rem3A_78 = arith.remsi %iota3A, %rem3A_77 : vector<1024x512xi32>
    %ne3A_79 = arith.constant 0 : i32
    %ne3A_80 = vector.broadcast %ne3A_79 : i32 to vector<1024x512xi32>
    %ne3A_81 = arith.cmpi ne, %rem3A_78, %ne3A_80 : vector<1024x512xi32>
    %and3A_82 = arith.andi %ne3A_76, %ne3A_81 : vector<1024x512xi1>
    %sub3A = arith.constant 1 : i32
    %sub3A_83 = vector.broadcast %sub3A : i32 to vector<1024x512xi32>
    %sub3A_84 = arith.subi %div3A_59, %sub3A_83 : vector<1024x512xi32>
    %select_n3A_85 = arith.select %and3A_82, %sub3A_84, %div3A_59 : vector<1024x512xi1>, vector<1024x512xi32>
    %add3A_86 = arith.addi %mul3A_56, %select_n3A_85 : vector<1024x512xi32>
    %convert_element_type3A = arith.sitofp %add3A_86 : vector<1024x512xi32> to vector<1024x512xf32>
    %iota3A_87 = tpu.iota {dimensions = array<i32: 1>} : vector<1024x512xi32>
    %jit3A_88 = arith.constant 2 : i32
    %eq3A_89 = arith.constant 0 : i32
    %eq3A_90 = arith.cmpi eq, %jit3A_88, %eq3A_89 : i32
    %jit3A_91 = arith.constant 1 : i32
    %select_n3A_92 = arith.select %eq3A_90, %jit3A_91, %jit3A_88 : i32
    %rem3A_93 = vector.broadcast %select_n3A_92 : i32 to vector<1024x512xi32>
    %rem3A_94 = arith.remsi %iota3A_87, %rem3A_93 : vector<1024x512xi32>
    %ne3A_95 = arith.constant 0 : i32
    %ne3A_96 = vector.broadcast %ne3A_95 : i32 to vector<1024x512xi32>
    %ne3A_97 = arith.cmpi ne, %rem3A_94, %ne3A_96 : vector<1024x512xi32>
    %lt3A_98 = arith.constant 0 : i32
    %lt3A_99 = vector.broadcast %lt3A_98 : i32 to vector<1024x512xi32>
    %lt3A_100 = arith.cmpi slt, %rem3A_94, %lt3A_99 : vector<1024x512xi32>
    %lt3A_101 = arith.constant 0 : i32
    %lt3A_102 = arith.cmpi slt, %select_n3A_92, %lt3A_101 : i32
    %ne3A_103 = vector.broadcast %lt3A_102 : i1 to vector<1024x512xi1>
    %ne3A_104 = vector.broadcast %ne3A_103 : vector<1024x512xi1> to vector<1024x512xi1>
    %ne3A_105 = arith.xori %lt3A_100, %ne3A_104 : vector<1024x512xi1>
    %and3A_106 = arith.andi %ne3A_105, %ne3A_97 : vector<1024x512xi1>
    %add3A_107 = vector.broadcast %select_n3A_92 : i32 to vector<1024x512xi32>
    %add3A_108 = arith.addi %rem3A_94, %add3A_107 : vector<1024x512xi32>
    %select_n3A_109 = arith.select %and3A_106, %add3A_108, %rem3A_94 : vector<1024x512xi1>, vector<1024x512xi32>
    %sub3A_110 = arith.subi %iota3A_87, %select_n3A_109 : vector<1024x512xi32>
    %convert_element_type3A_111 = arith.sitofp %sub3A_110 : vector<1024x512xi32> to vector<1024x512xf32>
    %mul3A_112 = arith.constant -7.812500e-03 : f32
    %mul3A_113 = vector.broadcast %mul3A_112 : f32 to vector<1024x512xf32>
    %mul3A_114 = arith.mulf %convert_element_type3A_111, %mul3A_113 : vector<1024x512xf32>
    %exp3A = math.exp %mul3A_114 : vector<1024x512xf32>
    %mul3A_115 = arith.mulf %convert_element_type3A, %exp3A : vector<1024x512xf32>
    %jit3A_116 = arith.constant 2 : i32
    %eq3A_117 = arith.constant 0 : i32
    %eq3A_118 = arith.cmpi eq, %jit3A_116, %eq3A_117 : i32
    %jit3A_119 = arith.constant 1 : i32
    %select_n3A_120 = arith.select %eq3A_118, %jit3A_119, %jit3A_116 : i32
    %rem3A_121 = vector.broadcast %select_n3A_120 : i32 to vector<1024x512xi32>
    %rem3A_122 = arith.remsi %iota3A_87, %rem3A_121 : vector<1024x512xi32>
    %ne3A_123 = arith.constant 0 : i32
    %ne3A_124 = vector.broadcast %ne3A_123 : i32 to vector<1024x512xi32>
    %ne3A_125 = arith.cmpi ne, %rem3A_122, %ne3A_124 : vector<1024x512xi32>
    %lt3A_126 = arith.constant 0 : i32
    %lt3A_127 = vector.broadcast %lt3A_126 : i32 to vector<1024x512xi32>
    %lt3A_128 = arith.cmpi slt, %rem3A_122, %lt3A_127 : vector<1024x512xi32>
    %lt3A_129 = arith.constant 0 : i32
    %lt3A_130 = arith.cmpi slt, %select_n3A_120, %lt3A_129 : i32
    %ne3A_131 = vector.broadcast %lt3A_130 : i1 to vector<1024x512xi1>
    %ne3A_132 = vector.broadcast %ne3A_131 : vector<1024x512xi1> to vector<1024x512xi1>
    %ne3A_133 = arith.xori %lt3A_128, %ne3A_132 : vector<1024x512xi1>
    %and3A_134 = arith.andi %ne3A_133, %ne3A_125 : vector<1024x512xi1>
    %add3A_135 = vector.broadcast %select_n3A_120 : i32 to vector<1024x512xi32>
    %add3A_136 = arith.addi %rem3A_122, %add3A_135 : vector<1024x512xi32>
    %select_n3A_137 = arith.select %and3A_134, %add3A_136, %rem3A_122 : vector<1024x512xi1>, vector<1024x512xi32>
    %eq3A_138 = arith.constant 0 : i32
    %eq3A_139 = vector.broadcast %eq3A_138 : i32 to vector<1024x512xi32>
    %eq3A_140 = arith.cmpi eq, %select_n3A_137, %eq3A_139 : vector<1024x512xi32>
    %sin3A = math.sin %mul3A_115 : vector<1024x512xf32>
    %cos3A = math.cos %mul3A_115 : vector<1024x512xf32>
    %select_n3A_141 = arith.select %eq3A_140, %sin3A, %cos3A : vector<1024x512xi1>, vector<1024x512xf32>
    %mul3A_142 = arith.constant 2.000000e+00 : f32
    %mul3A_143 = vector.broadcast %mul3A_142 : f32 to vector<1024x512xf32>
    %mul3A_144 = arith.mulf %mul3A_143, %select_n3A_141 : vector<1024x512xf32>
    %swap3A_145 = arith.constant 0 : index
    %swap3A_146 = arith.constant 0 : index
    %swap3A_147 = vector.load %arg3[%swap3A_145, %swap3A_146] : memref<1024x512xf32, #tpu.memory_space<vmem>>, vector<1024x512xf32>
    tpu.vector_store %arg3[%swap3A_145, %swap3A_146], %mul3A_144 {strides = array<i32>} : memref<1024x512xf32, #tpu.memory_space<vmem>>, vector<1024x512xf32>,
    return
  }
}

</mosaic_0001>

<sc_bundles>
// kernel: kernel.4.cloned.1.call-start
scs
__scs_entry_jumppad:
0x0: {  	(pc) =	sbr.rel $0x88, $3  }
0x1: {  	(tag) =	ssettag $0x0;
	lr =	simm.s32 $0x1  }
0x2: {  	[smem:$0x3F9E] =	sst lr;
	_ =	strace $0xD0000000  }
0x3: {  	_ = 	snop  }
0x4: {  	_ = 	snop  }
0x5: {  	_ = 	snop  }
0x6: {  	_ = 	snop  }
0x7: {  	_ = 	snop  }
__scs_overlays_trampoline_lowered:
0x8: {  	[smem:$0x3FAD] =	sst s0  }
0x9: {  	[smem:$0x3FAE] =	sst s1  }
0xa: {  	[smem:$0x3FAF] =	sst s2  }
0xb: {  	[smem:$0x3FB0] =	sst s3  }
0xc: {  	[smem:$0x3FB1] =	sst s4  }
0xd: {  	[smem:$0x3FB2] =	sst s5  }
0xe: {  	[smem:$0x3FB3] =	sst s6  }
0xf: {  	[smem:$0x3FB4] =	sst s7  }
0x10: {  	[smem:$0x3FB5] =	sst s8  }
0x11: {  	[smem:$0x3FB6] =	sst s9;
	s0 =	simm.s32 @!p0 $0x0  }
0x12: {  	s1 =	sld [smem:$0x3F9C];
	s0 =	simm.s32 @p0 $0x1  }
0x13: {  	[smem:$0x3FB7] =	sst s0;
	s0 =	simm.s32 @!p1 $0x0  }
0x14: {  	s2 =	sld [smem:$0x3F9B];
	s0 =	simm.s32 @p1 $0x1  }
0x15: {  	[smem:$0x3FB8] =	sst s0;
	s0 =	simm.s32 @!p2 $0x0  }
0x16: {  	s3 =	sld [smem:$0x3FDB];
	s0 =	simm.s32 @p2 $0x1  }
0x17: {  	s4 =	simm.s32 $0x1BF5;
	[smem:$0x3FBA] =	sst s0  }
0x18: {  	s0 =	sld [smem:$0x3F9D];
	_ =	swait.ge [sflag:s4], $0x0  }
0x19: {  	s7 =	sld [smem:$0x3F9E]  }
0x1a: {  	s8 =	sadd.s32 $0xFFFFE003, lr  }
0x1b: {  	s9 =	sadd.s32 $0xFFFFFEF7, lr;
	s5 =	simm.s32 $0xFFFFFFFF;
	p2 =	slt.u32 s8, $0xFFFFF086  }
0x1c: {  	p1 =	slt.u32 s9, $0xF7A;
	s5 =	simm.s32 @!p2 $0x0  }
0x1d: {  	s5 =	simm.s32 @p1 $0x1;
	p0 =	seq.s32 s7, s2  }
0x1e: {  	s7 =	smul.u32 @!p0 $0xF7A, s2;
	p2 =	seq.s32 @!p0 s5, $0x0  }
0x1f: {  	s9 =	smul.u32 $0xF7A, s1;
	s8 =	simm.s32 @!p0 $0x1BF5;
	p2 =	por !p2, p0  }
0x20: {  	[sflag:s8] =	ssyncset.s32 @!p0 $0xFFFFF086;
	s6 =	sadd.s32 @!p0 s3, s7;
	s7 =	simm.s32 @!p0 $0x108  }
0x21: {  	s3 =	sadd.s32 s3, s9;
	s6 =	sadd.s32 @!p0 $0x88, s6;
	s7 =	simm.s32 @p2 $0x1082  }
0x22: {  	[simem:s7], [sflag:s8] =	dma.local @!p0 [hbm:s6], $0xF7A  }
0x23: {  	s9 =	sor.u32 $0xD0000000, s2;
	s6 =	simm.s32 $0x108;
	_ =	swait.ge @!p0 [sflag:s8], $0x0  }
0x24: {  	s3 =	sadd.s32 $0x88, s3;
	s6 =	simm.s32 @!p1 $0x1082;
	[sflag:s4] =	ssyncset.s32 $0xFFFFF086  }
0x25: {  	[simem:s6], [sflag:s4] =	dma.local [hbm:s3], $0xF7A  }
0x26: {  	[smem:$0x3F9E] =	sst s1;
	(tag) =	ssettag s2;
	_ =	strace s9  }
0x27: {  	s1 =	sld [smem:$0x3FAE]  }
0x28: {  	s2 =	sld [smem:$0x3FAF]  }
0x29: {  	s4 =	sld [smem:$0x3FB1]  }
0x2a: {  	p0 =	seq.s32 s5, $0x0;
	s5 =	sld [smem:$0x3FB2]  }
0x2b: {  	s6 =	sld [smem:$0x3FB3]  }
0x2c: {  	s7 =	sld [smem:$0x3FB4]  }
0x2d: {  	s3 =	simm.s32 $0x108;
	s8 =	sld [smem:$0x3FB5]  }
0x2e: {  	s3 =	simm.s32 @!p0 $0x1082;
	s9 =	sld [smem:$0x3FB6]  }
0x2f: {  	lr =	sadd.s32 s0, s3;
	s0 =	sld [smem:$0x3FAD]  }
0x30: {  	s3 =	sld [smem:$0x3FB0]  }
0x31: {  	[smem:$0x3FB9] =	sst s10  }
0x32: {  	s10 =	sld [smem:$0x3FB7];
	_ =	sdelay $0x3  }
0x33: {  	p0 =	seq.s32 s10, $0x1;
	s10 =	sld [smem:$0x3FB9];
	_ =	sdelay $0x3  }
0x34: {  	[smem:$0x3FB9] =	sst s10  }
0x35: {  	s10 =	sld [smem:$0x3FB8];
	_ =	sdelay $0x3  }
0x36: {  	p1 =	seq.s32 s10, $0x1;
	s10 =	sld [smem:$0x3FB9];
	_ =	sdelay $0x3  }
0x37: {  	[smem:$0x3FB9] =	sst s10  }
0x38: {  	s10 =	sld [smem:$0x3FBA]  }
0x39: {  	_ = 	snop;
	(pc) =	sbr.ind lr, $3  }
0x3a: {  	_ = 	snop  }
0x3b: {  	_ = 	snop  }
0x3c: {  	p2 =	seq.s32 s10, $0x1;
	s10 =	sld [smem:$0x3FB9]  }
0x3d: {  	_ =	shalt  }
0x3e: {  	_ =	shalt  }
0x3f: {  	_ =	shalt  }
0x40: {  	_ =	shalt  }
0x41: {  	_ =	shalt  }
0x42: {  	_ =	shalt  }
0x43: {  	_ =	shalt  }
0x44: {  	_ =	shalt  }
0x45: {  	_ =	shalt  }
0x46: {  	_ =	shalt  }
0x47: {  	_ =	shalt  }
0x48: {  	_ =	shalt  }
0x49: {  	_ =	shalt  }
0x4a: {  	_ =	shalt  }
0x4b: {  	_ =	shalt  }
0x4c: {  	_ =	shalt  }
0x4d: {  	_ =	shalt  }
0x4e: {  	_ =	shalt  }
0x4f: {  	_ =	shalt  }
0x50: {  	_ =	shalt  }
0x51: {  	_ =	shalt  }
0x52: {  	_ =	shalt  }
0x53: {  	_ =	shalt  }
0x54: {  	_ =	shalt  }
0x55: {  	_ =	shalt  }
0x56: {  	_ =	shalt  }
0x57: {  	_ =	shalt  }
0x58: {  	_ =	shalt  }
0x59: {  	_ =	shalt  }
0x5a: {  	_ =	shalt  }
0x5b: {  	_ =	shalt  }
0x5c: {  	_ =	shalt  }
0x5d: {  	_ =	shalt  }
0x5e: {  	_ =	shalt  }
0x5f: {  	_ =	shalt  }
0x60: {  	_ =	shalt  }
0x61: {  	_ =	shalt  }
0x62: {  	_ =	shalt  }
0x63: {  	_ =	shalt  }
0x64: {  	_ =	shalt  }
0x65: {  	_ =	shalt  }
0x66: {  	_ =	shalt  }
0x67: {  	_ =	shalt  }
0x68: {  	_ =	shalt  }
0x69: {  	_ =	shalt  }
0x6a: {  	_ =	shalt  }
0x6b: {  	_ =	shalt  }
0x6c: {  	_ =	shalt  }
0x6d: {  	_ =	shalt  }
0x6e: {  	_ =	shalt  }
0x6f: {  	_ =	shalt  }
0x70: {  	_ =	shalt  }
0x71: {  	_ =	shalt  }
0x72: {  	_ =	shalt  }
0x73: {  	_ =	shalt  }
0x74: {  	_ =	shalt  }
0x75: {  	_ =	shalt  }
0x76: {  	_ =	shalt  }
0x77: {  	_ =	shalt  }
0x78: {  	_ =	shalt  }
0x79: {  	_ =	shalt  }
0x7a: {  	_ =	shalt  }
0x7b: {  	_ =	shalt  }
0x7c: {  	_ =	shalt  }
0x7d: {  	_ =	shalt  }
0x7e: {  	_ =	shalt  }
0x7f: {  	_ =	shalt  }
0x80: {  	_ =	shalt  }
0x81: {  	_ =	shalt  }
0x82: {  	_ =	shalt  }
0x83: {  	_ =	shalt  }
0x84: {  	_ =	shalt  }
0x85: {  	_ =	shalt  }
0x86: {  	_ =	shalt  }
0x87: {  	_ =	shalt  }
.Lfunc_end0:
.L_simem_size_0:
called_computation.1_lowered:
.L_overlay_start_0:
0x88: {  	s2 =	sld [smem:$0x3FD9]  }
0x89: {  	s3 =	sld [smem:$0x3FFE];
	_ =	sdelay $0x1  }
0x8a: {  	s1 =	srdreg.scid  }
0x8b: {  	s0 =	sand.u32 $0x1, s1  }
0x8c: {  	s17 =	sshll.u32 s0, $0xA;
	s2 =	sadd.s32 s3, s2  }
0x8d: {  	s2 =	sadd.s32 s2, s17  }
0x8e: {  	[smem:$0x3FC5] =	sst s2  }
0x8f: {  	_ = 	snop  }
0x90: {  	s2 =	sld [smem:$0x3FD0];
	(tm) =	ssettm $0x1  }
0x91: {  	s18 =	sld [smem:$0x3FFB];
	_ =	sdelay $0x3  }
0x92: {  	_ =	strace s18  }
0x93: {  	s3 =	sld [smem:$0x3FFC];
	_ =	sdelay $0x3  }
0x94: {  	_ =	strace s3  }
0x95: {  	s3 =	sld [smem:$0x3FFD];
	_ =	sdelay $0x3  }
0x96: {  	_ =	strace s3  }
0x97: {  	_ =	strace $0x8FFFFFFF  }
0x98: {  	s19 =	sld [smem:$0x3FDB];
	_ =	sdelay $0x1  }
0x99: {  	s4 =	simm.s32 $_scs_section_size  }
0x9a: {  	s5 =	simm.s32 $_size__tile_overlayer_lowered;
	s6 =	simm.s32 $_tile_overlayer_lowered  }
0x9b: {  	s22 =	simm.s32 $0x1BFF;
	s21 =	sshll.u32 s6, $0x1;
	s3 =	sadd.s32 s4, s19  }
0x9c: {  	s7 =	simm.s32 $0x0;
	s20 =	sshll.u32 s5, $0x1;
	s5 =	sadd.s32 s21, s3  }
0x9d: {  	[timem:s7], [sflag:s22] =	dma.local [hbm:s5], s20  }
0x9e: {  	_ =	swait.ge [sflag:s22], s20  }
0x9f: {  	s4 =	ssub.s32 $0x0, s20;
	[sflag:s22] =	ssyncset.done $0x0  }
0xa0: {  	[sflag:s22] =	ssyncadd.s32 s4;
	_ =	sdelay $0x1  }
0xa1: {  	s23 =	simm.s32 $0x1B8B  }
0xa2: {  	_ =	swait.ge [sflag:s23], $0x1  }
0xa3: {  	[sflag:s23] =	ssyncset.done $0x0  }
0xa4: {  	s25 =	simm.s32 $0x1B8E;
	s24 =	sld [smem:$0x3FFE];
	[sflag:s23] =	ssyncadd.s32 $0xFFFFFFFF  }
0xa5: {  	s26 =	simm.s32 $execute0_lowered;
	[smem:$0x3FD2] =	sst s25  }
0xa6: {  	s5 =	sshll.u32 s26, $0x1;
	_ =	strace $0x80000046;
	[dreg:$0x1] =	wrdreg $0xFFFFFFFF  }
0xa7: {  	s28 =	simm.s32 $_size_execute0_lowered;
	s3 =	sadd.s32 s3, s5;
	[dreg:$0x0] =	wrdreg $0x0  }
0xa8: {  	s5 =	sshll.u32 s28, $0x1;
	[dreg:$0x2] =	wrdreg s3  }
0xa9: {  	[dreg:$0x3] =	wrdreg s5  }
0xaa: {  	[dreg:$0x4] =	wrdreg $0xC0  }
0xab: {  	_ =	task [dreg:s7], $0x5FFFF  }
0xac: {  	[dreg:$0x1] =	wrdreg $0xFFFFFFFF  }
0xad: {  	[dreg:$0x0] =	wrdreg $0x60  }
0xae: {  	[dreg:$0x2] =	wrdreg s24  }
0xaf: {  	[dreg:$0x3] =	wrdreg s2  }
0xb0: {  	[dreg:$0x4] =	wrdreg $0x1C0000  }
0xb1: {  	[dreg:$0x5] =	wrdreg $0x1E0000  }
0xb2: {  	[dreg:$0x6] =	wrdreg $0x9  }
0xb3: {  	_ =	task.clear_ibuf [dreg:s7], $0x7FFFF;
	_ =	strace $0x90000046  }
0xb4: {  	s29 =	simm.s32 $0x9;
	_ =	strace $0x80000048  }
0xb5: {  	_ =	swait.ge [sflag:s29], $0x1  }
0xb6: {  	[sflag:s29] =	ssyncadd.s32 $0xFFFFFFFF  }
0xb7: {  	_ =	strace $0x90000048  }
0xb8: {  	_ =	sfence  }
0xb9: {  	s30 =	sld [smem:$0x0];
	_ =	sdelay $0x2  }
0xba: {  	s31 =	sshll.u32 s1, $0xD;
	s1 =	sshrl.u32 s1, $0x2  }
0xbb: {  	s3 =	sand.u32 $0x4000, s31;
	s1 =	sadd.s32 s1, s30  }
0xbc: {  	s0 =	sor.u32 s3, s0;
	s1 =	sshll.u32 s1, $0x11  }
0xbd: {  	s0 =	sor.u32 s1, s0  }
0xbe: {  	s0 =	sadd.s32 $0x8F2B, s0  }
0xbf: {  	[sflag:s0] =	ssyncadd.remote.s32 $0x1  }
0xc0: {  	_ =	sfence.sel $0xFFFF  }
0xc1: {  	[dreg:$0x0] =	wrdreg $0xFFFFFFFF;
	(pc) =	sbr.abs _section_cstart, $3  }
0xc2: {  	[dreg:$0x1] =	wrdreg $0xFFFFFFFF  }
0xc3: {  	_ =	task.clear_ibuf [dreg:s7], $0x2FFFF;
	_ =	strace $0x9FFFFFFF  }
0xc4: {  	(tm) =	ssettm $0x7FFFFFFF  }
0xc5: {  	_ =	shalt  }
tec
execute0_lowered:
.L_overlay_start_1:
0x0: {  	(tag) =	ssettag $0x1  }
0x1: {  	s0 =	rddreg [dreg:$0x0]  }
0x2: {  	s1 =	rddreg [dreg:$0x1]  }
0x3: {  	s2 =	rddreg [dreg:$0x2]  }
0x4: {  	s3 =	rddreg [dreg:$0x3];
	s5 =	srdreg.scid  }
0x5: {  	s6 =	stileid.u32;
	s4 =	simm.s32 $0x0;
	s7 =	sand.u32 $0x1, s5  }
0x6: {  	s24 =	sshll.u32 s6, $0x1;
	[smem:$0x7FF] =	sst s4;
	s8 =	sadd.s32 $0x1200, s0  }
0x7: {  	s9 =	sadd.s32 $0x14200, s0;
	_ =	strace $0x80000047;
	[dreg:$0x5] =	wrdreg s8  }
0x8: {  	s5 =	sor.u32 s7, s24;
	[dreg:$0x6] =	wrdreg s9;
	s7 =	ssub.s32 $0x2, s7  }
0x9: {  	s25 =	smul.u32 $0x180, s5;
	s26 =	sshll.u32 s5, $0xB;
	s28 =	sshrl.u32 s7, $0x1  }
0xa: {  	s30 =	sor.u32 $0x40, s5;
	s0 =	sadd.s32 s26, s0;
	s7 =	ssub.s32 s7, s28  }
0xb: {  	[dreg:$0x9] =	wrdreg s30;
	s8 =	sshrl.u32 s25, $0x2;
	s0 =	sadd.s32 $0x4200, s0  }
.Ltmp0:
0xc: {  	s31 =	smax.u32 s7, $0x1;
	[dreg:$0x7] =	wrdreg s0;
	(pc) =	sbr.rel .LBB2_1-.Ltmp0, $4  }
0xd: {  	p0 =	sne.s32 s6, $0x0;
	s29 =	sadd.s32 s8, s3;
	[dreg:$0xa] =	wrdreg s31  }
0xe: {  	s0 =	sshrl.u32 @!p0 s2, $0x3;
	[dreg:$0x8] =	wrdreg s29  }
0xf: {  	s15 =	simm.s32 $0x3;
	[dreg:$0xb] =	wrdreg s0;
	s0 =	sshrl.u32 @!p0 s3, $0x3  }
0x10: {  	s16 =	simm.s32 $0x1;
	s7 =	simm.s32 $0x0;
	[dreg:$0xc] =	wrdreg s0  }
.LBB2_15:
0x11: {  	s6 =	simm.s32 $0x2  }
0x12: {  	_ =	swait.ge [sflag:s6], $0xC000  }
0x13: {  	[sflag:s6] =	ssyncset.done $0x0  }
0x14: {  	[sflag:s6] =	ssyncadd.s32 $0xFFFF4000  }
0x15: {  	_ =	swait.ge [sflag:s6], $0xC000  }
0x16: {  	s7 =	rddreg [dreg:$0xd]  }
0x17: {  	s0 =	rddreg [dreg:$0xa];
	s7 =	sadd.s32 $0x1, s7  }
0x18: {  	p1 =	sne.s32 s7, s0  }
.Ltmp1:
0x19: {  	_ = 	snop;
	(pc) =	sbr.rel @!p1 .LBB2_16-.Ltmp1, $3  }
0x1a: {  	_ =	sdelay $0x1  }
0x1b: {  	[sflag:s6] =	ssyncset.done $0x0  }
0x1c: {  	[sflag:s6] =	ssyncadd.s32 $0xFFFF4000  }
.LBB2_1:
0x1d: {  	[dreg:$0xd] =	wrdreg s7  }
0x1e: {  	s6 =	rddreg [dreg:$0x6]  }
0x1f: {  	s0 =	simm.s32 @!p0 $0x1C03;
	s7 =	rddreg [dreg:$0xb]  }
0x20: {  	[spmem:s7], [sflag:s0] =	dma.local @!p0 [hbm:s6], $0x4000  }
0x21: {  	s6 =	simm.s32 @!p0 $0x3  }
0x22: {  	_ =	swait.ge @!p0 [sflag:s6], $0x4000  }
0x23: {  	[sflag:s6] =	ssyncset.done @!p0 $0x0;
	s7 =	rddreg [dreg:$0x5]  }
0x24: {  	s8 =	rddreg [dreg:$0xc];
	[sflag:s6] =	ssyncadd.s32 @!p0 $0xFFFFC000  }
0x25: {  	[spmem:s8], [sflag:s0] =	dma.local @!p0 [hbm:s7], $0x3000  }
0x26: {  	_ =	swait.ge @!p0 [sflag:s6], $0x3000  }
0x27: {  	s28 =	simm.s32 $0x18000;
	[sflag:s6] =	ssyncset.done @!p0 $0x0  }
0x28: {  	s30 =	simm.s32 $0xFFFFFFFC;
	s26 =	rddreg [dreg:$0x7];
	[sflag:s6] =	ssyncadd.s32 @!p0 $0xFFFFD000  }
0x29: {  	[tilespmem:s28], [sflag:$0x3] =	stream.linear.gather [hbm4b:s26+s4], $0x4000, $0x38;
	[tilespmem:$0x1F800] =	vst v63  }
0x2a: {  	s31 =	simm.s32 $0x100;
	s22 =	simm.s32 $0x80;
	_ =	swait.ge [sflag:s15], $0x4000  }
0x2b: {  	s10 =	sand.u32 $0xF000, s4;
	s22 =	sand.u32 $0x280, s22;
	[sflag:s15] =	ssyncset.done $0x0  }
0x2c: {  	s11 =	simm.s32 $0x0;
	s22 =	sor.u32 s22, s10;
	[sflag:s15] =	ssyncadd.s32 $0xFFFFC000  }
0x2d: {  	s18 =	sor.u32 $0x400, s22;
	s20 =	sor.u32 $0x800, s22;
	[bflag:$0x0] =	sbarrier.arrive $0xFFFF  }
0x2e: {  	s0 =	smul.u32 $0xFFFFFFAB, s30;
	s8 =	sand.u32 $0x300, s31;
	s29 =	rddreg [dreg:$0x8]  }
0x2f: {  	[smem:s4], [sflag:$0x3] =	stream.linear.gather [spmem:s29], $0x60, $0x38;
	[tilespmem:$0x1F800] =	vst v63  }
0x30: {  	s8 =	sor.u32 s8, s10;
	s23 =	sadd.s32 $0xFFFFFEAC, s0;
	_ =	swait.ge [sflag:s15], $0x60  }
0x31: {  	s24 =	sadd.s32 $0x57, s0;
	s12 =	sadd.s32 $0x2, s0;
	[sflag:s15] =	ssyncset.done $0x0  }
0x32: {  	s7 =	sadd.s32 $0xFFFFFFAD, s0;
	s30 =	sor.u32 $0x800, s8;
	[sflag:s15] =	ssyncadd.s32 $0xFFFFFFA0  }
0x33: {  	s23 =	sand.u32 $0xFF, s23;
	s24 =	sand.u32 $0xFF, s24;
	s6 =	sld [smem:$0x3]  }
0x34: {  	s7 =	sand.u32 $0xFF, s7;
	p1 =	slt.u32 s23, $0x56;
	s9 =	sld [smem:$0x0]  }
0x35: {  	p2 =	slt.u32 s24, $0x56;
	s23 =	simm.s32 $0x0;
	s14 =	sld [smem:$0x2]  }
0x36: {  	s24 =	simm.s32 $0x0;
	s23 =	simm.s32 @!p1 $0x80;
	s21 =	sld [smem:$0x1]  }
0x37: {  	s24 =	simm.s32 @!p2 $0x80;
	s23 =	sadd.s32 s23, s9;
	s9 =	sshll.u32 s9, $0x7  }
0x38: {  	s25 =	sshll.u32 s14, $0x7;
	s23 =	sshll.u32 s23, $0x9;
	s9 =	sand.u32 $0x380, s9  }
0x39: {  	s25 =	sand.u32 $0x380, s25;
	s26 =	sshll.u32 s21, $0x7;
	s21 =	sadd.s32 s24, s21  }
0x3a: {  	s23 =	sand.u32 $0xFFFFF000, s23;
	s24 =	sand.u32 $0x200, s11;
	s21 =	sshll.u32 s21, $0x9  }
0x3b: {  	s23 =	sadd.s32 s23, s2;
	s24 =	sor.u32 s24, s10;
	s17 =	sand.u32 $0x380, s26  }
0x3c: {  	s21 =	sand.u32 $0xFFFFF000, s21;
	s9 =	sadd.s32 s9, s23;
	s28 =	sor.u32 $0x400, s24  }
0x3d: {  	[tilespmem:s24], [sflag:$0x1] =	stream.linear.gather [spmem:s9], $0x80, $0x38;
	[tilespmem:$0x1F800] =	vst v63  }
0x3e: {  	s29 =	sor.u32 $0x800, s24;
	s21 =	sadd.s32 s21, s2;
	s23 =	sadd.s32 $0x400, s9  }
0x3f: {  	[tilespmem:s28], [sflag:$0x1] =	stream.linear.gather [spmem:s23], $0x80, $0x38;
	[tilespmem:$0x1F800] =	vst v63  }
0x40: {  	s13 =	sadd.s32 $0x800, s9;
	s9 =	sadd.s32 $0xC00, s9;
	s23 =	sand.u32 $0xFF, s12  }
0x41: {  	s24 =	sor.u32 $0xC00, s24;
	p1 =	slt.u32 s23, $0x56;
	s23 =	simm.s32 $0x0  }
0x42: {  	[tilespmem:s29], [sflag:$0x1] =	stream.linear.gather [spmem:s13], $0x80, $0x38;
	[tilespmem:$0x1F800] =	vst v63  }
0x43: {  	s28 =	sor.u32 $0x400, s8;
	s23 =	simm.s32 @!p1 $0x80;
	p1 =	slt.u32 s7, $0x56  }
0x44: {  	s7 =	simm.s32 $0x0;
	s14 =	sadd.s32 s23, s14;
	s23 =	sor.u32 $0xC00, s22  }
0x45: {  	[tilespmem:s24], [sflag:$0x1] =	stream.linear.gather [spmem:s9], $0x80, $0x38;
	[tilespmem:$0x1F800] =	vst v63  }
0x46: {  	s7 =	simm.s32 @!p1 $0x80;
	s9 =	sadd.s32 s17, s21;
	s14 =	sshll.u32 s14, $0x9  }
0x47: {  	s7 =	sadd.s32 s7, s6;
	s6 =	sshll.u32 s6, $0x7;
	s21 =	sadd.s32 $0x400, s9  }
0x48: {  	[tilespmem:s22], [sflag:$0x1] =	stream.linear.gather [spmem:s9], $0x80, $0x38;
	[tilespmem:$0x1F800] =	vst v63  }
0x49: {  	s19 =	sadd.s32 $0x800, s9;
	s14 =	sand.u32 $0xFFFFF000, s14;
	s7 =	sshll.u32 s7, $0x9  }
0x4a: {  	[tilespmem:s18], [sflag:$0x1] =	stream.linear.gather [spmem:s21], $0x80, $0x38;
	[tilespmem:$0x1F800] =	vst v63  }
0x4b: {  	s6 =	sand.u32 $0x380, s6;
	s9 =	sadd.s32 $0xC00, s9;
	s7 =	sand.u32 $0xFFFFF000, s7  }
0x4c: {  	[tilespmem:s20], [sflag:$0x1] =	stream.linear.gather [spmem:s19], $0x80, $0x38;
	[tilespmem:$0x1F800] =	vst v63  }
0x4d: {  	s24 =	sadd.s32 s14, s2;
	s22 =	simm.s32 $0x180;
	s7 =	sadd.s32 s7, s2  }
0x4e: {  	[tilespmem:s23], [sflag:$0x1] =	stream.linear.gather [spmem:s9], $0x80, $0x38;
	[tilespmem:$0x1F800] =	vst v63  }
0x4f: {  	s31 =	sand.u32 $0x380, s22;
	s7 =	sadd.s32 s6, s7;
	s9 =	sadd.s32 s25, s24  }
0x50: {  	[tilespmem:s8], [sflag:$0x1] =	stream.linear.gather [spmem:s9], $0x80, $0x38;
	[tilespmem:$0x1F800] =	vst v63  }
0x51: {  	s0 =	sor.u32 s31, s10;
	s6 =	sadd.s32 $0xC00, s7;
	s26 =	sadd.s32 $0x400, s9  }
0x52: {  	[tilespmem:s28], [sflag:$0x1] =	stream.linear.gather [spmem:s26], $0x80, $0x38;
	[tilespmem:$0x1F800] =	vst v63  }
0x53: {  	s23 =	simm.s32 $0x0;
	s24 =	simm.s32 $0x6;
	s29 =	sadd.s32 $0x800, s9  }
0x54: {  	[tilespmem:s30], [sflag:$0x1] =	stream.linear.gather [spmem:s29], $0x80, $0x38;
	[tilespmem:$0x1F800] =	vst v63  }
0x55: {  	s25 =	simm.s32 $0x800;
	s8 =	sor.u32 $0xC00, s8;
	s9 =	sadd.s32 $0xC00, s9  }
0x56: {  	[tilespmem:s8], [sflag:$0x1] =	stream.linear.gather [spmem:s9], $0x80, $0x38;
	[tilespmem:$0x1F800] =	vst v63  }
0x57: {  	s26 =	sor.u32 $0x800, s0;
	s9 =	sor.u32 $0x400, s0;
	s8 =	sor.u32 $0xC00, s0  }
.LBB2_2:
0x58: {  	s14 =	sadd.s32 $0x400, s7  }
0x59: {  	s22 =	sadd.s32 $0x200, s22;
	s21 =	smov.u32 s23;
	s23 =	sadd.s32 $0x4, s23  }
0x5a: {  	[tilespmem:s0], [sflag:$0x1] =	stream.linear.gather [spmem:s7], $0x80, $0x38;
	[tilespmem:$0x1F800] =	vst v63  }
0x5b: {  	p1 =	slt.u32 s23, $0x5C  }
0x5c: {  	s7 =	sadd.s32 $0x800, s7;
	s28 =	smul.u32 $0xFFFFFFAB, s21;
	s0 =	sld [smem:s24+$0x1]  }
0x5d: {  	[tilespmem:s9], [sflag:$0x1] =	stream.linear.gather [spmem:s14], $0x80, $0x38;
	[tilespmem:$0x1F800] =	vst v63  }
0x5e: {  	s21 =	simm.s32 $0x0;
	s14 =	sadd.s32 $0xFFFFFF80, s22;
	s9 =	sld [smem:s24+$0xFFFFFFFE]  }
0x5f: {  	[tilespmem:s26], [sflag:$0x1] =	stream.linear.gather [spmem:s7], $0x80, $0x38;
	[tilespmem:$0x1F800] =	vst v63  }
0x60: {  	s29 =	sadd.s32 $0xFFFFFF00, s22;
	s30 =	sadd.s32 $0x57, s28;
	s7 =	sld [smem:s24+$0x0]  }
0x61: {  	[tilespmem:s8], [sflag:$0x1] =	stream.linear.gather [spmem:s6], $0x80, $0x38;
	[tilespmem:$0x1F800] =	vst v63  }
0x62: {  	s30 =	sand.u32 $0xFF, s30;
	s26 =	sand.u32 $0xF000, s25;
	s8 =	sld [smem:s24+$0xFFFFFFFF]  }
0x63: {  	p3 =	slt.u32 s30, $0x56;
	s6 =	sadd.s32 $0xFFFFFEAC, s28;
	s31 =	sshll.u32 s7, $0x7  }
0x64: {  	s30 =	simm.s32 $0x0;
	s11 =	sand.u32 $0xFF, s6;
	s6 =	sand.u32 $0x380, s31  }
0x65: {  	p2 =	slt.u32 s11, $0x56;
	s11 =	sand.u32 $0x280, s29;
	s29 =	simm.s32 $0x0  }
0x66: {  	s30 =	simm.s32 @!p3 $0x80;
	s29 =	simm.s32 @!p2 $0x80;
	s31 =	sshll.u32 s8, $0x7  }
0x67: {  	s29 =	sadd.s32 s29, s9;
	s9 =	sshll.u32 s9, $0x7;
	s8 =	sadd.s32 s30, s8  }
0x68: {  	s29 =	sshll.u32 s29, $0x9;
	s9 =	sand.u32 $0x380, s9;
	s8 =	sshll.u32 s8, $0x9  }
0x69: {  	s30 =	sadd.s32 $0xFFFFFE80, s22;
	s29 =	sand.u32 $0xFFFFF000, s29;
	s8 =	sand.u32 $0xFFFFF000, s8  }
0x6a: {  	s30 =	sand.u32 $0x200, s30;
	s29 =	sadd.s32 s29, s2;
	s8 =	sadd.s32 s8, s2  }
0x6b: {  	s30 =	sor.u32 s30, s26;
	s9 =	sadd.s32 s9, s29;
	s29 =	sadd.s32 $0x2, s28  }
0x6c: {  	[tilespmem:s30], [sflag:$0x1] =	stream.linear.gather [spmem:s9], $0x80, $0x38;
	[tilespmem:$0x1F800] =	vst v63  }
0x6d: {  	s13 =	sor.u32 $0x400, s30;
	s12 =	sadd.s32 $0x400, s9;
	s29 =	sand.u32 $0xFF, s29  }
0x6e: {  	[tilespmem:s13], [sflag:$0x1] =	stream.linear.gather [spmem:s12], $0x80, $0x38;
	[tilespmem:$0x1F800] =	vst v63  }
0x6f: {  	p2 =	slt.u32 s29, $0x56;
	s12 =	sadd.s32 $0x800, s9;
	s13 =	sor.u32 $0x800, s30  }
0x70: {  	[tilespmem:s13], [sflag:$0x1] =	stream.linear.gather [spmem:s12], $0x80, $0x38;
	[tilespmem:$0x1F800] =	vst v63  }
0x71: {  	s9 =	sadd.s32 $0xC00, s9;
	s12 =	sor.u32 $0xC00, s30;
	s13 =	sand.u32 $0x380, s31  }
0x72: {  	[tilespmem:s12], [sflag:$0x1] =	stream.linear.gather [spmem:s9], $0x80, $0x38;
	[tilespmem:$0x1F800] =	vst v63  }
0x73: {  	s9 =	sor.u32 s11, s26;
	s11 =	simm.s32 $0x0  }
0x74: {  	s8 =	sadd.s32 s13, s8;
	s11 =	simm.s32 @!p2 $0x80  }
0x75: {  	[tilespmem:s9], [sflag:$0x1] =	stream.linear.gather [spmem:s8], $0x80, $0x38;
	[tilespmem:$0x1F800] =	vst v63  }
0x76: {  	s7 =	sadd.s32 s11, s7  }
0x77: {  	s12 =	sadd.s32 $0x400, s8;
	s13 =	sor.u32 $0x400, s9;
	s7 =	sshll.u32 s7, $0x9  }
0x78: {  	[tilespmem:s13], [sflag:$0x1] =	stream.linear.gather [spmem:s12], $0x80, $0x38;
	[tilespmem:$0x1F800] =	vst v63  }
0x79: {  	s11 =	sadd.s32 $0x800, s8;
	s12 =	sor.u32 $0x800, s9;
	s7 =	sand.u32 $0xFFFFF000, s7  }
0x7a: {  	[tilespmem:s12], [sflag:$0x1] =	stream.linear.gather [spmem:s11], $0x80, $0x38;
	[tilespmem:$0x1F800] =	vst v63  }
0x7b: {  	s8 =	sadd.s32 $0xC00, s8;
	s9 =	sor.u32 $0xC00, s9;
	s7 =	sadd.s32 s7, s2  }
0x7c: {  	[tilespmem:s9], [sflag:$0x1] =	stream.linear.gather [spmem:s8], $0x80, $0x38;
	[tilespmem:$0x1F800] =	vst v63  }
0x7d: {  	s6 =	sadd.s32 s6, s7;
	s8 =	sand.u32 $0x300, s14;
	s9 =	sadd.s32 $0xFFFFFFAD, s28  }
0x7e: {  	s8 =	sor.u32 s8, s26;
	s7 =	sand.u32 $0xFF, s9;
	s9 =	sadd.s32 $0x400, s6  }
0x7f: {  	s11 =	sor.u32 $0x400, s8;
	p2 =	slt.u32 s7, $0x56;
	s7 =	simm.s32 $0x0  }
0x80: {  	[tilespmem:s8], [sflag:$0x1] =	stream.linear.gather [spmem:s6], $0x80, $0x38;
	[tilespmem:$0x1F800] =	vst v63  }
0x81: {  	s12 =	sadd.s32 $0x800, s6;
	s13 =	sor.u32 $0x800, s8;
	s7 =	simm.s32 @!p2 $0x80  }
0x82: {  	s14 =	sor.u32 $0xC00, s8;
	s7 =	sadd.s32 s7, s0;
	s0 =	sshll.u32 s0, $0x7  }
0x83: {  	s7 =	sshll.u32 s7, $0x9  }
0x84: {  	s8 =	sand.u32 $0x380, s22;
	s7 =	sand.u32 $0xFFFFF000, s7  }
0x85: {  	s28 =	sadd.s32 $0xC00, s6;
	s6 =	sand.u32 $0x380, s0;
	s7 =	sadd.s32 s7, s2  }
0x86: {  	s0 =	sor.u32 s8, s26;
	s7 =	sadd.s32 s6, s7  }
0x87: {  	[tilespmem:s11], [sflag:$0x1] =	stream.linear.gather [spmem:s9], $0x80, $0x38;
	[tilespmem:$0x1F800] =	vst v63  }
.Ltmp2:
0x88: {  	_ = 	snop;
	(pc) =	sbr.rel @p1 .LBB2_2-.Ltmp2, $4  }
0x89: {  	s8 =	sor.u32 $0xC00, s0;
	s6 =	sadd.s32 $0xC00, s7;
	s9 =	sor.u32 $0x400, s0  }
0x8a: {  	[tilespmem:s13], [sflag:$0x1] =	stream.linear.gather [spmem:s12], $0x80, $0x38;
	[tilespmem:$0x1F800] =	vst v63  }
0x8b: {  	s25 =	sadd.s32 $0x800, s25;
	s24 =	sadd.s32 $0x4, s24;
	s26 =	sor.u32 $0x800, s0  }
0x8c: {  	[tilespmem:s14], [sflag:$0x1] =	stream.linear.gather [spmem:s28], $0x80, $0x38;
	[tilespmem:$0x1F800] =	vst v63  }
0x8d: {  	[tilespmem:s0], [sflag:$0x1] =	stream.linear.gather [spmem:s7], $0x80, $0x38;
	[tilespmem:$0x1F800] =	vst v63  }
0x8e: {  	s30 =	sadd.s32 $0x400, s7  }
0x8f: {  	[tilespmem:s9], [sflag:$0x1] =	stream.linear.gather [spmem:s30], $0x80, $0x38;
	[tilespmem:$0x1F800] =	vst v63  }
.Ltmp3:
0x90: {  	_ = 	snop;
	(pc) =	sbr.rel .LBB2_4-.Ltmp3, $4  }
0x91: {  	s31 =	sadd.s32 $0x800, s7  }
0x92: {  	[tilespmem:s26], [sflag:$0x1] =	stream.linear.gather [spmem:s31], $0x80, $0x38;
	[tilespmem:$0x1F800] =	vst v63  }
0x93: {  	s22 =	simm.s32 $0x0  }
0x94: {  	[tilespmem:s8], [sflag:$0x1] =	stream.linear.gather [spmem:s6], $0x80, $0x38;
	[tilespmem:$0x1F800] =	vst v63  }
.LBB2_14:
0x95: {  	s22 =	sadd.s32 $0x1, s22  }
0x96: {  	p1 =	sne.s32 s22, $0x10  }
.Ltmp4:
0x97: {  	_ = 	snop;
	(pc) =	sbr.rel @!p1 .LBB2_15-.Ltmp4, $1  }
0x98: {  	_ =	sdelay $0x3  }
.LBB2_4:
0x99: {  	s23 =	sshll.u32 s22, $0xA  }
0x9a: {  	_ =	swait.ge [sflag:s16], $0xC000;
	s6 =	sshll.u32 s22, $0x8;
	s0 =	sand.u32 $0x3000, s23  }
0x9b: {  	[sflag:s16] =	ssyncset.done $0x0;
	s6 =	sand.u32 $0x300, s6;
	s25 =	sor.u32 $0x18000, s0  }
0x9c: {  	[sflag:s16] =	ssyncadd.s32 $0xFFFF4000;
	s0 =	sor.u32 s6, s25  }
0x9d: {  	v0 =	vld [tilespmem:s0+$0x0]  }
0x9e: {  	v1 =	vld [tilespmem:s0+$0x10]  }
0x9f: {  	v2 =	vld [tilespmem:s0+$0x20]  }
0xa0: {  	v3 =	vld [tilespmem:s0+$0x30]  }
0xa1: {  	v4 =	vld [tilespmem:s0+$0x40]  }
0xa2: {  	v5 =	vld [tilespmem:s0+$0x50]  }
0xa3: {  	v6 =	vld [tilespmem:s0+$0x60]  }
0xa4: {  	v7 =	vld [tilespmem:s0+$0x70]  }
0xa5: {  	v8 =	vld [tilespmem:s0+$0x400]  }
0xa6: {  	v9 =	vld [tilespmem:s0+$0x410]  }
0xa7: {  	v10 =	vld [tilespmem:s0+$0x420]  }
0xa8: {  	v11 =	vld [tilespmem:s0+$0x430]  }
0xa9: {  	v12 =	vld [tilespmem:s0+$0x440]  }
0xaa: {  	v13 =	vld [tilespmem:s0+$0x450]  }
0xab: {  	v14 =	vld [tilespmem:s0+$0x460]  }
0xac: {  	v15 =	vld [tilespmem:s0+$0x470]  }
0xad: {  	v16 =	vld [tilespmem:s0+$0x800]  }
0xae: {  	v17 =	vld [tilespmem:s0+$0x810]  }
0xaf: {  	v18 =	vld [tilespmem:s0+$0x820]  }
0xb0: {  	v19 =	vld [tilespmem:s0+$0x830]  }
0xb1: {  	v20 =	vld [tilespmem:s0+$0x840]  }
0xb2: {  	v21 =	vld [tilespmem:s0+$0x850]  }
0xb3: {  	s6 =	sor.u32 s23, s6;
	v22 =	vld [tilespmem:s0+$0x860]  }
0xb4: {  	v23 =	vld [tilespmem:s0+$0x870];
	s11 =	sor.u32 $0xC00, s6  }
0xb5: {  	s12 =	sor.u32 $0xC10, s6;
	v24 =	vld [tilespmem:s11+$0x18000]  }
0xb6: {  	s13 =	sor.u32 $0xC20, s6;
	v25 =	vld [tilespmem:s12+$0x18000]  }
0xb7: {  	s14 =	sor.u32 $0xC30, s6;
	v26 =	vld [tilespmem:s13+$0x18000]  }
0xb8: {  	s17 =	sor.u32 $0xC40, s6;
	v27 =	vld [tilespmem:s14+$0x18000]  }
0xb9: {  	s18 =	sor.u32 $0xC50, s6;
	v29 =	vld [tilespmem:s17+$0x18000]  }
0xba: {  	s19 =	sor.u32 $0xC60, s6;
	v30 =	vld [tilespmem:s18+$0x18000]  }
0xbb: {  	s24 =	sand.u32 $0xF000, s21;
	s7 =	sand.u32 $0x300, s21;
	s20 =	sor.u32 $0xC70, s6;
	v28 =	vld [tilespmem:s19+$0x18000]  }
0xbc: {  	s0 =	sor.u32 s7, s24;
	v31 =	vld [tilespmem:s20+$0x18000]  }
0xbd: {  	s6 =	sor.u32 $0x10, s0;
	[tilespmem:s0+$0x0] =	vst.add.f32.msk $0xffff, v0  }
0xbe: {  	s26 =	sor.u32 $0x20, s0;
	[tilespmem:s6+$0x0] =	vst.add.f32.msk $0xffff, v1  }
0xbf: {  	s30 =	sor.u32 $0x30, s0;
	[tilespmem:s26+$0x0] =	vst.add.f32.msk $0xffff, v2  }
0xc0: {  	s7 =	sor.u32 $0x40, s0;
	[tilespmem:s30+$0x0] =	vst.add.f32.msk $0xffff, v3  }
0xc1: {  	s8 =	sor.u32 $0x50, s0;
	[tilespmem:s7+$0x0] =	vst.add.f32.msk $0xffff, v4  }
0xc2: {  	s9 =	sor.u32 $0x60, s0;
	[tilespmem:s8+$0x0] =	vst.add.f32.msk $0xffff, v5  }
0xc3: {  	s10 =	sor.u32 $0x70, s0;
	[tilespmem:s9+$0x0] =	vst.add.f32.msk $0xffff, v6  }
0xc4: {  	s11 =	sor.u32 $0x400, s0;
	[tilespmem:s10+$0x0] =	vst.add.f32.msk $0xffff, v7  }
0xc5: {  	s12 =	sor.u32 $0x410, s0;
	[tilespmem:s11+$0x0] =	vst.add.f32.msk $0xffff, v8  }
0xc6: {  	s13 =	sor.u32 $0x420, s0;
	[tilespmem:s12+$0x0] =	vst.add.f32.msk $0xffff, v9  }
0xc7: {  	s14 =	sor.u32 $0x430, s0;
	[tilespmem:s13+$0x0] =	vst.add.f32.msk $0xffff, v10  }
0xc8: {  	s17 =	sor.u32 $0x440, s0;
	[tilespmem:s14+$0x0] =	vst.add.f32.msk $0xffff, v11  }
0xc9: {  	s18 =	sor.u32 $0x450, s0;
	[tilespmem:s17+$0x0] =	vst.add.f32.msk $0xffff, v12  }
0xca: {  	s19 =	sor.u32 $0x460, s0;
	[tilespmem:s18+$0x0] =	vst.add.f32.msk $0xffff, v13  }
0xcb: {  	s20 =	sor.u32 $0x470, s0;
	[tilespmem:s19+$0x0] =	vst.add.f32.msk $0xffff, v14  }
0xcc: {  	s24 =	sor.u32 $0x800, s0;
	[tilespmem:s20+$0x0] =	vst.add.f32.msk $0xffff, v15  }
0xcd: {  	s26 =	sor.u32 $0x810, s0;
	[tilespmem:s24+$0x0] =	vst.add.f32.msk $0xffff, v16  }
0xce: {  	s30 =	sor.u32 $0x820, s0;
	[tilespmem:s26+$0x0] =	vst.add.f32.msk $0xffff, v17  }
0xcf: {  	s7 =	sor.u32 $0x830, s0;
	[tilespmem:s30+$0x0] =	vst.add.f32.msk $0xffff, v18  }
0xd0: {  	s8 =	sor.u32 $0x840, s0;
	[tilespmem:s7+$0x0] =	vst.add.f32.msk $0xffff, v19  }
0xd1: {  	s9 =	sand.u32 $0x3, s21;
	s10 =	sor.u32 $0x850, s0;
	[tilespmem:s8+$0x0] =	vst.add.f32.msk $0xffff, v20  }
0xd2: {  	s7 =	sshll.u32 s9, $0x8;
	s8 =	sor.u32 $0x860, s0;
	[tilespmem:s10+$0x0] =	vst.add.f32.msk $0xffff, v21  }
0xd3: {  	s11 =	sor.u32 $0x870, s0;
	s6 =	sadd.s32 $0x0, s7;
	[tilespmem:s8+$0x0] =	vst.add.f32.msk $0xffff, v22  }
0xd4: {  	s12 =	sor.u32 $0xC00, s6;
	[tilespmem:s11+$0x0] =	vst.add.f32.msk $0xffff, v23  }
0xd5: {  	s13 =	sor.u32 $0xC10, s6;
	[tilespmem:s12+$0x0] =	vst.add.f32.msk $0xffff, v24  }
0xd6: {  	s14 =	sor.u32 $0xC20, s6;
	[tilespmem:s13+$0x0] =	vst.add.f32.msk $0xffff, v25  }
0xd7: {  	s17 =	sor.u32 $0xC30, s6;
	[tilespmem:s14+$0x0] =	vst.add.f32.msk $0xffff, v26  }
0xd8: {  	s18 =	sor.u32 $0xC40, s6;
	[tilespmem:s17+$0x0] =	vst.add.f32.msk $0xffff, v27  }
0xd9: {  	s19 =	sor.u32 $0xC50, s6;
	[tilespmem:s18+$0x0] =	vst.add.f32.msk $0xffff, v29  }
0xda: {  	s20 =	sor.u32 $0xC60, s6;
	[tilespmem:s19+$0x0] =	vst.add.f32.msk $0xffff, v30  }
0xdb: {  	s24 =	sor.u32 $0xC70, s6;
	[tilespmem:s20+$0x0] =	vst.add.f32.msk $0xffff, v28  }
0xdc: {  	s26 =	sor.u32 $0x80, s0;
	[tilespmem:s24+$0x0] =	vst.add.f32.msk $0xffff, v31  }
0xdd: {  	s30 =	sor.u32 $0x90, s0;
	[tilespmem:s26+$0x0] =	vst.add.f32.msk $0xffff, v0  }
0xde: {  	s8 =	sor.u32 $0xA0, s0;
	[tilespmem:s30+$0x0] =	vst.add.f32.msk $0xffff, v1  }
0xdf: {  	s9 =	sor.u32 $0xB0, s0;
	[tilespmem:s8+$0x0] =	vst.add.f32.msk $0xffff, v2  }
0xe0: {  	s10 =	sor.u32 $0xC0, s0;
	[tilespmem:s9+$0x0] =	vst.add.f32.msk $0xffff, v3  }
0xe1: {  	s11 =	sor.u32 $0xD0, s0;
	[tilespmem:s10+$0x0] =	vst.add.f32.msk $0xffff, v4  }
0xe2: {  	s12 =	sor.u32 $0xE0, s0;
	[tilespmem:s11+$0x0] =	vst.add.f32.msk $0xffff, v5  }
0xe3: {  	s13 =	sor.u32 $0xF0, s0;
	[tilespmem:s12+$0x0] =	vst.add.f32.msk $0xffff, v6  }
0xe4: {  	s14 =	sor.u32 $0x480, s0;
	[tilespmem:s13+$0x0] =	vst.add.f32.msk $0xffff, v7  }
0xe5: {  	s17 =	sor.u32 $0x490, s0;
	[tilespmem:s14+$0x0] =	vst.add.f32.msk $0xffff, v8  }
0xe6: {  	s18 =	sor.u32 $0x4A0, s0;
	[tilespmem:s17+$0x0] =	vst.add.f32.msk $0xffff, v9  }
0xe7: {  	s19 =	sor.u32 $0x4B0, s0;
	[tilespmem:s18+$0x0] =	vst.add.f32.msk $0xffff, v10  }
0xe8: {  	s20 =	sor.u32 $0x4C0, s0;
	[tilespmem:s19+$0x0] =	vst.add.f32.msk $0xffff, v11  }
0xe9: {  	s24 =	sor.u32 $0x4D0, s0;
	[tilespmem:s20+$0x0] =	vst.add.f32.msk $0xffff, v12  }
0xea: {  	s26 =	sor.u32 $0x4E0, s0;
	[tilespmem:s24+$0x0] =	vst.add.f32.msk $0xffff, v13  }
0xeb: {  	s30 =	sor.u32 $0x4F0, s0;
	[tilespmem:s26+$0x0] =	vst.add.f32.msk $0xffff, v14  }
0xec: {  	s8 =	sor.u32 $0x880, s0;
	[tilespmem:s30+$0x0] =	vst.add.f32.msk $0xffff, v15  }
0xed: {  	s9 =	sor.u32 $0x890, s0;
	[tilespmem:s8+$0x0] =	vst.add.f32.msk $0xffff, v16  }
0xee: {  	s10 =	sor.u32 $0x8A0, s0;
	[tilespmem:s9+$0x0] =	vst.add.f32.msk $0xffff, v17  }
0xef: {  	s11 =	sor.u32 $0x8B0, s0;
	[tilespmem:s10+$0x0] =	vst.add.f32.msk $0xffff, v18  }
0xf0: {  	s12 =	sor.u32 $0x8C0, s0;
	[tilespmem:s11+$0x0] =	vst.add.f32.msk $0xffff, v19  }
0xf1: {  	s13 =	sor.u32 $0x8D0, s0;
	[tilespmem:s12+$0x0] =	vst.add.f32.msk $0xffff, v20  }
0xf2: {  	s14 =	sor.u32 $0x8E0, s0;
	[tilespmem:s13+$0x0] =	vst.add.f32.msk $0xffff, v21  }
0xf3: {  	s6 =	sadd.s32 $0x80, s6;
	s0 =	sor.u32 $0x8F0, s0;
	[tilespmem:s14+$0x0] =	vst.add.f32.msk $0xffff, v22  }
0xf4: {  	s17 =	sor.u32 $0xC00, s6;
	[tilespmem:s0+$0x0] =	vst.add.f32.msk $0xffff, v23  }
0xf5: {  	s18 =	sor.u32 $0xC10, s6;
	[tilespmem:s17+$0x0] =	vst.add.f32.msk $0xffff, v24  }
0xf6: {  	s19 =	sor.u32 $0xC20, s6;
	[tilespmem:s18+$0x0] =	vst.add.f32.msk $0xffff, v25  }
0xf7: {  	s20 =	sor.u32 $0xC30, s6;
	[tilespmem:s19+$0x0] =	vst.add.f32.msk $0xffff, v26  }
0xf8: {  	s28 =	simm.s32 $0x400;
	s26 =	sor.u32 $0xC40, s6;
	[tilespmem:s20+$0x0] =	vst.add.f32.msk $0xffff, v27  }
0xf9: {  	s29 =	simm.s32 $0x0;
	s31 =	sor.u32 $0xC70, s6;
	s30 =	sor.u32 $0xC50, s6;
	[tilespmem:s26+$0x0] =	vst.add.f32.msk $0xffff, v29  }
0xfa: {  	s24 =	simm.s32 $0x0;
	s0 =	sor.u32 $0xC60, s6;
	s26 =	simm.s32 $0x100;
	[tilespmem:s30+$0x0] =	vst.add.f32.msk $0xffff, v30  }
.LBB2_5:
0xfb: {  	s6 =	sand.u32 $0xF000, s28;
	s7 =	sand.u32 $0x300, s26;
	s24 =	sadd.s32 $0x2, s24;
	[tilespmem:s0+$0x0] =	vst.add.f32.msk $0xffff, v28  }
0xfc: {  	s30 =	sor.u32 s7, s6;
	p1 =	slt.u32 s24, $0x5E;
	[tilespmem:s31+$0x0] =	vst.add.f32.msk $0xffff, v31  }
0xfd: {  	[tilespmem:s30+$0x0] =	vst.add.f32.msk $0xffff, v0;
	s0 =	sor.u32 $0x10, s30  }
0xfe: {  	[tilespmem:s0+$0x0] =	vst.add.f32.msk $0xffff, v1;
	s0 =	sor.u32 $0x20, s30  }
0xff: {  	[tilespmem:s0+$0x0] =	vst.add.f32.msk $0xffff, v2;
	s0 =	sor.u32 $0x30, s30  }
0x100: {  	[tilespmem:s0+$0x0] =	vst.add.f32.msk $0xffff, v3;
	s0 =	sor.u32 $0x40, s30  }
0x101: {  	[tilespmem:s0+$0x0] =	vst.add.f32.msk $0xffff, v4;
	s0 =	sor.u32 $0x50, s30  }
0x102: {  	[tilespmem:s0+$0x0] =	vst.add.f32.msk $0xffff, v5;
	s0 =	sor.u32 $0x60, s30  }
0x103: {  	[tilespmem:s0+$0x0] =	vst.add.f32.msk $0xffff, v6;
	s0 =	sor.u32 $0x70, s30  }
0x104: {  	[tilespmem:s0+$0x0] =	vst.add.f32.msk $0xffff, v7;
	s0 =	sor.u32 $0x400, s30  }
0x105: {  	[tilespmem:s0+$0x0] =	vst.add.f32.msk $0xffff, v8;
	s0 =	sor.u32 $0x410, s30  }
0x106: {  	[tilespmem:s0+$0x0] =	vst.add.f32.msk $0xffff, v9;
	s0 =	sor.u32 $0x420, s30  }
0x107: {  	[tilespmem:s0+$0x0] =	vst.add.f32.msk $0xffff, v10;
	s0 =	sor.u32 $0x430, s30  }
0x108: {  	[tilespmem:s0+$0x0] =	vst.add.f32.msk $0xffff, v11;
	s0 =	sor.u32 $0x440, s30  }
0x109: {  	[tilespmem:s0+$0x0] =	vst.add.f32.msk $0xffff, v12;
	s0 =	sor.u32 $0x450, s30  }
0x10a: {  	[tilespmem:s0+$0x0] =	vst.add.f32.msk $0xffff, v13;
	s0 =	sor.u32 $0x460, s30  }
0x10b: {  	[tilespmem:s0+$0x0] =	vst.add.f32.msk $0xffff, v14;
	s0 =	sor.u32 $0x470, s30  }
0x10c: {  	[tilespmem:s0+$0x0] =	vst.add.f32.msk $0xffff, v15;
	s0 =	sor.u32 $0x800, s30  }
0x10d: {  	[tilespmem:s0+$0x0] =	vst.add.f32.msk $0xffff, v16;
	s0 =	sor.u32 $0x810, s30  }
0x10e: {  	[tilespmem:s0+$0x0] =	vst.add.f32.msk $0xffff, v17;
	s0 =	sor.u32 $0x820, s30  }
0x10f: {  	[tilespmem:s0+$0x0] =	vst.add.f32.msk $0xffff, v18;
	s0 =	sor.u32 $0x830, s30  }
0x110: {  	s29 =	sadd.s32 $0x1, s29;
	[tilespmem:s0+$0x0] =	vst.add.f32.msk $0xffff, v19;
	s0 =	sor.u32 $0x840, s30  }
0x111: {  	s6 =	sand.u32 $0x3, s29;
	[tilespmem:s0+$0x0] =	vst.add.f32.msk $0xffff, v20;
	s0 =	sor.u32 $0x850, s30  }
0x112: {  	s6 =	sshll.u32 s6, $0x8;
	[tilespmem:s0+$0x0] =	vst.add.f32.msk $0xffff, v21;
	s0 =	sor.u32 $0x860, s30  }
0x113: {  	s6 =	sadd.s32 s6, s28;
	[tilespmem:s0+$0x0] =	vst.add.f32.msk $0xffff, v22;
	s0 =	sor.u32 $0x870, s30  }
0x114: {  	s7 =	sor.u32 $0xC00, s6;
	[tilespmem:s0+$0x0] =	vst.add.f32.msk $0xffff, v23;
	s0 =	sadd.s32 $0x80, s6  }
0x115: {  	[tilespmem:s7+$0x0] =	vst.add.f32.msk $0xffff, v24;
	s7 =	sor.u32 $0xC10, s6;
	s31 =	sor.u32 $0xC70, s0  }
0x116: {  	[tilespmem:s7+$0x0] =	vst.add.f32.msk $0xffff, v25;
	s7 =	sor.u32 $0xC20, s6  }
0x117: {  	[tilespmem:s7+$0x0] =	vst.add.f32.msk $0xffff, v26;
	s7 =	sor.u32 $0xC30, s6  }
0x118: {  	[tilespmem:s7+$0x0] =	vst.add.f32.msk $0xffff, v27;
	s7 =	sor.u32 $0xC40, s6  }
0x119: {  	[tilespmem:s7+$0x0] =	vst.add.f32.msk $0xffff, v29;
	s7 =	sor.u32 $0xC50, s6  }
0x11a: {  	[tilespmem:s7+$0x0] =	vst.add.f32.msk $0xffff, v30;
	s7 =	sor.u32 $0xC60, s6  }
0x11b: {  	s6 =	sor.u32 $0xC70, s6;
	[tilespmem:s7+$0x0] =	vst.add.f32.msk $0xffff, v28  }
0x11c: {  	[tilespmem:s6+$0x0] =	vst.add.f32.msk $0xffff, v31;
	s6 =	sor.u32 $0x80, s30  }
0x11d: {  	[tilespmem:s6+$0x0] =	vst.add.f32.msk $0xffff, v0;
	s6 =	sor.u32 $0x90, s30  }
0x11e: {  	[tilespmem:s6+$0x0] =	vst.add.f32.msk $0xffff, v1;
	s6 =	sor.u32 $0xA0, s30  }
0x11f: {  	[tilespmem:s6+$0x0] =	vst.add.f32.msk $0xffff, v2;
	s6 =	sor.u32 $0xB0, s30  }
0x120: {  	[tilespmem:s6+$0x0] =	vst.add.f32.msk $0xffff, v3;
	s6 =	sor.u32 $0xC0, s30  }
0x121: {  	[tilespmem:s6+$0x0] =	vst.add.f32.msk $0xffff, v4;
	s6 =	sor.u32 $0xD0, s30  }
0x122: {  	[tilespmem:s6+$0x0] =	vst.add.f32.msk $0xffff, v5;
	s6 =	sor.u32 $0xE0, s30  }
0x123: {  	[tilespmem:s6+$0x0] =	vst.add.f32.msk $0xffff, v6;
	s6 =	sor.u32 $0xF0, s30  }
0x124: {  	[tilespmem:s6+$0x0] =	vst.add.f32.msk $0xffff, v7;
	s6 =	sor.u32 $0x480, s30  }
0x125: {  	[tilespmem:s6+$0x0] =	vst.add.f32.msk $0xffff, v8;
	s6 =	sor.u32 $0x490, s30  }
0x126: {  	[tilespmem:s6+$0x0] =	vst.add.f32.msk $0xffff, v9;
	s6 =	sor.u32 $0x4A0, s30  }
0x127: {  	[tilespmem:s6+$0x0] =	vst.add.f32.msk $0xffff, v10;
	s6 =	sor.u32 $0x4B0, s30  }
0x128: {  	[tilespmem:s6+$0x0] =	vst.add.f32.msk $0xffff, v11;
	s6 =	sor.u32 $0x4C0, s30  }
0x129: {  	[tilespmem:s6+$0x0] =	vst.add.f32.msk $0xffff, v12;
	s6 =	sor.u32 $0x4D0, s30  }
0x12a: {  	[tilespmem:s6+$0x0] =	vst.add.f32.msk $0xffff, v13;
	s6 =	sor.u32 $0x4E0, s30  }
0x12b: {  	[tilespmem:s6+$0x0] =	vst.add.f32.msk $0xffff, v14;
	s6 =	sor.u32 $0x4F0, s30  }
0x12c: {  	[tilespmem:s6+$0x0] =	vst.add.f32.msk $0xffff, v15;
	s6 =	sor.u32 $0x880, s30  }
0x12d: {  	[tilespmem:s6+$0x0] =	vst.add.f32.msk $0xffff, v16;
	s6 =	sor.u32 $0x890, s30  }
0x12e: {  	[tilespmem:s6+$0x0] =	vst.add.f32.msk $0xffff, v17;
	s6 =	sor.u32 $0x8A0, s30  }
0x12f: {  	[tilespmem:s6+$0x0] =	vst.add.f32.msk $0xffff, v18;
	s6 =	sor.u32 $0x8B0, s30  }
0x130: {  	[tilespmem:s6+$0x0] =	vst.add.f32.msk $0xffff, v19;
	s6 =	sor.u32 $0x8C0, s30  }
0x131: {  	[tilespmem:s6+$0x0] =	vst.add.f32.msk $0xffff, v20;
	s6 =	sor.u32 $0x8D0, s30  }
0x132: {  	[tilespmem:s6+$0x0] =	vst.add.f32.msk $0xffff, v21;
	s6 =	sor.u32 $0x8E0, s30  }
0x133: {  	[tilespmem:s6+$0x0] =	vst.add.f32.msk $0xffff, v22;
	s6 =	sor.u32 $0x8F0, s30  }
0x134: {  	[tilespmem:s6+$0x0] =	vst.add.f32.msk $0xffff, v23;
	s6 =	sor.u32 $0xC00, s0  }
0x135: {  	[tilespmem:s6+$0x0] =	vst.add.f32.msk $0xffff, v24;
	s6 =	sor.u32 $0xC10, s0  }
.Ltmp5:
0x136: {  	[tilespmem:s6+$0x0] =	vst.add.f32.msk $0xffff, v25;
	s6 =	sor.u32 $0xC20, s0;
	(pc) =	sbr.rel @p1 .LBB2_5-.Ltmp5, $4  }
0x137: {  	[tilespmem:s6+$0x0] =	vst.add.f32.msk $0xffff, v26;
	s6 =	sor.u32 $0xC30, s0  }
0x138: {  	[tilespmem:s6+$0x0] =	vst.add.f32.msk $0xffff, v27;
	s6 =	sor.u32 $0xC40, s0  }
0x139: {  	[tilespmem:s6+$0x0] =	vst.add.f32.msk $0xffff, v29;
	s6 =	sor.u32 $0xC50, s0  }
0x13a: {  	s26 =	sadd.s32 $0x100, s26;
	s28 =	sadd.s32 $0x400, s28;
	s0 =	sor.u32 $0xC60, s0;
	[tilespmem:s6+$0x0] =	vst.add.f32.msk $0xffff, v30  }
0x13b: {  	s24 =	sshll.u32 s22, $0x6  }
0x13c: {  	s6 =	sor.u32 s5, s24  }
0x13d: {  	p1 =	seq.s32 s22, $0x0;
	s7 =	smul.u32 $0x1800, s6  }
0x13e: {  	s14 =	simm.s32 $0x80;
	s26 =	sshll.u32 s22, $0x1;
	s13 =	smul.u32 $0x180, s6  }
0x13f: {  	[tilespmem:s0+$0x0] =	vst.add.f32.msk $0xffff, v28;
	s17 =	simm.s32 $0xFFFFFFFC;
	s11 =	simm.s32 $0x0;
	s28 =	simm.s32 $0x100  }
0x140: {  	[tilespmem:s31+$0x0] =	vst.add.f32.msk $0xffff, v31;
	s18 =	sand.u32 $0xF000, s11;
	s12 =	sadd.s32 s1, s7;
	s0 =	sshra.s32 s13, $0x2  }
0x141: {  	[hbm4b:s12+s4] =	stream.linear.scatter [tilespmem:s4], [sflag:$0x2], $0xC000, $0x38;
	[tilespmem:$0x1F800] =	vst v63  }
0x142: {  	s6 =	simm.s32 @!p1 $0x2;
	s7 =	smul.u32 $0xFFFFFFAB, s17;
	s0 =	sadd.s32 s0, s3  }
0x143: {  	s12 =	simm.s32 $0x0;
	_ =	swait.ge @!p1 [sflag:s6], $0xC000;
	s0 =	sadd.s32 $0xC00, s0  }
0x144: {  	s29 =	sadd.s32 $0xFFFFFEAC, s7;
	s30 =	sadd.s32 $0x57, s7;
	[sflag:s6] =	ssyncset.done @!p1 $0x0  }
0x145: {  	s31 =	sadd.s32 $0x2, s7;
	s12 =	sand.u32 $0x200, s12;
	[sflag:s6] =	ssyncadd.s32 @!p1 $0xFFFF4000  }
0x146: {  	[smem:s14], [sflag:$0x3] =	stream.linear.gather [spmem:s0], $0x60, $0x38;
	[tilespmem:$0x1F800] =	vst v63  }
0x147: {  	s7 =	sadd.s32 $0xFFFFFFAD, s7;
	s29 =	sand.u32 $0xFF, s29;
	_ =	swait.ge [sflag:s15], $0x60  }
0x148: {  	s30 =	sand.u32 $0xFF, s30;
	s17 =	sand.u32 $0xFF, s31;
	[sflag:s15] =	ssyncset.done $0x0  }
0x149: {  	s7 =	sand.u32 $0xFF, s7;
	s31 =	simm.s32 $0x380;
	[sflag:s15] =	ssyncadd.s32 $0xFFFFFFA0  }
0x14a: {  	p1 =	slt.u32 s29, $0x56;
	p2 =	slt.u32 s30, $0x56;
	s6 =	sld [smem:$0x83]  }
0x14b: {  	s29 =	simm.s32 $0x0;
	s30 =	simm.s32 $0x0;
	s8 =	sld [smem:$0x80]  }
0x14c: {  	s0 =	simm.s32 $0x180;
	s14 =	simm.s32 $0x80;
	s9 =	sld [smem:$0x82]  }
0x14d: {  	s29 =	simm.s32 @!p1 $0x80;
	s30 =	simm.s32 @!p2 $0x80;
	s13 =	sld [smem:$0x81]  }
0x14e: {  	p1 =	slt.u32 s17, $0x56;
	s14 =	sand.u32 $0x280, s14;
	s29 =	sadd.s32 s29, s8  }
0x14f: {  	s0 =	sand.u32 $0x380, s0;
	s8 =	sshll.u32 s8, $0x7;
	s29 =	sshll.u32 s29, $0x9  }
0x150: {  	s19 =	sand.u32 $0x380, s8;
	s8 =	sadd.s32 $0xC000, s18;
	s30 =	sadd.s32 s30, s13  }
0x151: {  	s20 =	sand.u32 $0xFFFFF000, s29;
	s12 =	sor.u32 s12, s8;
	s13 =	sshll.u32 s13, $0x7  }
0x152: {  	s18 =	sor.u32 s14, s8;
	s30 =	sshll.u32 s30, $0x9;
	s11 =	sadd.s32 s20, s2  }
0x153: {  	s0 =	sor.u32 s0, s8;
	s29 =	sand.u32 $0xFFFFF000, s30;
	s11 =	sadd.s32 s19, s11  }
0x154: {  	[tilespmem:s12], [sflag:$0x1] =	stream.linear.gather [spmem:s11], $0x80, $0x38;
	[tilespmem:$0x1F800] =	vst v63  }
0x155: {  	s30 =	sor.u32 $0x400, s12;
	s10 =	sadd.s32 s29, s2;
	s29 =	sadd.s32 $0x400, s11  }
0x156: {  	[tilespmem:s30], [sflag:$0x1] =	stream.linear.gather [spmem:s29], $0x80, $0x38;
	[tilespmem:$0x1F800] =	vst v63  }
0x157: {  	s13 =	sand.u32 $0x380, s13;
	s29 =	sadd.s32 $0x800, s11;
	s30 =	sor.u32 $0x800, s12  }
0x158: {  	[tilespmem:s30], [sflag:$0x1] =	stream.linear.gather [spmem:s29], $0x80, $0x38;
	[tilespmem:$0x1F800] =	vst v63  }
0x159: {  	s20 =	sand.u32 $0x300, s28;
	s11 =	sadd.s32 $0xC00, s11;
	s12 =	sor.u32 $0xC00, s12  }
0x15a: {  	[tilespmem:s12], [sflag:$0x1] =	stream.linear.gather [spmem:s11], $0x80, $0x38;
	[tilespmem:$0x1F800] =	vst v63  }
0x15b: {  	s28 =	sor.u32 $0x400, s18;
	s13 =	sadd.s32 s13, s10;
	s11 =	simm.s32 $0x0  }
0x15c: {  	s19 =	sadd.s32 $0x400, s13;
	s10 =	sadd.s32 $0x800, s13;
	s11 =	simm.s32 @!p1 $0x80  }
0x15d: {  	[tilespmem:s18], [sflag:$0x1] =	stream.linear.gather [spmem:s13], $0x80, $0x38;
	[tilespmem:$0x1F800] =	vst v63  }
0x15e: {  	s29 =	simm.s32 $0x800;
	s30 =	simm.s32 $0x87;
	s11 =	sadd.s32 s11, s9  }
0x15f: {  	s12 =	sor.u32 $0xC00, s18;
	p1 =	slt.u32 s7, $0x56;
	s11 =	sshll.u32 s11, $0x9  }
0x160: {  	[tilespmem:s28], [sflag:$0x1] =	stream.linear.gather [spmem:s19], $0x80, $0x38;
	[tilespmem:$0x1F800] =	vst v63  }
0x161: {  	s7 =	simm.s32 $0x0;
	s9 =	sshll.u32 s9, $0x7;
	s11 =	sand.u32 $0xFFFFF000, s11  }
0x162: {  	s9 =	sand.u32 $0x380, s9;
	s28 =	sor.u32 $0x800, s18;
	s11 =	sadd.s32 s11, s2  }
0x163: {  	[tilespmem:s28], [sflag:$0x1] =	stream.linear.gather [spmem:s10], $0x80, $0x38;
	[tilespmem:$0x1F800] =	vst v63  }
0x164: {  	s13 =	sadd.s32 $0xC00, s13;
	s7 =	simm.s32 @!p1 $0x80;
	s9 =	sadd.s32 s9, s11  }
0x165: {  	[tilespmem:s12], [sflag:$0x1] =	stream.linear.gather [spmem:s13], $0x80, $0x38;
	[tilespmem:$0x1F800] =	vst v63  }
0x166: {  	s13 =	sor.u32 s20, s8;
	s20 =	sshll.u32 s6, $0x7;
	s6 =	sadd.s32 s7, s6  }
0x167: {  	s28 =	simm.s32 $0x0;
	s10 =	sadd.s32 $0x400, s9;
	s6 =	sshll.u32 s6, $0x9  }
0x168: {  	[tilespmem:s13], [sflag:$0x1] =	stream.linear.gather [spmem:s9], $0x80, $0x38;
	[tilespmem:$0x1F800] =	vst v63  }
0x169: {  	s14 =	sadd.s32 $0x800, s9;
	s19 =	sor.u32 $0x400, s13;
	s6 =	sand.u32 $0xFFFFF000, s6  }
0x16a: {  	[tilespmem:s19], [sflag:$0x1] =	stream.linear.gather [spmem:s10], $0x80, $0x38;
	[tilespmem:$0x1F800] =	vst v63  }
0x16b: {  	s17 =	sor.u32 $0x800, s13;
	s20 =	sand.u32 $0x380, s20;
	s6 =	sadd.s32 s6, s2  }
0x16c: {  	[tilespmem:s17], [sflag:$0x1] =	stream.linear.gather [spmem:s14], $0x80, $0x38;
	[tilespmem:$0x1F800] =	vst v63  }
0x16d: {  	s18 =	sadd.s32 $0xC00, s9;
	s19 =	sor.u32 $0xC00, s13;
	s6 =	sadd.s32 s20, s6  }
0x16e: {  	[tilespmem:s19], [sflag:$0x1] =	stream.linear.gather [spmem:s18], $0x80, $0x38;
	[tilespmem:$0x1F800] =	vst v63  }
0x16f: {  	s9 =	sor.u32 $0x400, s0;
	s8 =	sadd.s32 $0x400, s6;
	s7 =	sadd.s32 $0x800, s6  }
0x170: {  	[tilespmem:s0], [sflag:$0x1] =	stream.linear.gather [spmem:s6], $0x80, $0x38;
	[tilespmem:$0x1F800] =	vst v63  }
.LBB2_7:
0x171: {  	[tilespmem:s9], [sflag:$0x1] =	stream.linear.gather [spmem:s8], $0x80, $0x38;
	[tilespmem:$0x1F800] =	vst v63  }
0x172: {  	s8 =	smov.u32 s28  }
0x173: {  	s28 =	sadd.s32 $0x4, s28;
	s9 =	sor.u32 $0x800, s0;
	s6 =	sadd.s32 $0xC00, s6  }
0x174: {  	[tilespmem:s9], [sflag:$0x1] =	stream.linear.gather [spmem:s7], $0x80, $0x38;
	[tilespmem:$0x1F800] =	vst v63  }
0x175: {  	s0 =	sor.u32 $0xC00, s0;
	p1 =	slt.u32 s28, $0x5C  }
0x176: {  	[tilespmem:s0], [sflag:$0x1] =	stream.linear.gather [spmem:s6], $0x80, $0x38;
	[tilespmem:$0x1F800] =	vst v63  }
0x177: {  	s12 =	sadd.s32 $0xFFFFFE80, s31;
	s10 =	simm.s32 $0x0;
	s0 =	sld [smem:s30+$0x0]  }
0x178: {  	s17 =	sand.u32 $0xF000, s29;
	s6 =	smul.u32 $0xFFFFFFAB, s8;
	s11 =	sld [smem:s30+$0xFFFFFFFD]  }
0x179: {  	s12 =	sand.u32 $0x200, s12;
	s9 =	sadd.s32 $0xFFFFFF00, s31;
	s8 =	sld [smem:s30+$0xFFFFFFFF]  }
0x17a: {  	s7 =	sadd.s32 $0xFFFFFF80, s31;
	s14 =	sadd.s32 $0xFFFFFEAC, s6;
	s13 =	sld [smem:s30+$0xFFFFFFFE]  }
0x17b: {  	s7 =	sand.u32 $0x300, s7;
	s19 =	sadd.s32 $0x57, s6;
	s14 =	sand.u32 $0xFF, s14  }
0x17c: {  	s20 =	sadd.s32 $0x2, s6;
	s19 =	sand.u32 $0xFF, s19;
	p2 =	slt.u32 s14, $0x56  }
0x17d: {  	p3 =	slt.u32 s19, $0x56;
	s19 =	sand.u32 $0x280, s9;
	s14 =	simm.s32 $0x0  }
0x17e: {  	s14 =	simm.s32 @!p2 $0x80;
	s10 =	simm.s32 @!p3 $0x80;
	s9 =	sshll.u32 s8, $0x7  }
0x17f: {  	s14 =	sadd.s32 s14, s11;
	s11 =	sshll.u32 s11, $0x7;
	s10 =	sadd.s32 s10, s13  }
0x180: {  	s14 =	sshll.u32 s14, $0x9;
	s11 =	sand.u32 $0x380, s11;
	s10 =	sshll.u32 s10, $0x9  }
0x181: {  	s6 =	sadd.s32 $0xFFFFFFAD, s6;
	s20 =	sand.u32 $0xFF, s20;
	s18 =	sand.u32 $0xFFFFF000, s14  }
0x182: {  	s14 =	sadd.s32 $0xC000, s17;
	s17 =	sadd.s32 s18, s2;
	s10 =	sand.u32 $0xFFFFF000, s10  }
0x183: {  	s12 =	sor.u32 s12, s14;
	s11 =	sadd.s32 s11, s17;
	s10 =	sadd.s32 s10, s2  }
0x184: {  	[tilespmem:s12], [sflag:$0x1] =	stream.linear.gather [spmem:s11], $0x80, $0x38;
	[tilespmem:$0x1F800] =	vst v63  }
0x185: {  	s13 =	sshll.u32 s13, $0x7;
	s18 =	sor.u32 $0x400, s12;
	s17 =	sadd.s32 $0x400, s11  }
0x186: {  	[tilespmem:s18], [sflag:$0x1] =	stream.linear.gather [spmem:s17], $0x80, $0x38;
	[tilespmem:$0x1F800] =	vst v63  }
0x187: {  	p2 =	slt.u32 s20, $0x56;
	s17 =	sadd.s32 $0x800, s11;
	s18 =	sor.u32 $0x800, s12  }
0x188: {  	[tilespmem:s18], [sflag:$0x1] =	stream.linear.gather [spmem:s17], $0x80, $0x38;
	[tilespmem:$0x1F800] =	vst v63  }
0x189: {  	s13 =	sand.u32 $0x380, s13;
	s11 =	sadd.s32 $0xC00, s11;
	s12 =	sor.u32 $0xC00, s12  }
0x18a: {  	[tilespmem:s12], [sflag:$0x1] =	stream.linear.gather [spmem:s11], $0x80, $0x38;
	[tilespmem:$0x1F800] =	vst v63  }
0x18b: {  	s10 =	sadd.s32 s13, s10;
	s17 =	simm.s32 $0x0;
	s11 =	sor.u32 s19, s14  }
0x18c: {  	[tilespmem:s11], [sflag:$0x1] =	stream.linear.gather [spmem:s10], $0x80, $0x38;
	[tilespmem:$0x1F800] =	vst v63  }
0x18d: {  	s17 =	simm.s32 @!p2 $0x80;
	s12 =	sadd.s32 $0x400, s10;
	s13 =	sor.u32 $0x400, s11  }
0x18e: {  	[tilespmem:s13], [sflag:$0x1] =	stream.linear.gather [spmem:s12], $0x80, $0x38;
	[tilespmem:$0x1F800] =	vst v63  }
0x18f: {  	s8 =	sadd.s32 s17, s8;
	s12 =	sadd.s32 $0x800, s10;
	s13 =	sor.u32 $0x800, s11  }
0x190: {  	[tilespmem:s13], [sflag:$0x1] =	stream.linear.gather [spmem:s12], $0x80, $0x38;
	[tilespmem:$0x1F800] =	vst v63  }
0x191: {  	s8 =	sshll.u32 s8, $0x9;
	s10 =	sadd.s32 $0xC00, s10;
	s11 =	sor.u32 $0xC00, s11  }
0x192: {  	[tilespmem:s11], [sflag:$0x1] =	stream.linear.gather [spmem:s10], $0x80, $0x38;
	[tilespmem:$0x1F800] =	vst v63  }
0x193: {  	s6 =	sand.u32 $0xFF, s6;
	s9 =	sand.u32 $0x380, s9;
	s8 =	sand.u32 $0xFFFFF000, s8  }
0x194: {  	s7 =	sor.u32 s7, s14;
	p2 =	slt.u32 s6, $0x56;
	s8 =	sadd.s32 s8, s2  }
0x195: {  	s6 =	simm.s32 $0x0;
	s8 =	sadd.s32 s9, s8;
	s9 =	sor.u32 $0x400, s7  }
0x196: {  	s29 =	sadd.s32 $0x800, s29;
	s6 =	simm.s32 @!p2 $0x80;
	s10 =	sshll.u32 s0, $0x7  }
0x197: {  	[tilespmem:s7], [sflag:$0x1] =	stream.linear.gather [spmem:s8], $0x80, $0x38;
	[tilespmem:$0x1F800] =	vst v63  }
0x198: {  	s11 =	sadd.s32 $0x400, s8;
	s0 =	sadd.s32 s6, s0;
	s6 =	sand.u32 $0x380, s10  }
0x199: {  	[tilespmem:s9], [sflag:$0x1] =	stream.linear.gather [spmem:s11], $0x80, $0x38;
	[tilespmem:$0x1F800] =	vst v63  }
0x19a: {  	s10 =	sor.u32 $0x800, s7;
	s0 =	sshll.u32 s0, $0x9;
	s9 =	sadd.s32 $0x800, s8  }
0x19b: {  	[tilespmem:s10], [sflag:$0x1] =	stream.linear.gather [spmem:s9], $0x80, $0x38;
	[tilespmem:$0x1F800] =	vst v63  }
0x19c: {  	s0 =	sand.u32 $0xFFFFF000, s0;
	s7 =	sor.u32 $0xC00, s7;
	s8 =	sadd.s32 $0xC00, s8  }
0x19d: {  	[tilespmem:s7], [sflag:$0x1] =	stream.linear.gather [spmem:s8], $0x80, $0x38;
	[tilespmem:$0x1F800] =	vst v63  }
.Ltmp6:
0x19e: {  	_ = 	snop;
	(pc) =	sbr.rel @p1 .LBB2_7-.Ltmp6, $4  }
0x19f: {  	s30 =	sadd.s32 $0x4, s30;
	s7 =	sand.u32 $0x380, s31;
	s8 =	sadd.s32 s0, s2  }
0x1a0: {  	s31 =	sadd.s32 $0x200, s31;
	s0 =	sor.u32 s7, s14;
	s6 =	sadd.s32 s6, s8  }
0x1a1: {  	[tilespmem:s0], [sflag:$0x1] =	stream.linear.gather [spmem:s6], $0x80, $0x38;
	[tilespmem:$0x1F800] =	vst v63  }
0x1a2: {  	s8 =	sadd.s32 $0x400, s6;
	s9 =	sor.u32 $0x400, s0;
	s7 =	sadd.s32 $0x800, s6  }
0x1a3: {  	[tilespmem:s9], [sflag:$0x1] =	stream.linear.gather [spmem:s8], $0x80, $0x38;
	[tilespmem:$0x1F800] =	vst v63  }
0x1a4: {  	s9 =	sor.u32 $0x800, s0  }
0x1a5: {  	[tilespmem:s9], [sflag:$0x1] =	stream.linear.gather [spmem:s7], $0x80, $0x38;
	[tilespmem:$0x1F800] =	vst v63  }
0x1a6: {  	s6 =	sadd.s32 $0xC00, s6;
	s10 =	sor.u32 $0xC00, s0;
	s26 =	sor.u32 $0x1, s26  }
0x1a7: {  	[tilespmem:s10], [sflag:$0x1] =	stream.linear.gather [spmem:s6], $0x80, $0x38;
	[tilespmem:$0x1F800] =	vst v63  }
0x1a8: {  	s11 =	sshll.u32 s26, $0x7;
	_ =	swait.ge [sflag:s16], $0xC000  }
0x1a9: {  	s0 =	sand.u32 $0x380, s11;
	[sflag:s16] =	ssyncset.done $0x0  }
0x1aa: {  	s12 =	sadd.s32 s0, s25;
	[sflag:s16] =	ssyncadd.s32 $0xFFFF4000  }
0x1ab: {  	v0 =	vld [tilespmem:s12+$0x0]  }
0x1ac: {  	v1 =	vld [tilespmem:s12+$0x10]  }
0x1ad: {  	v2 =	vld [tilespmem:s12+$0x20]  }
0x1ae: {  	v3 =	vld [tilespmem:s12+$0x30]  }
0x1af: {  	v4 =	vld [tilespmem:s12+$0x40]  }
0x1b0: {  	v5 =	vld [tilespmem:s12+$0x50]  }
0x1b1: {  	v6 =	vld [tilespmem:s12+$0x60]  }
0x1b2: {  	v7 =	vld [tilespmem:s12+$0x70]  }
0x1b3: {  	v8 =	vld [tilespmem:s12+$0x400]  }
0x1b4: {  	v9 =	vld [tilespmem:s12+$0x410]  }
0x1b5: {  	v10 =	vld [tilespmem:s12+$0x420]  }
0x1b6: {  	v11 =	vld [tilespmem:s12+$0x430]  }
0x1b7: {  	v12 =	vld [tilespmem:s12+$0x440]  }
0x1b8: {  	v13 =	vld [tilespmem:s12+$0x450]  }
0x1b9: {  	v14 =	vld [tilespmem:s12+$0x460]  }
0x1ba: {  	v15 =	vld [tilespmem:s12+$0x470]  }
0x1bb: {  	v16 =	vld [tilespmem:s12+$0x800]  }
0x1bc: {  	v17 =	vld [tilespmem:s12+$0x810]  }
0x1bd: {  	v18 =	vld [tilespmem:s12+$0x820]  }
0x1be: {  	v19 =	vld [tilespmem:s12+$0x830]  }
0x1bf: {  	v20 =	vld [tilespmem:s12+$0x840]  }
0x1c0: {  	v21 =	vld [tilespmem:s12+$0x850]  }
0x1c1: {  	s0 =	sor.u32 s23, s0;
	v22 =	vld [tilespmem:s12+$0x860]  }
0x1c2: {  	s13 =	sor.u32 $0xC00, s0;
	v23 =	vld [tilespmem:s12+$0x870]  }
0x1c3: {  	s14 =	sor.u32 $0xC10, s0;
	v24 =	vld [tilespmem:s13+$0x18000]  }
0x1c4: {  	s17 =	sor.u32 $0xC20, s0;
	v25 =	vld [tilespmem:s14+$0x18000]  }
0x1c5: {  	s18 =	sor.u32 $0xC30, s0;
	v26 =	vld [tilespmem:s17+$0x18000]  }
0x1c6: {  	s19 =	sor.u32 $0xC40, s0;
	v27 =	vld [tilespmem:s18+$0x18000]  }
0x1c7: {  	s23 =	simm.s32 $0x0;
	s20 =	sor.u32 $0xC50, s0;
	v30 =	vld [tilespmem:s19+$0x18000]  }
0x1c8: {  	s25 =	sor.u32 $0xC60, s0;
	s8 =	sand.u32 $0xF000, s23;
	v28 =	vld [tilespmem:s20+$0x18000]  }
0x1c9: {  	s0 =	sor.u32 $0xC70, s0;
	s9 =	sand.u32 $0x300, s23;
	s6 =	sadd.s32 $0xC000, s8;
	v29 =	vld [tilespmem:s25+$0x18000]  }
0x1ca: {  	s31 =	sor.u32 s9, s6;
	v31 =	vld [tilespmem:s0+$0x18000]  }
0x1cb: {  	s11 =	sor.u32 $0x10, s31;
	[tilespmem:s31+$0x0] =	vst.add.f32.msk $0xffff, v0  }
0x1cc: {  	s12 =	sor.u32 $0x20, s31;
	[tilespmem:s11+$0x0] =	vst.add.f32.msk $0xffff, v1  }
0x1cd: {  	s13 =	sor.u32 $0x30, s31;
	[tilespmem:s12+$0x0] =	vst.add.f32.msk $0xffff, v2  }
0x1ce: {  	s14 =	sor.u32 $0x40, s31;
	[tilespmem:s13+$0x0] =	vst.add.f32.msk $0xffff, v3  }
0x1cf: {  	s17 =	sor.u32 $0x50, s31;
	[tilespmem:s14+$0x0] =	vst.add.f32.msk $0xffff, v4  }
0x1d0: {  	s10 =	sor.u32 $0x60, s31;
	[tilespmem:s17+$0x0] =	vst.add.f32.msk $0xffff, v5  }
0x1d1: {  	s7 =	sor.u32 $0x70, s31;
	s0 =	sadd.s32 $0xC400, s8;
	[tilespmem:s10+$0x0] =	vst.add.f32.msk $0xffff, v6  }
0x1d2: {  	s18 =	sor.u32 s9, s0;
	[tilespmem:s7+$0x0] =	vst.add.f32.msk $0xffff, v7  }
0x1d3: {  	s19 =	sor.u32 $0x10, s18;
	[tilespmem:s18+$0x0] =	vst.add.f32.msk $0xffff, v8  }
0x1d4: {  	s20 =	sor.u32 $0x20, s18;
	[tilespmem:s19+$0x0] =	vst.add.f32.msk $0xffff, v9  }
0x1d5: {  	s25 =	sor.u32 $0x30, s18;
	[tilespmem:s20+$0x0] =	vst.add.f32.msk $0xffff, v10  }
0x1d6: {  	s31 =	sor.u32 $0x40, s18;
	[tilespmem:s25+$0x0] =	vst.add.f32.msk $0xffff, v11  }
0x1d7: {  	s11 =	sor.u32 $0x50, s18;
	[tilespmem:s31+$0x0] =	vst.add.f32.msk $0xffff, v12  }
0x1d8: {  	[tilespmem:s11+$0x0] =	vst.add.f32.msk $0xffff, v13;
	s11 =	sor.u32 $0x60, s18  }
0x1d9: {  	s10 =	sor.u32 $0x70, s18;
	s7 =	sadd.s32 $0xC800, s8;
	[tilespmem:s11+$0x0] =	vst.add.f32.msk $0xffff, v14  }
0x1da: {  	s12 =	sor.u32 s9, s7;
	[tilespmem:s10+$0x0] =	vst.add.f32.msk $0xffff, v15  }
0x1db: {  	s13 =	sor.u32 $0x10, s12;
	[tilespmem:s12+$0x0] =	vst.add.f32.msk $0xffff, v16  }
0x1dc: {  	s14 =	sor.u32 $0x20, s12;
	[tilespmem:s13+$0x0] =	vst.add.f32.msk $0xffff, v17  }
0x1dd: {  	s17 =	sor.u32 $0x30, s12;
	[tilespmem:s14+$0x0] =	vst.add.f32.msk $0xffff, v18  }
0x1de: {  	s18 =	sor.u32 $0x40, s12;
	[tilespmem:s17+$0x0] =	vst.add.f32.msk $0xffff, v19  }
0x1df: {  	s19 =	sor.u32 $0x50, s12;
	[tilespmem:s18+$0x0] =	vst.add.f32.msk $0xffff, v20  }
0x1e0: {  	s20 =	sor.u32 $0x60, s12;
	[tilespmem:s19+$0x0] =	vst.add.f32.msk $0xffff, v21  }
0x1e1: {  	s8 =	sadd.s32 $0xCC00, s8;
	s25 =	sor.u32 $0x70, s12;
	[tilespmem:s20+$0x0] =	vst.add.f32.msk $0xffff, v22  }
0x1e2: {  	s31 =	sor.u32 s9, s8;
	[tilespmem:s25+$0x0] =	vst.add.f32.msk $0xffff, v23  }
0x1e3: {  	s12 =	sor.u32 $0x10, s31;
	[tilespmem:s31+$0x0] =	vst.add.f32.msk $0xffff, v24  }
0x1e4: {  	s13 =	sor.u32 $0x20, s31;
	[tilespmem:s12+$0x0] =	vst.add.f32.msk $0xffff, v25  }
0x1e5: {  	s14 =	sor.u32 $0x30, s31;
	[tilespmem:s13+$0x0] =	vst.add.f32.msk $0xffff, v26  }
0x1e6: {  	s17 =	sor.u32 $0x40, s31;
	[tilespmem:s14+$0x0] =	vst.add.f32.msk $0xffff, v27  }
0x1e7: {  	s18 =	sor.u32 $0x50, s31;
	[tilespmem:s17+$0x0] =	vst.add.f32.msk $0xffff, v30  }
0x1e8: {  	s19 =	sor.u32 $0x60, s31;
	[tilespmem:s18+$0x0] =	vst.add.f32.msk $0xffff, v28  }
0x1e9: {  	s9 =	sor.u32 $0x80, s9;
	s20 =	sor.u32 $0x70, s31;
	[tilespmem:s19+$0x0] =	vst.add.f32.msk $0xffff, v29  }
0x1ea: {  	s6 =	sor.u32 s9, s6;
	[tilespmem:s20+$0x0] =	vst.add.f32.msk $0xffff, v31  }
0x1eb: {  	s25 =	sor.u32 $0x10, s6;
	[tilespmem:s6+$0x0] =	vst.add.f32.msk $0xffff, v0  }
0x1ec: {  	s31 =	sor.u32 $0x20, s6;
	[tilespmem:s25+$0x0] =	vst.add.f32.msk $0xffff, v1  }
0x1ed: {  	s11 =	sor.u32 $0x30, s6;
	[tilespmem:s31+$0x0] =	vst.add.f32.msk $0xffff, v2  }
0x1ee: {  	s12 =	sor.u32 $0x40, s6;
	[tilespmem:s11+$0x0] =	vst.add.f32.msk $0xffff, v3  }
0x1ef: {  	s13 =	sor.u32 $0x50, s6;
	[tilespmem:s12+$0x0] =	vst.add.f32.msk $0xffff, v4  }
0x1f0: {  	s14 =	sor.u32 $0x60, s6;
	[tilespmem:s13+$0x0] =	vst.add.f32.msk $0xffff, v5  }
0x1f1: {  	s6 =	sor.u32 $0x70, s6;
	[tilespmem:s14+$0x0] =	vst.add.f32.msk $0xffff, v6  }
0x1f2: {  	s0 =	sor.u32 s9, s0;
	[tilespmem:s6+$0x0] =	vst.add.f32.msk $0xffff, v7  }
0x1f3: {  	s17 =	sor.u32 $0x10, s0;
	[tilespmem:s0+$0x0] =	vst.add.f32.msk $0xffff, v8  }
0x1f4: {  	s18 =	sor.u32 $0x20, s0;
	[tilespmem:s17+$0x0] =	vst.add.f32.msk $0xffff, v9  }
0x1f5: {  	s19 =	sor.u32 $0x30, s0;
	[tilespmem:s18+$0x0] =	vst.add.f32.msk $0xffff, v10  }
0x1f6: {  	s20 =	sor.u32 $0x40, s0;
	[tilespmem:s19+$0x0] =	vst.add.f32.msk $0xffff, v11  }
0x1f7: {  	s25 =	sor.u32 $0x50, s0;
	[tilespmem:s20+$0x0] =	vst.add.f32.msk $0xffff, v12  }
0x1f8: {  	s31 =	sor.u32 $0x60, s0;
	[tilespmem:s25+$0x0] =	vst.add.f32.msk $0xffff, v13  }
0x1f9: {  	s0 =	sor.u32 $0x70, s0;
	[tilespmem:s31+$0x0] =	vst.add.f32.msk $0xffff, v14  }
0x1fa: {  	s7 =	sor.u32 s9, s7;
	[tilespmem:s0+$0x0] =	vst.add.f32.msk $0xffff, v15  }
0x1fb: {  	s10 =	sor.u32 $0x10, s7;
	[tilespmem:s7+$0x0] =	vst.add.f32.msk $0xffff, v16  }
0x1fc: {  	s11 =	sor.u32 $0x20, s7;
	[tilespmem:s10+$0x0] =	vst.add.f32.msk $0xffff, v17  }
0x1fd: {  	s12 =	sor.u32 $0x30, s7;
	[tilespmem:s11+$0x0] =	vst.add.f32.msk $0xffff, v18  }
0x1fe: {  	s13 =	sor.u32 $0x40, s7;
	[tilespmem:s12+$0x0] =	vst.add.f32.msk $0xffff, v19  }
0x1ff: {  	s14 =	sor.u32 $0x50, s7;
	[tilespmem:s13+$0x0] =	vst.add.f32.msk $0xffff, v20  }
0x200: {  	s17 =	sor.u32 $0x60, s7;
	[tilespmem:s14+$0x0] =	vst.add.f32.msk $0xffff, v21  }
0x201: {  	s18 =	sor.u32 $0x70, s7;
	[tilespmem:s17+$0x0] =	vst.add.f32.msk $0xffff, v22  }
0x202: {  	s29 =	sor.u32 s9, s8;
	[tilespmem:s18+$0x0] =	vst.add.f32.msk $0xffff, v23  }
0x203: {  	s19 =	sor.u32 $0x10, s29;
	[tilespmem:s29+$0x0] =	vst.add.f32.msk $0xffff, v24  }
0x204: {  	s20 =	sor.u32 $0x20, s29;
	[tilespmem:s19+$0x0] =	vst.add.f32.msk $0xffff, v25  }
0x205: {  	s25 =	sor.u32 $0x30, s29;
	[tilespmem:s20+$0x0] =	vst.add.f32.msk $0xffff, v26  }
0x206: {  	s28 =	simm.s32 $0x400;
	s31 =	sor.u32 $0x40, s29;
	[tilespmem:s25+$0x0] =	vst.add.f32.msk $0xffff, v27  }
0x207: {  	s30 =	sor.u32 $0x60, s29;
	s0 =	sor.u32 $0x50, s29;
	s25 =	simm.s32 $0x0;
	[tilespmem:s31+$0x0] =	vst.add.f32.msk $0xffff, v30  }
.LBB2_9:
0x208: {  	s6 =	sand.u32 $0xF000, s28;
	[tilespmem:s0+$0x0] =	vst.add.f32.msk $0xffff, v28;
	s0 =	sor.u32 $0x70, s29;
	s23 =	sadd.s32 $0x100, s23  }
0x209: {  	s8 =	sand.u32 $0x300, s23;
	s9 =	sadd.s32 $0xC000, s6;
	s10 =	sadd.s32 $0xC400, s6;
	[tilespmem:s30+$0x0] =	vst.add.f32.msk $0xffff, v29  }
0x20a: {  	s13 =	sadd.s32 $0xC800, s6;
	s11 =	sor.u32 s8, s9;
	s12 =	sor.u32 s8, s10;
	[tilespmem:s0+$0x0] =	vst.add.f32.msk $0xffff, v31  }
0x20b: {  	s17 =	sadd.s32 $0xCC00, s6;
	s7 =	sor.u32 s8, s13;
	[tilespmem:s11+$0x0] =	vst.add.f32.msk $0xffff, v0;
	s0 =	sor.u32 $0x10, s11  }
0x20c: {  	s6 =	sor.u32 s8, s17;
	s8 =	sor.u32 $0x80, s8;
	[tilespmem:s0+$0x0] =	vst.add.f32.msk $0xffff, v1;
	s0 =	sor.u32 $0x20, s11  }
0x20d: {  	s18 =	sor.u32 $0x30, s11;
	s14 =	sor.u32 s8, s9;
	[tilespmem:s0+$0x0] =	vst.add.f32.msk $0xffff, v2;
	s0 =	sor.u32 s8, s10  }
0x20e: {  	s9 =	sor.u32 $0x40, s11;
	s31 =	sor.u32 s8, s13;
	s29 =	sor.u32 s8, s17;
	[tilespmem:s18+$0x0] =	vst.add.f32.msk $0xffff, v3  }
0x20f: {  	s25 =	sadd.s32 $0x2, s25;
	s30 =	sor.u32 $0x60, s29;
	s8 =	sor.u32 $0x50, s11;
	[tilespmem:s9+$0x0] =	vst.add.f32.msk $0xffff, v4  }
0x210: {  	p1 =	slt.u32 s25, $0x5E;
	[tilespmem:s8+$0x0] =	vst.add.f32.msk $0xffff, v5;
	s8 =	sor.u32 $0x60, s11  }
0x211: {  	[tilespmem:s8+$0x0] =	vst.add.f32.msk $0xffff, v6;
	s8 =	sor.u32 $0x70, s11  }
0x212: {  	[tilespmem:s8+$0x0] =	vst.add.f32.msk $0xffff, v7  }
0x213: {  	s8 =	sor.u32 $0x10, s12;
	[tilespmem:s12+$0x0] =	vst.add.f32.msk $0xffff, v8  }
0x214: {  	[tilespmem:s8+$0x0] =	vst.add.f32.msk $0xffff, v9;
	s8 =	sor.u32 $0x20, s12  }
0x215: {  	[tilespmem:s8+$0x0] =	vst.add.f32.msk $0xffff, v10;
	s8 =	sor.u32 $0x30, s12  }
0x216: {  	[tilespmem:s8+$0x0] =	vst.add.f32.msk $0xffff, v11;
	s8 =	sor.u32 $0x40, s12  }
0x217: {  	[tilespmem:s8+$0x0] =	vst.add.f32.msk $0xffff, v12;
	s8 =	sor.u32 $0x50, s12  }
0x218: {  	[tilespmem:s8+$0x0] =	vst.add.f32.msk $0xffff, v13;
	s8 =	sor.u32 $0x60, s12  }
0x219: {  	[tilespmem:s8+$0x0] =	vst.add.f32.msk $0xffff, v14;
	s8 =	sor.u32 $0x70, s12  }
0x21a: {  	[tilespmem:s8+$0x0] =	vst.add.f32.msk $0xffff, v15  }
0x21b: {  	s8 =	sor.u32 $0x10, s7;
	[tilespmem:s7+$0x0] =	vst.add.f32.msk $0xffff, v16  }
0x21c: {  	[tilespmem:s8+$0x0] =	vst.add.f32.msk $0xffff, v17;
	s8 =	sor.u32 $0x20, s7  }
0x21d: {  	[tilespmem:s8+$0x0] =	vst.add.f32.msk $0xffff, v18;
	s8 =	sor.u32 $0x30, s7  }
0x21e: {  	[tilespmem:s8+$0x0] =	vst.add.f32.msk $0xffff, v19;
	s8 =	sor.u32 $0x40, s7  }
0x21f: {  	[tilespmem:s8+$0x0] =	vst.add.f32.msk $0xffff, v20;
	s8 =	sor.u32 $0x50, s7  }
0x220: {  	[tilespmem:s8+$0x0] =	vst.add.f32.msk $0xffff, v21;
	s8 =	sor.u32 $0x60, s7  }
0x221: {  	s7 =	sor.u32 $0x70, s7;
	[tilespmem:s8+$0x0] =	vst.add.f32.msk $0xffff, v22  }
0x222: {  	[tilespmem:s7+$0x0] =	vst.add.f32.msk $0xffff, v23  }
0x223: {  	s7 =	sor.u32 $0x10, s6;
	[tilespmem:s6+$0x0] =	vst.add.f32.msk $0xffff, v24  }
0x224: {  	[tilespmem:s7+$0x0] =	vst.add.f32.msk $0xffff, v25;
	s7 =	sor.u32 $0x20, s6  }
0x225: {  	[tilespmem:s7+$0x0] =	vst.add.f32.msk $0xffff, v26;
	s7 =	sor.u32 $0x30, s6  }
0x226: {  	[tilespmem:s7+$0x0] =	vst.add.f32.msk $0xffff, v27;
	s7 =	sor.u32 $0x40, s6  }
0x227: {  	[tilespmem:s7+$0x0] =	vst.add.f32.msk $0xffff, v30;
	s7 =	sor.u32 $0x50, s6  }
0x228: {  	[tilespmem:s7+$0x0] =	vst.add.f32.msk $0xffff, v28;
	s7 =	sor.u32 $0x60, s6  }
0x229: {  	s6 =	sor.u32 $0x70, s6;
	[tilespmem:s7+$0x0] =	vst.add.f32.msk $0xffff, v29  }
0x22a: {  	[tilespmem:s6+$0x0] =	vst.add.f32.msk $0xffff, v31  }
0x22b: {  	s6 =	sor.u32 $0x10, s14;
	[tilespmem:s14+$0x0] =	vst.add.f32.msk $0xffff, v0  }
0x22c: {  	[tilespmem:s6+$0x0] =	vst.add.f32.msk $0xffff, v1;
	s6 =	sor.u32 $0x20, s14  }
0x22d: {  	[tilespmem:s6+$0x0] =	vst.add.f32.msk $0xffff, v2;
	s6 =	sor.u32 $0x30, s14  }
0x22e: {  	[tilespmem:s6+$0x0] =	vst.add.f32.msk $0xffff, v3;
	s6 =	sor.u32 $0x40, s14  }
0x22f: {  	[tilespmem:s6+$0x0] =	vst.add.f32.msk $0xffff, v4;
	s6 =	sor.u32 $0x50, s14  }
0x230: {  	[tilespmem:s6+$0x0] =	vst.add.f32.msk $0xffff, v5;
	s6 =	sor.u32 $0x60, s14  }
0x231: {  	[tilespmem:s6+$0x0] =	vst.add.f32.msk $0xffff, v6;
	s6 =	sor.u32 $0x70, s14  }
0x232: {  	[tilespmem:s6+$0x0] =	vst.add.f32.msk $0xffff, v7  }
0x233: {  	s6 =	sor.u32 $0x10, s0;
	[tilespmem:s0+$0x0] =	vst.add.f32.msk $0xffff, v8  }
0x234: {  	[tilespmem:s6+$0x0] =	vst.add.f32.msk $0xffff, v9;
	s6 =	sor.u32 $0x20, s0  }
0x235: {  	[tilespmem:s6+$0x0] =	vst.add.f32.msk $0xffff, v10;
	s6 =	sor.u32 $0x30, s0  }
0x236: {  	[tilespmem:s6+$0x0] =	vst.add.f32.msk $0xffff, v11;
	s6 =	sor.u32 $0x40, s0  }
0x237: {  	[tilespmem:s6+$0x0] =	vst.add.f32.msk $0xffff, v12;
	s6 =	sor.u32 $0x50, s0  }
0x238: {  	[tilespmem:s6+$0x0] =	vst.add.f32.msk $0xffff, v13;
	s6 =	sor.u32 $0x60, s0  }
0x239: {  	s0 =	sor.u32 $0x70, s0;
	[tilespmem:s6+$0x0] =	vst.add.f32.msk $0xffff, v14  }
0x23a: {  	[tilespmem:s0+$0x0] =	vst.add.f32.msk $0xffff, v15  }
0x23b: {  	s0 =	sor.u32 $0x10, s31;
	[tilespmem:s31+$0x0] =	vst.add.f32.msk $0xffff, v16  }
0x23c: {  	[tilespmem:s0+$0x0] =	vst.add.f32.msk $0xffff, v17;
	s0 =	sor.u32 $0x20, s31  }
0x23d: {  	[tilespmem:s0+$0x0] =	vst.add.f32.msk $0xffff, v18;
	s0 =	sor.u32 $0x30, s31  }
0x23e: {  	[tilespmem:s0+$0x0] =	vst.add.f32.msk $0xffff, v19;
	s0 =	sor.u32 $0x40, s31  }
0x23f: {  	[tilespmem:s0+$0x0] =	vst.add.f32.msk $0xffff, v20;
	s0 =	sor.u32 $0x50, s31  }
0x240: {  	[tilespmem:s0+$0x0] =	vst.add.f32.msk $0xffff, v21;
	s0 =	sor.u32 $0x60, s31  }
0x241: {  	[tilespmem:s0+$0x0] =	vst.add.f32.msk $0xffff, v22;
	s0 =	sor.u32 $0x70, s31  }
0x242: {  	[tilespmem:s0+$0x0] =	vst.add.f32.msk $0xffff, v23  }
.Ltmp7:
0x243: {  	s0 =	sor.u32 $0x10, s29;
	[tilespmem:s29+$0x0] =	vst.add.f32.msk $0xffff, v24;
	(pc) =	sbr.rel @p1 .LBB2_9-.Ltmp7, $4  }
0x244: {  	[tilespmem:s0+$0x0] =	vst.add.f32.msk $0xffff, v25;
	s0 =	sor.u32 $0x20, s29  }
0x245: {  	[tilespmem:s0+$0x0] =	vst.add.f32.msk $0xffff, v26;
	s0 =	sor.u32 $0x30, s29  }
0x246: {  	[tilespmem:s0+$0x0] =	vst.add.f32.msk $0xffff, v27;
	s0 =	sor.u32 $0x40, s29  }
0x247: {  	s28 =	sadd.s32 $0x400, s28;
	[tilespmem:s0+$0x0] =	vst.add.f32.msk $0xffff, v30;
	s0 =	sor.u32 $0x50, s29  }
0x248: {  	s6 =	sshll.u32 s26, $0x5;
	p1 =	sgt.u32 s26, $0x1E  }
.Ltmp8:
0x249: {  	s6 =	sor.u32 s5, s6;
	(pc) =	sbr.rel @p1 .LBB2_14-.Ltmp8, $4  }
0x24a: {  	[tilespmem:s0+$0x0] =	vst.add.f32.msk $0xffff, v28;
	s28 =	smul.u32 $0x1800, s6  }
0x24b: {  	s29 =	sor.u32 $0x70, s29;
	[tilespmem:s30+$0x0] =	vst.add.f32.msk $0xffff, v29  }
0x24c: {  	s31 =	simm.s32 $0xC000;
	[tilespmem:s29+$0x0] =	vst.add.f32.msk $0xffff, v31;
	s0 =	sadd.s32 s1, s28  }
0x24d: {  	[hbm4b:s0+s4] =	stream.linear.scatter [tilespmem:s31], [sflag:$0x2], $0xC000, $0x38;
	[tilespmem:$0x1F800] =	vst v63  }
0x24e: {  	s0 =	rddreg [dreg:$0x9];
	s6 =	simm.s32 $0x2;
	s8 =	simm.s32 $0x0  }
0x24f: {  	s10 =	simm.s32 $0x80;
	s25 =	simm.s32 $0x0;
	s0 =	sadd.s32 s0, s24  }
0x250: {  	s18 =	simm.s32 $0x0;
	s24 =	simm.s32 $0xFFFFFFFC;
	s0 =	smul.u32 $0x180, s0  }
0x251: {  	s28 =	simm.s32 $0x100;
	_ =	swait.ge [sflag:s6], $0xC000;
	s7 =	smul.u32 $0xFFFFFFAB, s24  }
0x252: {  	s10 =	sand.u32 $0x280, s10;
	s29 =	sand.u32 $0x300, s28;
	[sflag:s6] =	ssyncset.done $0x0  }
0x253: {  	[sflag:s6] =	ssyncadd.s32 $0xFFFF4000;
	s0 =	sshra.s32 s0, $0x2;
	s12 =	sadd.s32 $0xFFFFFEAC, s7  }
0x254: {  	s13 =	sadd.s32 $0x57, s7;
	s14 =	sadd.s32 $0x2, s7;
	s0 =	sadd.s32 s0, s3  }
0x255: {  	[smem:s8], [sflag:$0x3] =	stream.linear.gather [spmem:s0], $0x60, $0x38;
	[tilespmem:$0x1F800] =	vst v63  }
0x256: {  	s7 =	sadd.s32 $0xFFFFFFAD, s7;
	s12 =	sand.u32 $0xFF, s12;
	_ =	swait.ge [sflag:s15], $0x60  }
0x257: {  	s13 =	sand.u32 $0xFF, s13;
	s14 =	sand.u32 $0xFF, s14;
	[sflag:s15] =	ssyncset.done $0x0  }
0x258: {  	s7 =	sand.u32 $0xFF, s7;
	s0 =	sand.u32 $0xF000, s8;
	[sflag:s15] =	ssyncadd.s32 $0xFFFFFFA0  }
0x259: {  	p1 =	slt.u32 s12, $0x56;
	p2 =	slt.u32 s13, $0x56;
	s6 =	sld [smem:$0x3]  }
0x25a: {  	s12 =	simm.s32 $0x0;
	s8 =	sand.u32 $0x200, s25;
	s9 =	sld [smem:$0x1]  }
0x25b: {  	s12 =	simm.s32 @!p1 $0x80;
	s18 =	simm.s32 @!p2 $0x80;
	s11 =	sld [smem:$0x2]  }
0x25c: {  	s8 =	sor.u32 s8, s0;
	p1 =	slt.u32 s14, $0x56;
	s17 =	sld [smem:$0x0]  }
0x25d: {  	s25 =	sor.u32 s29, s0;
	s20 =	sor.u32 $0x400, s8;
	s31 =	sor.u32 $0x800, s8  }
0x25e: {  	s28 =	sor.u32 $0x400, s25;
	s18 =	sadd.s32 s18, s9;
	s9 =	sshll.u32 s9, $0x7  }
0x25f: {  	s26 =	sshll.u32 s11, $0x7;
	s18 =	sshll.u32 s18, $0x9;
	s12 =	sadd.s32 s12, s17  }
0x260: {  	s9 =	sand.u32 $0x380, s9;
	s18 =	sand.u32 $0xFFFFF000, s18;
	s12 =	sshll.u32 s12, $0x9  }
0x261: {  	s17 =	sshll.u32 s17, $0x7;
	s18 =	sadd.s32 s18, s2;
	s12 =	sand.u32 $0xFFFFF000, s12  }
0x262: {  	s17 =	sand.u32 $0x380, s17;
	s9 =	sadd.s32 s9, s18;
	s12 =	sadd.s32 s12, s2  }
0x263: {  	s13 =	sand.u32 $0x380, s26;
	s23 =	sadd.s32 $0x800, s9;
	s12 =	sadd.s32 s17, s12  }
0x264: {  	[tilespmem:s8], [sflag:$0x1] =	stream.linear.gather [spmem:s12], $0x80, $0x38;
	[tilespmem:$0x1F800] =	vst v63  }
0x265: {  	s17 =	simm.s32 $0x0;
	s19 =	sadd.s32 $0x400, s12;
	s30 =	sadd.s32 $0x800, s12  }
0x266: {  	s17 =	simm.s32 @!p1 $0x80;
	s8 =	sor.u32 $0xC00, s8;
	s12 =	sadd.s32 $0xC00, s12  }
0x267: {  	p1 =	slt.u32 s7, $0x56;
	s7 =	simm.s32 $0x0;
	s11 =	sadd.s32 s17, s11  }
0x268: {  	[tilespmem:s20], [sflag:$0x1] =	stream.linear.gather [spmem:s19], $0x80, $0x38;
	[tilespmem:$0x1F800] =	vst v63  }
0x269: {  	s17 =	sor.u32 s10, s0;
	s7 =	simm.s32 @!p1 $0x80;
	s18 =	sshll.u32 s11, $0x9  }
0x26a: {  	[tilespmem:s31], [sflag:$0x1] =	stream.linear.gather [spmem:s30], $0x80, $0x38;
	[tilespmem:$0x1F800] =	vst v63  }
0x26b: {  	s19 =	sadd.s32 $0x400, s9;
	s20 =	sor.u32 $0x400, s17;
	s24 =	sor.u32 $0x800, s17  }
0x26c: {  	[tilespmem:s8], [sflag:$0x1] =	stream.linear.gather [spmem:s12], $0x80, $0x38;
	[tilespmem:$0x1F800] =	vst v63  }
0x26d: {  	s7 =	sadd.s32 s7, s6;
	s6 =	sshll.u32 s6, $0x7;
	s10 =	sand.u32 $0xFFFFF000, s18  }
0x26e: {  	[tilespmem:s17], [sflag:$0x1] =	stream.linear.gather [spmem:s9], $0x80, $0x38;
	[tilespmem:$0x1F800] =	vst v63  }
0x26f: {  	s7 =	sshll.u32 s7, $0x9;
	s6 =	sand.u32 $0x380, s6;
	s10 =	sadd.s32 s10, s2  }
0x270: {  	[tilespmem:s20], [sflag:$0x1] =	stream.linear.gather [spmem:s19], $0x80, $0x38;
	[tilespmem:$0x1F800] =	vst v63  }
0x271: {  	s30 =	sor.u32 $0x800, s25;
	s7 =	sand.u32 $0xFFFFF000, s7;
	s26 =	sadd.s32 s13, s10  }
0x272: {  	[tilespmem:s24], [sflag:$0x1] =	stream.linear.gather [spmem:s23], $0x80, $0x38;
	[tilespmem:$0x1F800] =	vst v63  }
0x273: {  	s7 =	sadd.s32 s7, s2;
	s8 =	sor.u32 $0xC00, s17;
	s9 =	sadd.s32 $0xC00, s9  }
0x274: {  	[tilespmem:s8], [sflag:$0x1] =	stream.linear.gather [spmem:s9], $0x80, $0x38;
	[tilespmem:$0x1F800] =	vst v63  }
0x275: {  	s31 =	simm.s32 $0x180;
	s10 =	sadd.s32 $0x400, s26;
	s6 =	sadd.s32 s6, s7  }
0x276: {  	[tilespmem:s25], [sflag:$0x1] =	stream.linear.gather [spmem:s26], $0x80, $0x38;
	[tilespmem:$0x1F800] =	vst v63  }
0x277: {  	s29 =	sadd.s32 $0x800, s26;
	s7 =	sadd.s32 $0x800, s6;
	s23 =	simm.s32 $0x0  }
0x278: {  	[tilespmem:s28], [sflag:$0x1] =	stream.linear.gather [spmem:s10], $0x80, $0x38;
	[tilespmem:$0x1F800] =	vst v63  }
0x279: {  	s24 =	simm.s32 $0x6;
	s9 =	sadd.s32 $0xC00, s26;
	s10 =	sand.u32 $0x380, s31  }
0x27a: {  	[tilespmem:s30], [sflag:$0x1] =	stream.linear.gather [spmem:s29], $0x80, $0x38;
	[tilespmem:$0x1F800] =	vst v63  }
0x27b: {  	s8 =	sor.u32 $0xC00, s25;
	s25 =	simm.s32 $0x800;
	s0 =	sor.u32 s10, s0  }
0x27c: {  	[tilespmem:s8], [sflag:$0x1] =	stream.linear.gather [spmem:s9], $0x80, $0x38;
	[tilespmem:$0x1F800] =	vst v63  }
0x27d: {  	s26 =	simm.s32 $0x380;
	s8 =	sadd.s32 $0x400, s6;
	s9 =	sor.u32 $0x400, s0  }
0x27e: {  	[tilespmem:s0], [sflag:$0x1] =	stream.linear.gather [spmem:s6], $0x80, $0x38;
	[tilespmem:$0x1F800] =	vst v63  }
.LBB2_12:
0x27f: {  	s10 =	sor.u32 $0x800, s0  }
0x280: {  	s6 =	sadd.s32 $0xC00, s6;
	s11 =	smov.u32 s23;
	s23 =	sadd.s32 $0x4, s23  }
0x281: {  	[tilespmem:s9], [sflag:$0x1] =	stream.linear.gather [spmem:s8], $0x80, $0x38;
	[tilespmem:$0x1F800] =	vst v63  }
0x282: {  	s0 =	sor.u32 $0xC00, s0;
	p1 =	slt.u32 s23, $0x5C  }
0x283: {  	[tilespmem:s10], [sflag:$0x1] =	stream.linear.gather [spmem:s7], $0x80, $0x38;
	[tilespmem:$0x1F800] =	vst v63  }
0x284: {  	s17 =	simm.s32 $0x0;
	s29 =	simm.s32 $0x0;
	s28 =	sld [smem:s24+$0x1]  }
0x285: {  	[tilespmem:s0], [sflag:$0x1] =	stream.linear.gather [spmem:s6], $0x80, $0x38;
	[tilespmem:$0x1F800] =	vst v63  }
0x286: {  	s7 =	sadd.s32 $0xFFFFFF00, s26;
	s6 =	smul.u32 $0xFFFFFFAB, s11;
	s10 =	sld [smem:s24+$0xFFFFFFFF]  }
0x287: {  	s8 =	sand.u32 $0x280, s7;
	s11 =	sadd.s32 $0xFFFFFE80, s26;
	s9 =	sld [smem:s24+$0x0]  }
0x288: {  	s0 =	sand.u32 $0xF000, s25;
	s11 =	sand.u32 $0x200, s11;
	s7 =	sadd.s32 $0xFFFFFEAC, s6  }
0x289: {  	s12 =	sadd.s32 $0x57, s6;
	s13 =	sadd.s32 $0x2, s6;
	s7 =	sand.u32 $0xFF, s7  }
0x28a: {  	s12 =	sand.u32 $0xFF, s12;
	p2 =	slt.u32 s7, $0x56;
	s14 =	sld [smem:s24+$0xFFFFFFFE]  }
0x28b: {  	p3 =	slt.u32 s12, $0x56;
	s12 =	simm.s32 $0x0;
	s7 =	sshll.u32 s9, $0x7  }
0x28c: {  	s12 =	simm.s32 @!p2 $0x80;
	s17 =	simm.s32 @!p3 $0x80;
	s7 =	sand.u32 $0x380, s7  }
0x28d: {  	s17 =	sadd.s32 s17, s10;
	s10 =	sshll.u32 s10, $0x7;
	s12 =	sadd.s32 s12, s14  }
0x28e: {  	s17 =	sshll.u32 s17, $0x9;
	s14 =	sshll.u32 s14, $0x7;
	s12 =	sshll.u32 s12, $0x9  }
0x28f: {  	s17 =	sand.u32 $0xFFFFF000, s17;
	s14 =	sand.u32 $0x380, s14;
	s12 =	sand.u32 $0xFFFFF000, s12  }
0x290: {  	s10 =	sand.u32 $0x380, s10;
	s17 =	sadd.s32 s17, s2;
	s12 =	sadd.s32 s12, s2  }
0x291: {  	s8 =	sor.u32 s8, s0;
	s12 =	sadd.s32 s14, s12;
	s14 =	sadd.s32 $0xFFFFFF80, s26  }
0x292: {  	s11 =	sor.u32 s11, s0;
	s13 =	sand.u32 $0xFF, s13;
	s18 =	sadd.s32 $0x400, s12  }
0x293: {  	[tilespmem:s11], [sflag:$0x1] =	stream.linear.gather [spmem:s12], $0x80, $0x38;
	[tilespmem:$0x1F800] =	vst v63  }
0x294: {  	s19 =	sor.u32 $0x400, s11;
	p2 =	slt.u32 s13, $0x56;
	s13 =	sand.u32 $0x300, s14  }
0x295: {  	s20 =	sor.u32 $0xC00, s11;
	s29 =	simm.s32 @!p2 $0x80;
	s14 =	sadd.s32 $0x800, s12  }
0x296: {  	[tilespmem:s19], [sflag:$0x1] =	stream.linear.gather [spmem:s18], $0x80, $0x38;
	[tilespmem:$0x1F800] =	vst v63  }
0x297: {  	s9 =	sadd.s32 s29, s9;
	s11 =	sor.u32 $0x800, s11;
	s12 =	sadd.s32 $0xC00, s12  }
0x298: {  	[tilespmem:s11], [sflag:$0x1] =	stream.linear.gather [spmem:s14], $0x80, $0x38;
	[tilespmem:$0x1F800] =	vst v63  }
0x299: {  	s6 =	sadd.s32 $0xFFFFFFAD, s6;
	s9 =	sshll.u32 s9, $0x9;
	s10 =	sadd.s32 s10, s17  }
0x29a: {  	[tilespmem:s20], [sflag:$0x1] =	stream.linear.gather [spmem:s12], $0x80, $0x38;
	[tilespmem:$0x1F800] =	vst v63  }
0x29b: {  	s9 =	sand.u32 $0xFFFFF000, s9;
	s11 =	sadd.s32 $0x400, s10;
	s12 =	sor.u32 $0x400, s8  }
0x29c: {  	[tilespmem:s8], [sflag:$0x1] =	stream.linear.gather [spmem:s10], $0x80, $0x38;
	[tilespmem:$0x1F800] =	vst v63  }
0x29d: {  	s17 =	sor.u32 $0x800, s8;
	s9 =	sadd.s32 s9, s2;
	s14 =	sadd.s32 $0x800, s10  }
0x29e: {  	[tilespmem:s12], [sflag:$0x1] =	stream.linear.gather [spmem:s11], $0x80, $0x38;
	[tilespmem:$0x1F800] =	vst v63  }
0x29f: {  	s6 =	sand.u32 $0xFF, s6;
	s10 =	sadd.s32 $0xC00, s10;
	s8 =	sor.u32 $0xC00, s8  }
0x2a0: {  	[tilespmem:s17], [sflag:$0x1] =	stream.linear.gather [spmem:s14], $0x80, $0x38;
	[tilespmem:$0x1F800] =	vst v63  }
0x2a1: {  	p2 =	slt.u32 s6, $0x56;
	s7 =	sadd.s32 s7, s9;
	s11 =	sor.u32 s13, s0  }
0x2a2: {  	[tilespmem:s8], [sflag:$0x1] =	stream.linear.gather [spmem:s10], $0x80, $0x38;
	[tilespmem:$0x1F800] =	vst v63  }
0x2a3: {  	s12 =	simm.s32 $0x0;
	s9 =	sor.u32 $0x400, s11;
	s8 =	sadd.s32 $0x400, s7  }
0x2a4: {  	[tilespmem:s11], [sflag:$0x1] =	stream.linear.gather [spmem:s7], $0x80, $0x38;
	[tilespmem:$0x1F800] =	vst v63  }
0x2a5: {  	s6 =	sadd.s32 $0x800, s7;
	s12 =	simm.s32 @!p2 $0x80;
	s10 =	sor.u32 $0x800, s11  }
0x2a6: {  	[tilespmem:s9], [sflag:$0x1] =	stream.linear.gather [spmem:s8], $0x80, $0x38;
	[tilespmem:$0x1F800] =	vst v63  }
0x2a7: {  	s7 =	sadd.s32 $0xC00, s7;
	s8 =	sor.u32 $0xC00, s11;
	s9 =	sadd.s32 s12, s28  }
0x2a8: {  	[tilespmem:s10], [sflag:$0x1] =	stream.linear.gather [spmem:s6], $0x80, $0x38;
	[tilespmem:$0x1F800] =	vst v63  }
0x2a9: {  	s25 =	sadd.s32 $0x800, s25;
	s6 =	sshll.u32 s9, $0x9;
	s9 =	sshll.u32 s28, $0x7  }
0x2aa: {  	s24 =	sadd.s32 $0x4, s24;
	s10 =	sand.u32 $0x380, s26;
	s6 =	sand.u32 $0xFFFFF000, s6  }
.Ltmp9:
0x2ab: {  	s9 =	sand.u32 $0x380, s9;
	s6 =	sadd.s32 s6, s2;
	(pc) =	sbr.rel @p1 .LBB2_12-.Ltmp9, $4  }
0x2ac: {  	s26 =	sadd.s32 $0x200, s26;
	s0 =	sor.u32 s10, s0;
	s6 =	sadd.s32 s9, s6  }
0x2ad: {  	[tilespmem:s8], [sflag:$0x1] =	stream.linear.gather [spmem:s7], $0x80, $0x38;
	[tilespmem:$0x1F800] =	vst v63  }
0x2ae: {  	s9 =	sor.u32 $0x400, s0;
	s8 =	sadd.s32 $0x400, s6;
	s7 =	sadd.s32 $0x800, s6  }
0x2af: {  	[tilespmem:s0], [sflag:$0x1] =	stream.linear.gather [spmem:s6], $0x80, $0x38;
	[tilespmem:$0x1F800] =	vst v63  }
0x2b0: {  	[tilespmem:s9], [sflag:$0x1] =	stream.linear.gather [spmem:s8], $0x80, $0x38;
	[tilespmem:$0x1F800] =	vst v63  }
.Ltmp10:
0x2b1: {  	_ = 	snop;
	(pc) =	sbr.rel .LBB2_14-.Ltmp10, $4  }
0x2b2: {  	s30 =	sor.u32 $0x800, s0  }
0x2b3: {  	[tilespmem:s30], [sflag:$0x1] =	stream.linear.gather [spmem:s7], $0x80, $0x38;
	[tilespmem:$0x1F800] =	vst v63  }
0x2b4: {  	s6 =	sadd.s32 $0xC00, s6;
	s31 =	sor.u32 $0xC00, s0  }
0x2b5: {  	[tilespmem:s31], [sflag:$0x1] =	stream.linear.gather [spmem:s6], $0x80, $0x38;
	[tilespmem:$0x1F800] =	vst v63  }
.LBB2_16:
0x2b6: {  	_ =	sfence.sel $0x180000  }
0x2b7: {  	[bflag:$0x0] =	sbarrier.arrive $0xFFFF  }
0x2b8: {  	_ =	strace $0x90000047  }
0x2b9: {  	[bflag:$0x2] =	sbarrier.arrive $0xFFFF  }
0x2ba: {  	s0 =	rddreg [dreg:$0x4]  }
0x2bb: {  	s0 =	sadd.s32 @!p0 $0x100000, s0  }
0x2bc: {  	[sflag:s0] =	ssyncadd.tile.s32 @!p0 $0x1;
	_ =	shalt  }
.Lfunc_end2:
_tile_overlayer_lowered:
.L_overlay_start_2:
0x2bd: {  	(tag) =	ssettag $0x2  }
0x2be: {  	s0 =	rddreg [dreg:$0x0];
	s2 =	stileid.u32  }
0x2bf: {  	s1 =	rddreg [dreg:$0x1];
	p0 =	sne.s32 s2, $0x0  }
0x2c0: {  	s3 =	rddreg [dreg:$0x2];
	[bflag:$0x3] =	sbarrier.arrive $0xFFFF;
	s2 =	simm.s32 @!p0 $0x1C03  }
0x2c1: {  	[timem:s3], [sflag:s2] =	dma.local @!p0 [hbm:s0], s1  }
0x2c2: {  	s0 =	simm.s32 @!p0 $0x3  }
0x2c3: {  	_ =	swait.ge @!p0 [sflag:s0], s1  }
0x2c4: {  	s1 =	ssub.s32 @!p0 $0x0, s1;
	[sflag:s0] =	ssyncset.done @!p0 $0x0  }
0x2c5: {  	[sflag:s0] =	ssyncadd.s32 @!p0 s1  }
0x2c6: {  	[bflag:$0x3] =	sbarrier.arrive $0xFFFF  }
0x2c7: {  	_ =	shalt  }

// kernel: sparse-core-data-format-call.cloned.1.call-start
scs
called_computation_lowered:
.L_overlay_start_0:
0x0: {  	s2 =	sld [smem:$0x3FD9]  }
0x1: {  	s3 =	sld [smem:$0x3FFE];
	_ =	sdelay $0x1  }
0x2: {  	s1 =	srdreg.scid  }
0x3: {  	s0 =	sand.u32 $0x1, s1  }
0x4: {  	s18 =	sshll.u32 s0, $0xA;
	s2 =	sadd.s32 s3, s2  }
0x5: {  	s2 =	sadd.s32 s2, s18  }
0x6: {  	[smem:$0x3FC5] =	sst s2  }
0x7: {  	_ = 	snop  }
0x8: {  	s2 =	sld [smem:$0x3FD0];
	(tm) =	ssettm $0x1  }
0x9: {  	s19 =	sld [smem:$0x3FFB];
	_ =	sdelay $0x3  }
0xa: {  	_ =	strace s19  }
0xb: {  	s3 =	sld [smem:$0x3FFC];
	_ =	sdelay $0x3  }
0xc: {  	_ =	strace s3  }
0xd: {  	s3 =	sld [smem:$0x3FFD];
	_ =	sdelay $0x3  }
0xe: {  	_ =	strace s3  }
0xf: {  	_ =	strace $0x8FFFFFFF  }
0x10: {  	s20 =	sld [smem:$0x3FDB];
	_ =	sdelay $0x1  }
0x11: {  	s4 =	simm.s32 $_scs_section_size  }
0x12: {  	s5 =	simm.s32 $_size__tile_overlayer_lowered;
	s6 =	simm.s32 $_tile_overlayer_lowered  }
0x13: {  	s23 =	simm.s32 $0x1BFF;
	s22 =	sshll.u32 s6, $0x1;
	s3 =	sadd.s32 s4, s20  }
0x14: {  	s7 =	simm.s32 $0x0;
	s21 =	sshll.u32 s5, $0x1;
	s5 =	sadd.s32 s22, s3  }
0x15: {  	[timem:s7], [sflag:s23] =	dma.local [hbm:s5], s21  }
0x16: {  	_ =	swait.ge [sflag:s23], s21  }
0x17: {  	s4 =	ssub.s32 $0x0, s21;
	[sflag:s23] =	ssyncset.done $0x0  }
0x18: {  	[sflag:s23] =	ssyncadd.s32 s4;
	_ =	sdelay $0x1  }
0x19: {  	s24 =	simm.s32 $0x1B8B  }
0x1a: {  	_ =	swait.ge [sflag:s24], $0x1  }
0x1b: {  	[sflag:s24] =	ssyncset.done $0x0  }
0x1c: {  	s26 =	simm.s32 $0x1B8E;
	s25 =	sld [smem:$0x3FFE];
	[sflag:s24] =	ssyncadd.s32 $0xFFFFFFFF  }
0x1d: {  	s27 =	simm.s32 $execute0_lowered;
	[smem:$0x3FD2] =	sst s26  }
0x1e: {  	s5 =	sshll.u32 s27, $0x1;
	_ =	strace $0x80000049;
	[dreg:$0x1] =	wrdreg $0xFFFFFFFF  }
0x1f: {  	s28 =	simm.s32 $_size_execute0_lowered;
	s3 =	sadd.s32 s3, s5;
	[dreg:$0x0] =	wrdreg $0x0  }
0x20: {  	s5 =	sshll.u32 s28, $0x1;
	[dreg:$0x2] =	wrdreg s3  }
0x21: {  	[dreg:$0x3] =	wrdreg s5  }
0x22: {  	[dreg:$0x4] =	wrdreg $0xC0  }
0x23: {  	_ =	task [dreg:s7], $0x5FFFF  }
0x24: {  	[dreg:$0x1] =	wrdreg $0xFFFFFFFF  }
0x25: {  	[dreg:$0x0] =	wrdreg $0x60  }
0x26: {  	[dreg:$0x2] =	wrdreg s25  }
0x27: {  	[dreg:$0x3] =	wrdreg s2  }
0x28: {  	[dreg:$0x4] =	wrdreg $0x9  }
0x29: {  	_ =	task.clear_ibuf [dreg:s7], $0x5FFFF;
	_ =	strace $0x90000049  }
0x2a: {  	s29 =	simm.s32 $0x9;
	_ =	strace $0x8000004B  }
0x2b: {  	_ =	swait.ge [sflag:s29], $0x1  }
0x2c: {  	[sflag:s29] =	ssyncadd.s32 $0xFFFFFFFF  }
0x2d: {  	_ =	strace $0x9000004B  }
0x2e: {  	_ =	sfence  }
0x2f: {  	s30 =	sld [smem:$0x0];
	_ =	sdelay $0x2  }
0x30: {  	s31 =	sshll.u32 s1, $0xD;
	s1 =	sshrl.u32 s1, $0x2  }
0x31: {  	s3 =	sand.u32 $0x4000, s31;
	s1 =	sadd.s32 s1, s30  }
0x32: {  	s0 =	sor.u32 s3, s0;
	s1 =	sshll.u32 s1, $0x11  }
0x33: {  	s0 =	sor.u32 s1, s0  }
0x34: {  	s0 =	sadd.s32 $0x8F2B, s0  }
0x35: {  	[sflag:s0] =	ssyncadd.remote.s32 $0x1  }
0x36: {  	_ =	sfence.sel $0xFFFF  }
0x37: {  	[dreg:$0x0] =	wrdreg $0xFFFFFFFF;
	(pc) =	sbr.abs _section_cstart, $3  }
0x38: {  	[dreg:$0x1] =	wrdreg $0xFFFFFFFF  }
0x39: {  	_ =	task.clear_ibuf [dreg:s7], $0x2FFFF;
	_ =	strace $0x9FFFFFFF  }
0x3a: {  	(tm) =	ssettm $0x7FFFFFFF  }
0x3b: {  	_ =	shalt  }
tec
execute0_lowered:
.L_overlay_start_1:
0x0: {  	(tag) =	ssettag $0x1  }
0x1: {  	s0 =	stileid.u32;
	s4 =	rddreg [dreg:$0x0]  }
0x2: {  	s3 =	rddreg [dreg:$0x1];
	s7 =	srdreg.scid;
	s8 =	simm.s32 $0x2  }
0x3: {  	s16 =	simm.s32 $0x0;
	s9 =	simm.s32 $0xC000;
	s10 =	simm.s32 $0x0  }
0x4: {  	s17 =	simm.s32 $0x0;
	s19 =	simm.s32 $0x0;
	s1 =	sshll.u32 s0, $0x7  }
0x5: {  	s18 =	simm.s32 $0x0;
	s11 =	simm.s32 $0x0;
	s2 =	sand.u32 $0x380, s1  }
0x6: {  	s12 =	simm.s32 $0x0;
	s15 =	simm.s32 $0x0;
	s5 =	ssub.s32 $0x400, s2  }
0x7: {  	s4 =	sadd.s32 $0x1200, s4;
	s7 =	sshll.u32 s7, $0x4;
	s6 =	sand.u32 $0x380, s5  }
0x8: {  	s1 =	rddreg [dreg:$0x2];
	p0 =	sne.s32 s6, $0x0;
	s6 =	simm.s32 $0x1  }
.Ltmp0:
0x9: {  	s5 =	sshrl.u32 s5, $0xA;
	s6 =	simm.s32 @!p0 $0x0;
	(pc) =	sbr.rel .LBB1_1-.Ltmp0, $4  }
0xa: {  	_ =	strace $0x8000004A;
	s7 =	sand.u32 $0x10, s7;
	s6 =	sadd.s32 s6, s5  }
0xb: {  	s7 =	sor.u32 s0, s7;
	s5 =	simm.s32 $0x1;
	s6 =	smul.u32 $0x60, s6  }
0xc: {  	s14 =	smov.u32 s2;
	s7 =	sshrl.u32 s7, $0x3;
	[sflag:s5] =	ssyncpa.u1 $0x0  }
0xd: {  	s13 =	smov.u32 s7;
	[sflag:s8] =	ssyncpa.u1 $0x0;
	s8 =	sor.u32 $0x1, s6  }
.LBB1_4:
0xe: {  	_ =	sdelay $0x3  }
0xf: {  	[tilespmem:v0+s22+$0xFFFFFFA0 ss:$0x1] =	vst.idx.msk $0xffff, v6  }
0x10: {  	v56 =	vld.idx.msk [tilespmem:v1+s21+$0x30 ss:$0x1], $0xffff;
	[tilespmem:v0+s22+$0xFFFFFFB0 ss:$0x1] =	vst.idx.msk $0xffff, v4  }
0x11: {  	v57 =	vld.idx.msk [tilespmem:v1+s21+$0xFFFFFFC0 ss:$0x1], $0xffff;
	[tilespmem:v0+s22+$0xFFFFFFC0 ss:$0x1] =	vst.idx.msk $0xffff, v2  }
0x12: {  	v58 =	vld.idx.msk [tilespmem:v1+s21+$0xFFFFFFD0 ss:$0x1], $0xffff;
	[tilespmem:v0+s22+$0xFFFFFFD0 ss:$0x1] =	vst.idx.msk $0xffff, v3  }
0x13: {  	v59 =	vld.idx.msk [tilespmem:v1+s21+$0xFFFFFFE0 ss:$0x1], $0xffff;
	[tilespmem:v0+s22+$0xFFFFFFE0 ss:$0x1] =	vst.idx.msk $0xffff, v5  }
0x14: {  	v60 =	vld.idx.msk [tilespmem:v1+s21+$0xFFFFFFF0 ss:$0x1], $0xffff;
	[tilespmem:v0+s22+$0xFFFFFFF0 ss:$0x1] =	vst.idx.msk $0xffff, v7  }
0x15: {  	s27 =	sshll.u32 s19, $0x9;
	s23 =	sshll.u32 s16, $0x3;
	v61 =	vld.idx.msk [tilespmem:v1+s21+$0x0 ss:$0x1], $0xffff;
	s24 =	sand.u32 $0x78, s16;
	[tilespmem:v0+s21+$0x0 ss:$0x1] =	vst.idx.msk $0xffff, v56  }
0x16: {  	v62 =	vld.idx.msk [tilespmem:v1+s21+$0x10 ss:$0x1], $0xffff;
	s28 =	sshll.u32 s19, $0x7;
	s18 =	smul.u32 $0x1800, s18;
	s17 =	sshll.u32 s17, $0xB;
	[tilespmem:v0+s21+$0xFFFFFF90 ss:$0x1] =	vst.idx.msk $0xffff, v57  }
0x17: {  	v63 =	vld.idx.msk [tilespmem:v1+s21+$0x20 ss:$0x1], $0xffff;
	s30 =	sand.u32 $0x7, s16;
	s22 =	sand.u32 $0x3000, s27;
	s23 =	sand.u32 $0x3C00, s23;
	[tilespmem:v0+s21+$0xFFFFFFA0 ss:$0x1] =	vst.idx.msk $0xffff, v58  }
0x18: {  	s29 =	sand.u32 $0x200, s28;
	s19 =	sand.u32 $0x180, s28;
	s22 =	sadd.s32 s22, s23;
	[tilespmem:v0+s21+$0xFFFFFFB0 ss:$0x1] =	vst.idx.msk $0xffff, v59  }
0x19: {  	s19 =	sor.u32 s19, s24;
	s18 =	sadd.s32 s3, s18;
	s22 =	sor.u32 s29, s22;
	[tilespmem:v0+s21+$0xFFFFFFC0 ss:$0x1] =	vst.idx.msk $0xffff, v60  }
0x1a: {  	s19 =	sshrl.u32 s19, $0x3;
	s17 =	sadd.s32 s17, s18;
	s22 =	sshrl.u32 s22, $0x3;
	[tilespmem:v0+s21+$0xFFFFFFD0 ss:$0x1] =	vst.idx.msk $0xffff, v61  }
0x1b: {  	s16 =	sshll.u32 s30, $0x12;
	s17 =	sadd.s32 s19, s17;
	[tilespmem:v0+s21+$0xFFFFFFE0 ss:$0x1] =	vst.idx.msk $0xffff, v62;
	s31 =	sand.u32 $0x7C0, s22  }
0x1c: {  	s16 =	sor.u32 $0x80, s16;
	[tilespmem:v0+s21+$0xFFFFFFF0 ss:$0x1] =	vst.idx.msk $0xffff, v63;
	s17 =	sadd.s32 s31, s17  }
0x1d: {  	[hbm4b:s17+s16] =	stream.strided.scatter [tilespmem:s20], [sflag:$0x2], $0x4000, s9, s16, $0x38;
	[tilespmem:$0x10000] =	vst v63  }
.LBB1_5:
0x1e: {  	s20 =	sadd.s32 $0x80, s11  }
0x1f: {  	s16 =	simm.s32 $0x1;
	p1 =	sgt.s32 s20, $0x1FF  }
0x20: {  	s16 =	simm.s32 @!p1 $0x0  }
0x21: {  	s21 =	sadd.s32 s16, s12  }
0x22: {  	s22 =	smov.u32 s13;
	s16 =	sadd.s32 $0x4, s13;
	p2 =	sgt.s32 s21, $0x2  }
0x23: {  	s22 =	smov.u32 @p2 s16  }
0x24: {  	s23 =	smov.u32 s14;
	s16 =	sadd.s32 $0x400, s14;
	p3 =	sgt.s32 s22, $0x1F  }
0x25: {  	p0 =	slt.u32 s15, $0x2;
	s23 =	smov.u32 @p3 s16  }
0x26: {  	s17 =	smov.u32 s12;
	s20 =	simm.s32 @p1 $0x0;
	p1 =	sgt.s32 s23, $0x3FF  }
0x27: {  	s24 =	simm.s32 @!p0 $0x2;
	s23 =	smov.u32 @p1 s2;
	p1 =	sne.s32 s15, s8  }
.Ltmp1:
0x28: {  	s19 =	smov.u32 s13;
	_ =	swait.ge @!p0 [sflag:s24], $0x4000;
	(pc) =	sbr.rel @!p1 .LBB1_6-.Ltmp1, $4  }
0x29: {  	s18 =	smov.u32 s14;
	[sflag:s24] =	ssyncset.done @!p0 $0x0;
	s21 =	simm.s32 @p2 $0x0  }
0x2a: {  	s10 =	sadd.s32 $0x4000, s10;
	[sflag:s24] =	ssyncadd.s32 @!p0 $0xFFFFC000;
	s12 =	smov.u32 s21  }
0x2b: {  	s22 =	smov.u32 @p3 s7;
	s16 =	smov.u32 s11;
	s11 =	smov.u32 s20  }
0x2c: {  	s13 =	smov.u32 s22;
	s15 =	sadd.s32 $0x1, s15;
	s14 =	smov.u32 s23  }
.LBB1_1:
0x2d: {  	p0 =	sge.u32 s15, s6  }
0x2e: {  	s31 =	sadd.s32 $0xFFFFFFFF, s15;
	s20 =	sxor.u32 @!p0 $0xFFFFFFFF, s15;
	s21 =	sshll.u32 @!p0 s12, $0x7  }
0x2f: {  	s22 =	sand.u32 @!p0 $0x78, s11;
	s23 =	sshll.u32 @!p0 s13, $0x8;
	s21 =	sand.u32 @!p0 $0x180, s21  }
0x30: {  	s24 =	sshrl.u32 @!p0 s11, $0x1;
	s21 =	sor.u32 @!p0 s22, s21;
	s22 =	sshll.u32 @!p0 s14, $0xD  }
0x31: {  	s20 =	sshll.u32 @!p0 s20, $0xE;
	s24 =	sand.u32 @!p0 $0xC0, s24;
	s22 =	sadd.s32 @!p0 s4, s22  }
0x32: {  	s20 =	sand.u32 @!p0 $0x4000, s20;
	s22 =	sadd.s32 @!p0 s23, s22;
	s23 =	sand.u32 @!p0 $0x7, s11  }
0x33: {  	s21 =	sshrl.u32 @!p0 s21, $0x3;
	s22 =	sadd.s32 @!p0 s24, s22;
	s23 =	sshll.u32 @!p0 s23, $0x12  }
0x34: {  	s21 =	sadd.s32 @!p0 s21, s22;
	s22 =	sor.u32 @!p0 $0x80, s23;
	s23 =	simm.s32 @!p0 $0x10000  }
0x35: {  	[tilespmem:s20], [sflag:$0x1] =	stream.strided.gather @!p0 [hbm4b:s21+s22], $0x4000, s23, s22, $0x38;
	[tilespmem:$0x10000] =	vst v63  }
0x36: {  	p0 =	sge.u32 s31, s6  }
.Ltmp2:
0x37: {  	_ = 	snop;
	(pc) =	sbr.rel @p0 .LBB1_5-.Ltmp2, $1  }
0x38: {  	_ =	sdelay $0x3  }
0x39: {  	s20 =	sand.u32 $0x4000, s10  }
0x3a: {  	s21 =	sor.u32 $0x40, s20  }
0x3b: {  	v1 =	vmov s21;
	_ =	sdelay $0x1  }
0x3c: {  	_ =	swait.ge [sflag:s5], $0x4000  }
0x3d: {  	[sflag:s5] =	ssyncset.done $0x0  }
0x3e: {  	s22 =	simm.s32 $0x0;
	[sflag:s5] =	ssyncadd.s32 $0xFFFFC000  }
0x3f: {  	s20 =	sor.u32 $0x8070, s20;
	v7 =	vld.idx.msk [tilespmem:v1+s22+$0x30 ss:$0x1], $0xffff  }
0x40: {  	v0 =	vmov s20;
	v8 =	vld.idx.msk [tilespmem:v1+s22+$0xFFFFFFC0 ss:$0x1], $0xffff  }
0x41: {  	v6 =	vld.idx.msk [tilespmem:v1+s22+$0xFFFFFFD0 ss:$0x1], $0xffff  }
0x42: {  	v4 =	vld.idx.msk [tilespmem:v1+s22+$0xFFFFFFE0 ss:$0x1], $0xffff  }
0x43: {  	v2 =	vld.idx.msk [tilespmem:v1+s22+$0xFFFFFFF0 ss:$0x1], $0xffff  }
0x44: {  	s31 =	sshll.u32 s15, $0xE;
	v3 =	vld.idx.msk [tilespmem:v1+s22+$0x0 ss:$0x1], $0xffff  }
0x45: {  	s20 =	sand.u32 $0x4000, s31;
	v5 =	vld.idx.msk [tilespmem:v1+s22+$0x10 ss:$0x1], $0xffff;
	[tilespmem:v0+s22+$0x0 ss:$0x1] =	vst.idx.msk $0xffff, v7  }
0x46: {  	s23 =	simm.s32 $0x400;
	s21 =	simm.s32 $0x80;
	s20 =	sor.u32 $0x8000, s20;
	[tilespmem:v0+s22+$0xFFFFFF90 ss:$0x1] =	vst.idx.msk $0xffff, v8;
	v7 =	vld.idx.msk [tilespmem:v1+s22+$0x20 ss:$0x1], $0xffff  }
.LBB1_3:
0x47: {  	p0 =	sne.s32 s23, $0xFE00;
	v8 =	vld.idx.msk [tilespmem:v1+s21+$0x30 ss:$0x1], $0xffff;
	[tilespmem:v0+s22+$0xFFFFFFA0 ss:$0x1] =	vst.idx.msk $0xffff, v6  }
0x48: {  	v9 =	vld.idx.msk [tilespmem:v1+s21+$0xFFFFFFC0 ss:$0x1], $0xffff;
	[tilespmem:v0+s22+$0xFFFFFFB0 ss:$0x1] =	vst.idx.msk $0xffff, v4  }
0x49: {  	v6 =	vld.idx.msk [tilespmem:v1+s21+$0xFFFFFFD0 ss:$0x1], $0xffff;
	[tilespmem:v0+s22+$0xFFFFFFC0 ss:$0x1] =	vst.idx.msk $0xffff, v2  }
.Ltmp3:
0x4a: {  	v4 =	vld.idx.msk [tilespmem:v1+s21+$0xFFFFFFE0 ss:$0x1], $0xffff;
	[tilespmem:v0+s22+$0xFFFFFFD0 ss:$0x1] =	vst.idx.msk $0xffff, v3;
	(pc) =	sbr.rel @p0 .LBB1_3-.Ltmp3, $4  }
0x4b: {  	v2 =	vld.idx.msk [tilespmem:v1+s21+$0xFFFFFFF0 ss:$0x1], $0xffff;
	[tilespmem:v0+s22+$0xFFFFFFE0 ss:$0x1] =	vst.idx.msk $0xffff, v5  }
0x4c: {  	v3 =	vld.idx.msk [tilespmem:v1+s21+$0x0 ss:$0x1], $0xffff;
	[tilespmem:v0+s22+$0xFFFFFFF0 ss:$0x1] =	vst.idx.msk $0xffff, v7;
	s22 =	smov.u32 s21  }
0x4d: {  	v5 =	vld.idx.msk [tilespmem:v1+s22+$0x10 ss:$0x1], $0xffff;
	[tilespmem:v0+s22+$0x0 ss:$0x1] =	vst.idx.msk $0xffff, v8  }
0x4e: {  	s21 =	sshra.s32 s23, $0x2;
	s23 =	sadd.s32 $0x200, s23;
	[tilespmem:v0+s22+$0xFFFFFF90 ss:$0x1] =	vst.idx.msk $0xffff, v9;
	v7 =	vld.idx.msk [tilespmem:v1+s22+$0x20 ss:$0x1], $0xffff  }
.Ltmp4:
0x4f: {  	_ = 	snop;
	(pc) =	sbr.rel .LBB1_4-.Ltmp4, $1  }
0x50: {  	_ =	sdelay $0x3  }
.LBB1_6:
0x51: {  	_ =	sfence.sel $0x180000  }
0x52: {  	s2 =	simm.s32 $0x1;
	[bflag:$0x0] =	sbarrier.arrive $0xFFFF  }
0x53: {  	s31 =	simm.s32 $0x2;
	[sflag:s2] =	ssyncpa.u1 $0x1  }
0x54: {  	[sflag:s31] =	ssyncpa.u1 $0x1  }
0x55: {  	p0 =	sne.s32 s0, $0x0;
	_ =	strace $0x9000004A  }
0x56: {  	s0 =	sadd.s32 @!p0 $0x100000, s1;
	[bflag:$0x2] =	sbarrier.arrive $0xFFFF  }
0x57: {  	[sflag:s0] =	ssyncadd.tile.s32 @!p0 $0x1;
	_ =	shalt  }
.Lfunc_end1:
_tile_overlayer_lowered:
.L_overlay_start_2:
0x58: {  	(tag) =	ssettag $0x2  }
0x59: {  	s0 =	rddreg [dreg:$0x0];
	s2 =	stileid.u32  }
0x5a: {  	s1 =	rddreg [dreg:$0x1];
	p0 =	sne.s32 s2, $0x0  }
0x5b: {  	s3 =	rddreg [dreg:$0x2];
	[bflag:$0x3] =	sbarrier.arrive $0xFFFF;
	s2 =	simm.s32 @!p0 $0x1C01  }
0x5c: {  	[timem:s3], [sflag:s2] =	dma.local @!p0 [hbm:s0], s1  }
0x5d: {  	s0 =	simm.s32 @!p0 $0x1  }
0x5e: {  	_ =	swait.ge @!p0 [sflag:s0], s1  }
0x5f: {  	s1 =	ssub.s32 @!p0 $0x0, s1;
	[sflag:s0] =	ssyncset.done @!p0 $0x0  }
0x60: {  	[sflag:s0] =	ssyncadd.s32 @!p0 s1  }
0x61: {  	[bflag:$0x3] =	sbarrier.arrive $0xFFFF  }
0x62: {  	_ =	shalt  }

</sc_bundles>
